<compile_context>
chip_gen: v7x
topology: tpu7x:2x2x1
jax: 0.10.2.dev20260603
libtpu: 0.0.44.dev20260713+nightly
codegen_flags: <defaults>
</compile_context>

<pallas_src>
import functools

import jax
import jax.numpy as jnp
from jax import lax
from jax.experimental import pallas as pl
from jax.experimental.pallas import tpu as pltpu
from jax.experimental.pallas import tpu_sc as plsc

N = 10000
E = 320000
D = 128
G = 128

NC = 2
NS = 16
NT = NC * NS
EPT = E // NT
KD = 128
EPP = 10240
NCHD = EPP // KD
K = 80
NCHUNK = EPT // K
NP = 10240
RPT = NP // NS
ZR = 128

BN = 1000
NBLK = N // BN


def _sc_mesh():
    return plsc.VectorSubcoreMesh(core_axis_name="c", subcore_axis_name="s")


@functools.partial(
    pl.kernel,
    mesh=_sc_mesh(),
    out_type=jax.ShapeDtypeStruct((NC, NP, 16), jnp.float32),
    scratch_types=[
        pltpu.VMEM((NCHD, KD), jnp.int32),
        pltpu.VMEM((KD, 16), jnp.float32),
        pltpu.VMEM((ZR, 16), jnp.float32),
        pltpu.VMEM_SHARED((NP, 16), jnp.float32),
    ],
)
def _sc_degree(dst_hbm, out_hbm, dsts, ones_v, zbuf, deg_sh):
    c = lax.axis_index("c")
    s = lax.axis_index("s")
    t = c * NS + s

    pltpu.sync_copy(dst_hbm.at[t], dsts)

    def fill(i, _):
        ones_v[i, :] = jnp.ones((16,), jnp.float32)
        return 0

    lax.fori_loop(0, KD, fill, 0)

    def fill2(i, _):
        zbuf[i, :] = jnp.zeros((16,), jnp.float32)
        return 0

    lax.fori_loop(0, ZR, fill2, 0)
    for i in range(RPT // ZR):
        pltpu.sync_copy(zbuf, deg_sh.at[pl.ds(s * RPT + i * ZR, ZR)])
    plsc.subcore_barrier()

    def chunk(j, _):
        pltpu.sync_copy(ones_v, deg_sh.at[dsts.at[j]], add=True)
        return 0

    lax.fori_loop(0, NCHD, chunk, 0)
    plsc.subcore_barrier()
    pltpu.sync_copy(deg_sh.at[pl.ds(s * RPT, RPT)],
                    out_hbm.at[c, pl.ds(s * RPT, RPT)])


@functools.partial(
    pl.kernel,
    mesh=_sc_mesh(),
    out_type=jax.ShapeDtypeStruct((NC, NP, D), jnp.float32),
    scratch_types=[
        pltpu.VMEM((K,), jnp.int32),
        pltpu.VMEM((K,), jnp.int32),
        pltpu.VMEM((K,), jnp.int32),
        pltpu.VMEM((K,), jnp.int32),
        pltpu.VMEM((K, D), jnp.float32),
        pltpu.VMEM((K, D), jnp.float32),
        pltpu.VMEM_SHARED((NP, D), jnp.float32),
        pltpu.SemaphoreType.DMA,
        pltpu.SemaphoreType.DMA,
    ],
)
def _sc_msgpass(h_hbm, src_hbm, dst_hbm, out_hbm,
                srcv0, dstv0, srcv1, dstv1, rows0, rows1, acc_sh, gs0, gs1):
    c = lax.axis_index("c")
    s = lax.axis_index("s")
    t = c * NS + s

    def zb(i, _):
        for j in range(D // 16):
            rows0[i, pl.ds(j * 16, 16)] = jnp.zeros((16,), jnp.float32)
        return 0

    lax.fori_loop(0, K, zb, 0)
    for i in range(RPT // K):
        pltpu.sync_copy(rows0, acc_sh.at[pl.ds(s * RPT + i * K, K)])
    plsc.subcore_barrier()

    def one(base, srcv, dstv, rows, gs):
        pltpu.sync_copy(src_hbm.at[pl.ds(base, K)], srcv)
        pltpu.sync_copy(dst_hbm.at[pl.ds(base, K)], dstv)
        pltpu.async_copy(h_hbm.at[srcv], rows, gs).wait()
        pltpu.sync_copy(rows, acc_sh.at[dstv], add=True)

    def pair(i, _):
        base = t * EPT + 2 * i * K
        one(base, srcv0, dstv0, rows0, gs0)
        one(base + K, srcv1, dstv1, rows1, gs1)
        return 0

    lax.fori_loop(0, NCHUNK // 2, pair, 0)
    one(t * EPT + (NCHUNK - 1) * K, srcv0, dstv0, rows0, gs0)
    plsc.subcore_barrier()
    pltpu.sync_copy(acc_sh.at[pl.ds(s * RPT, RPT)],
                    out_hbm.at[c, pl.ds(s * RPT, RPT)])


def _t1_body(degp_ref, x_ref, w_ref, h1p_ref, dinv_ref):
    dsum = degp_ref[0, :, 0:1] + degp_ref[1, :, 0:1] + 1.0
    dinv = lax.rsqrt(dsum)
    h = jnp.dot(x_ref[...], w_ref[...], preferred_element_type=jnp.float32)
    h1p_ref[...] = h * dinv
    dinv_ref[...] = dinv


def _t1(degp, x, W1):
    return pl.pallas_call(
        _t1_body,
        grid=(NBLK,),
        in_specs=[
            pl.BlockSpec((NC, BN, 16), lambda i: (0, i, 0)),
            pl.BlockSpec((BN, D), lambda i: (i, 0)),
            pl.BlockSpec((D, D), lambda i: (0, 0)),
        ],
        out_specs=[
            pl.BlockSpec((BN, D), lambda i: (i, 0)),
            pl.BlockSpec((BN, 1), lambda i: (i, 0)),
        ],
        out_shape=[
            jax.ShapeDtypeStruct((N, D), jnp.float32),
            jax.ShapeDtypeStruct((N, 1), jnp.float32),
        ],
    )(degp, x, W1)


def _t2_body(sp_ref, h1p_ref, dinv_ref, x_ref, b1_ref, w2_ref,
             a1_ref, h2p_ref):
    S = sp_ref[0] + sp_ref[1]
    dinv = dinv_ref[...]
    out1 = dinv * (S + h1p_ref[...]) + b1_ref[...]
    a1 = jnp.maximum(out1, 0.0) + x_ref[...]
    a1_ref[...] = a1
    h2p_ref[...] = jnp.dot(
        a1, w2_ref[...], preferred_element_type=jnp.float32) * dinv


def _t2(s1, h1p, dinv, x, b1, W2):
    return pl.pallas_call(
        _t2_body,
        grid=(NBLK,),
        in_specs=[
            pl.BlockSpec((NC, BN, D), lambda i: (0, i, 0)),
            pl.BlockSpec((BN, D), lambda i: (i, 0)),
            pl.BlockSpec((BN, 1), lambda i: (i, 0)),
            pl.BlockSpec((BN, D), lambda i: (i, 0)),
            pl.BlockSpec((1, D), lambda i: (0, 0)),
            pl.BlockSpec((D, D), lambda i: (0, 0)),
        ],
        out_specs=[
            pl.BlockSpec((BN, D), lambda i: (i, 0)),
            pl.BlockSpec((BN, D), lambda i: (i, 0)),
        ],
        out_shape=[
            jax.ShapeDtypeStruct((N, D), jnp.float32),
            jax.ShapeDtypeStruct((N, D), jnp.float32),
        ],
    )(s1, h1p, dinv, x, b1, W2)


def _t3_body(sp_ref, h2p_ref, dinv_ref, a1_ref, b2_ref,
             batch_c_ref, mW1_ref, mb1_ref, mW2_ref, mb2_ref,
             out_ref, maxp_acc, addp_acc):
    i = pl.program_id(0)
    S = sp_ref[0] + sp_ref[1]
    dinv = dinv_ref[...]
    out2 = dinv * (S + h2p_ref[...]) + b2_ref[...]
    a2 = jnp.maximum(out2, 0.0) + a1_ref[...]

    @pl.when(i == 0)
    def _():
        addp_acc[...] = jnp.zeros_like(addp_acc)
        maxp_acc[...] = jnp.full_like(maxp_acc, -jnp.inf)

    bc = batch_c_ref[...]
    gid = lax.broadcasted_iota(jnp.int32, (BN, G), 1)
    mask = (gid == bc).astype(jnp.float32)
    addp_acc[...] += lax.dot_general(
        mask, a2, (((0,), (0,)), ((), ())),
        preferred_element_type=jnp.float32)

    g_lo = bc[0, 0]
    g_hi = bc[BN - 1, 0]

    def mbody(g, _):
        m = bc == g
        v = jnp.where(m, a2, -jnp.inf)
        vmax = jnp.max(v, axis=0, keepdims=True)
        cur = maxp_acc[pl.ds(g, 1), :]
        maxp_acc[pl.ds(g, 1), :] = jnp.maximum(cur, vmax)
        return 0

    lax.fori_loop(g_lo, g_hi + 1, mbody, 0)

    @pl.when(i == NBLK - 1)
    def _():
        z = jnp.concatenate([maxp_acc[...], addp_acc[...]], axis=1)
        zz = jnp.dot(z, mW1_ref[...], preferred_element_type=jnp.float32)
        zz = jnp.maximum(zz + mb1_ref[...], 0.0)
        out_ref[...] = jnp.dot(
            zz, mW2_ref[...], preferred_element_type=jnp.float32) + mb2_ref[...]


def _t3(s2, h2p, dinv, a1, b2, batch_c, mW1, mb1, mW2, mb2):
    return pl.pallas_call(
        _t3_body,
        grid=(NBLK,),
        in_specs=[
            pl.BlockSpec((NC, BN, D), lambda i: (0, i, 0)),
            pl.BlockSpec((BN, D), lambda i: (i, 0)),
            pl.BlockSpec((BN, 1), lambda i: (i, 0)),
            pl.BlockSpec((BN, D), lambda i: (i, 0)),
            pl.BlockSpec((1, D), lambda i: (0, 0)),
            pl.BlockSpec((BN, 1), lambda i: (i, 0)),
            pl.BlockSpec((2 * D, D), lambda i: (0, 0)),
            pl.BlockSpec((1, D), lambda i: (0, 0)),
            pl.BlockSpec((D, D), lambda i: (0, 0)),
            pl.BlockSpec((1, D), lambda i: (0, 0)),
        ],
        out_specs=pl.BlockSpec((G, D), lambda i: (0, 0)),
        out_shape=jax.ShapeDtypeStruct((G, D), jnp.float32),
        scratch_shapes=[
            pltpu.VMEM((G, D), jnp.float32),
            pltpu.VMEM((G, D), jnp.float32),
        ],
    )(s2, h2p, dinv, a1, b2, batch_c, mW1, mb1, mW2, mb2)


def kernel(x, edge_index, edge_attr, batch, W1, b1, W2, b2,
           mW1, mb1, mW2, mb2):
    dst2 = edge_index[1].reshape(NT, EPT)
    dst3d = jnp.pad(dst2, ((0, 0), (0, EPP - EPT)),
                    constant_values=N).reshape(NT, NCHD, KD)
    batch_c = batch.reshape(N, 1)

    src1 = edge_index[0]
    dst1 = edge_index[1]
    degp = _sc_degree(dst3d)
    h1p, dinv = _t1(degp, x, W1)
    s1 = _sc_msgpass(h1p, src1, dst1)
    a1, h2p = _t2(s1, h1p, dinv, x, b1.reshape(1, D), W2)
    s2 = _sc_msgpass(h2p, src1, dst1)
    return _t3(s2, h2p, dinv, a1, b2.reshape(1, D), batch_c,
               mW1, mb1.reshape(1, D), mW2, mb2.reshape(1, D))

# --- scband reference (transcript-rebuilt; emitter-appended) ---
"""Pipeline reference for scband-graph-convolutional-network-58420145160904 (READ-ONLY COPY).

The authoritative reference and input builder live on the scoring server;
editing this copy changes nothing except your own understanding.
"""

import jax, jax.numpy as jnp
import numpy as np

N = 10000
E = 320000
D = 128
G = 128

def setup_inputs(seed: int = 0):
    key = jax.random.key(seed)
    ks = jax.random.split(key, 12)
    x = jax.random.normal(ks[0], (N, D), dtype=jnp.float32)
    edge_index = jax.random.randint(ks[1], (2, E), 0, N, dtype=jnp.int32)
    edge_attr = jax.random.normal(ks[2], (E, 4), dtype=jnp.float32)
    batch = jnp.sort(jax.random.randint(ks[3], (N,), 0, G, dtype=jnp.int32))
    W1 = jax.random.normal(ks[4], (D, D), dtype=jnp.float32) * 0.05
    b1 = jnp.zeros((D,), dtype=jnp.float32)
    W2 = jax.random.normal(ks[5], (D, D), dtype=jnp.float32) * 0.05
    b2 = jnp.zeros((D,), dtype=jnp.float32)
    mW1 = jax.random.normal(ks[6], (2 * D, D), dtype=jnp.float32) * 0.05
    mb1 = jnp.zeros((D,), dtype=jnp.float32)
    mW2 = jax.random.normal(ks[7], (D, D), dtype=jnp.float32) * 0.05
    mb2 = jnp.zeros((D,), dtype=jnp.float32)
    return {"x": x, "edge_index": edge_index, "edge_attr": edge_attr, "batch": batch, "W1": W1, "b1": b1, "W2": W2, "b2": b2, "mW1": mW1, "mb1": mb1, "mW2": mW2, "mb2": mb2}

def _gcn_conv(x, src, dst, W, b):
    n = x.shape[0]
    loop = jnp.arange(n, dtype=src.dtype)
    s = jnp.concatenate([src, loop])
    d = jnp.concatenate([dst, loop])
    deg = jnp.zeros((n,), dtype=x.dtype).at[d].add(1.0)
    dinv = jax.lax.rsqrt(jnp.maximum(deg, 1.0))
    norm = dinv[s] * dinv[d]
    h = x @ W
    msg = h[s] * norm[:, None]
    out = jax.ops.segment_sum(msg, d, num_segments=n)
    return out + b

def reference(x, edge_index, edge_attr, batch, W1, b1, W2, b2, mW1, mb1, mW2, mb2):
    # data dict unpacked: x, edge_index, edge_attr, batch; molecule_features=0 so the
    # molecular head yields an empty tensor that torch.cat skips. edge_attr is not
    # consumed by GCNConv. Dropout/BatchNorm are eval-mode (identity / running stats).
    src, dst = edge_index[0], edge_index[1]
    h = jax.nn.relu(_gcn_conv(x, src, dst, W1, b1)) + x
    h = jax.nn.relu(_gcn_conv(h, src, dst, W2, b2)) + h
    max_pool = jax.ops.segment_max(h, batch, num_segments=G)
    add_pool = jax.ops.segment_sum(h, batch, num_segments=G)
    z = jnp.concatenate([max_pool, add_pool], axis=1)
    z = jax.nn.relu(z @ mW1 + mb1)
    z = z @ mW2 + mb2
    return z

if __name__ == "__main__":
    import jax
    _d = setup_inputs()
    print(jax.jit(kernel)(*tuple(_d.values())))

</pallas_src>

<mosaic_0001>
#map = affine_map<(d0, d1) -> (0, 0, 0)>
module attributes {stable_mosaic.version = 14 : i64} {
  func.func @_sc_degree(%arg0: i32, %arg1: i32, %arg2: memref<32x80x128xi32, #tpu.memory_space<hbm>>, %arg3: memref<2x10240x16xf32, #tpu.memory_space<hbm>>, %arg4: memref<80x128xi32, #tpu.memory_space<vmem>>, %arg5: memref<128x16xf32, #tpu.memory_space<vmem>>, %arg6: memref<128x16xf32, #tpu.memory_space<vmem>>, %arg7: memref<10240x16xf32, #tpu.memory_space<vmem_shared>>) attributes {dimension_semantics = [#tpu.dimension_semantics<core_parallel>, #tpu.dimension_semantics<subcore_parallel>], iteration_bounds = array<i64: 2, 16>, scalar_prefetch = 0 : i64, scratch_operands = 4 : i64, tpu.core_type = #tpu.core_type<sc_vector_subcore>, window_params = [{transform_indices = #map}, {transform_indices = #map}]} {
    %mul3A = arith.constant 16 : i32
    %mul3A_0 = arith.muli %arg0, %mul3A : i32
    %add3A = arith.addi %mul3A_0, %arg1 : i32
    "tpu.region"() ({
      %run_scoped3A = tpu.sem_alloc : memref<!tpu.dma_semaphore, #tpu.memory_space<semaphore_mem>>
      %dma_start3A = arith.constant 0 : i32
      %dma_start3A_46 = arith.constant 0 : i32
      %dma_start3A_47 = tpu.memref_slice %arg2[%add3A, %dma_start3A, %dma_start3A_46] : memref<32x80x128xi32, #tpu.memory_space<hbm>> -> memref<1x80x128xi32, #tpu.memory_space<hbm>>
      %dma_start3A_48 = tpu.memref_squeeze %dma_start3A_47 : memref<1x80x128xi32, #tpu.memory_space<hbm>> -> memref<80x128xi32, #tpu.memory_space<hbm>>
      %dma_start3A_49 = arith.constant 0 : i32
      %dma_start3A_50 = arith.constant 0 : i32
      %dma_start3A_51 = tpu.memref_slice %arg2[%add3A, %dma_start3A_49, %dma_start3A_50] : memref<32x80x128xi32, #tpu.memory_space<hbm>> -> memref<1x80x128xi32, #tpu.memory_space<hbm>>
      %dma_start3A_52 = tpu.memref_squeeze %dma_start3A_51 : memref<1x80x128xi32, #tpu.memory_space<hbm>> -> memref<80x128xi32, #tpu.memory_space<hbm>>
      tpu.enqueue_dma source(%dma_start3A_52 : memref<80x128xi32, #tpu.memory_space<hbm>>) target(%arg4 : memref<80x128xi32, #tpu.memory_space<vmem>>) target_semaphore(%run_scoped3A : memref<!tpu.dma_semaphore, #tpu.memory_space<semaphore_mem>>)
      %dma_wait3A = arith.constant 0 : i32
      %dma_wait3A_53 = arith.constant 0 : i32
      %dma_wait3A_54 = tpu.memref_slice %arg2[%add3A, %dma_wait3A, %dma_wait3A_53] : memref<32x80x128xi32, #tpu.memory_space<hbm>> -> memref<1x80x128xi32, #tpu.memory_space<hbm>>
      %dma_wait3A_55 = tpu.memref_squeeze %dma_wait3A_54 : memref<1x80x128xi32, #tpu.memory_space<hbm>> -> memref<80x128xi32, #tpu.memory_space<hbm>>
      %dma_wait3A_56 = arith.constant 0 : i32
      %dma_wait3A_57 = arith.constant 0 : i32
      %dma_wait3A_58 = tpu.memref_slice %arg2[%add3A, %dma_wait3A_56, %dma_wait3A_57] : memref<32x80x128xi32, #tpu.memory_space<hbm>> -> memref<1x80x128xi32, #tpu.memory_space<hbm>>
      %dma_wait3A_59 = tpu.memref_squeeze %dma_wait3A_58 : memref<1x80x128xi32, #tpu.memory_space<hbm>> -> memref<80x128xi32, #tpu.memory_space<hbm>>
      tpu.wait_dma2 semaphore(%run_scoped3A : memref<!tpu.dma_semaphore, #tpu.memory_space<semaphore_mem>>) src(%dma_wait3A_59 : memref<80x128xi32, #tpu.memory_space<hbm>>) dst(%arg4 : memref<80x128xi32, #tpu.memory_space<vmem>>)
      tpu.yield
    }) : () -> ()
    %scan3A = arith.constant 0 : i32
    %scan3A_1 = arith.constant 0 : i32
    %scan3A_2 = arith.constant 128 : i32
    %scan3A_3 = arith.addi %scan3A_1, %scan3A_2 : i32
    %scan3A_4 = arith.constant 1 : i32
    %scan3A_5 = scf.for %scan3A_46 = %scan3A_1 to %scan3A_3 step %scan3A_4 iter_args(%scan3A_47 = %scan3A) -> (i32)  : i32 {
      %broadcast_in_dim3A = arith.constant 1.000000e+00 : f32
      %broadcast_in_dim3A_48 = vector.broadcast %broadcast_in_dim3A : f32 to vector<16xf32>
      %swap3A = arith.index_cast %scan3A_46 : i32 to index
      %swap3A_49 = arith.constant 0 : index
      %swap3A_50 = tpu.vector_load %arg5[%swap3A, %swap3A_49] {strides = array<i32>} : memref<128x16xf32, #tpu.memory_space<vmem>>, vector<1x16xf32>,
      %swap3A_51 = vector.shape_cast %swap3A_50 : vector<1x16xf32> to vector<16xf32>
      %swap3A_52 = vector.shape_cast %broadcast_in_dim3A_48 : vector<16xf32> to vector<1x16xf32>
      tpu.vector_store %arg5[%swap3A, %swap3A_49], %swap3A_52 {strides = array<i32>} : memref<128x16xf32, #tpu.memory_space<vmem>>, vector<1x16xf32>,
      %scan3A_53 = arith.constant 0 : i32
      scf.yield %scan3A_53 : i32
    }
    %scan3A_6 = arith.constant 128 : i32
    %scan3A_7 = arith.constant 0 : i32
    %scan3A_8 = arith.constant 0 : i32
    %scan3A_9 = arith.constant 128 : i32
    %scan3A_10 = arith.addi %scan3A_8, %scan3A_9 : i32
    %scan3A_11 = arith.constant 1 : i32
    %scan3A_12 = scf.for %scan3A_46 = %scan3A_8 to %scan3A_10 step %scan3A_11 iter_args(%scan3A_47 = %scan3A_7) -> (i32)  : i32 {
      %broadcast_in_dim3A = arith.constant 0.000000e+00 : f32
      %broadcast_in_dim3A_48 = vector.broadcast %broadcast_in_dim3A : f32 to vector<16xf32>
      %swap3A = arith.index_cast %scan3A_46 : i32 to index
      %swap3A_49 = arith.constant 0 : index
      %swap3A_50 = tpu.vector_load %arg6[%swap3A, %swap3A_49] {strides = array<i32>} : memref<128x16xf32, #tpu.memory_space<vmem>>, vector<1x16xf32>,
      %swap3A_51 = vector.shape_cast %swap3A_50 : vector<1x16xf32> to vector<16xf32>
      %swap3A_52 = vector.shape_cast %broadcast_in_dim3A_48 : vector<16xf32> to vector<1x16xf32>
      tpu.vector_store %arg6[%swap3A, %swap3A_49], %swap3A_52 {strides = array<i32>} : memref<128x16xf32, #tpu.memory_space<vmem>>, vector<1x16xf32>,
      %scan3A_53 = arith.constant 0 : i32
      scf.yield %scan3A_53 : i32
    }
    %scan3A_13 = arith.constant 128 : i32
    %mul3A_14 = arith.constant 640 : i32
    %mul3A_15 = arith.muli %arg1, %mul3A_14 : i32
    %add3A_16 = arith.constant 0 : i32
    %add3A_17 = arith.addi %mul3A_15, %add3A_16 : i32
    "tpu.region"() ({
      %run_scoped3A = tpu.sem_alloc : memref<!tpu.dma_semaphore, #tpu.memory_space<semaphore_mem>>
      %dma_start3A = arith.constant 0 : i32
      %dma_start3A_46 = tpu.memref_slice %arg7[%add3A_17, %dma_start3A] : memref<10240x16xf32, #tpu.memory_space<vmem_shared>> -> memref<128x16xf32, #tpu.memory_space<vmem_shared>>
      %dma_start3A_47 = arith.constant 0 : i32
      %dma_start3A_48 = tpu.memref_slice %arg7[%add3A_17, %dma_start3A_47] : memref<10240x16xf32, #tpu.memory_space<vmem_shared>> -> memref<128x16xf32, #tpu.memory_space<vmem_shared>>
      tpu.enqueue_dma source(%arg6 : memref<128x16xf32, #tpu.memory_space<vmem>>) target(%dma_start3A_48 : memref<128x16xf32, #tpu.memory_space<vmem_shared>>) target_semaphore(%run_scoped3A : memref<!tpu.dma_semaphore, #tpu.memory_space<semaphore_mem>>)
      %dma_wait3A = arith.constant 0 : i32
      %dma_wait3A_49 = tpu.memref_slice %arg7[%add3A_17, %dma_wait3A] : memref<10240x16xf32, #tpu.memory_space<vmem_shared>> -> memref<128x16xf32, #tpu.memory_space<vmem_shared>>
      %dma_wait3A_50 = arith.constant 0 : i32
      %dma_wait3A_51 = tpu.memref_slice %arg7[%add3A_17, %dma_wait3A_50] : memref<10240x16xf32, #tpu.memory_space<vmem_shared>> -> memref<128x16xf32, #tpu.memory_space<vmem_shared>>
      tpu.wait_dma2 semaphore(%run_scoped3A : memref<!tpu.dma_semaphore, #tpu.memory_space<semaphore_mem>>) src(%arg6 : memref<128x16xf32, #tpu.memory_space<vmem>>) dst(%dma_wait3A_51 : memref<128x16xf32, #tpu.memory_space<vmem_shared>>)
      tpu.yield
    }) : () -> ()
    %mul3A_18 = arith.constant 640 : i32
    %mul3A_19 = arith.muli %arg1, %mul3A_18 : i32
    %add3A_20 = arith.constant 128 : i32
    %add3A_21 = arith.addi %mul3A_19, %add3A_20 : i32
    "tpu.region"() ({
      %run_scoped3A = tpu.sem_alloc : memref<!tpu.dma_semaphore, #tpu.memory_space<semaphore_mem>>
      %dma_start3A = arith.constant 0 : i32
      %dma_start3A_46 = tpu.memref_slice %arg7[%add3A_21, %dma_start3A] : memref<10240x16xf32, #tpu.memory_space<vmem_shared>> -> memref<128x16xf32, #tpu.memory_space<vmem_shared>>
      %dma_start3A_47 = arith.constant 0 : i32
      %dma_start3A_48 = tpu.memref_slice %arg7[%add3A_21, %dma_start3A_47] : memref<10240x16xf32, #tpu.memory_space<vmem_shared>> -> memref<128x16xf32, #tpu.memory_space<vmem_shared>>
      tpu.enqueue_dma source(%arg6 : memref<128x16xf32, #tpu.memory_space<vmem>>) target(%dma_start3A_48 : memref<128x16xf32, #tpu.memory_space<vmem_shared>>) target_semaphore(%run_scoped3A : memref<!tpu.dma_semaphore, #tpu.memory_space<semaphore_mem>>)
      %dma_wait3A = arith.constant 0 : i32
      %dma_wait3A_49 = tpu.memref_slice %arg7[%add3A_21, %dma_wait3A] : memref<10240x16xf32, #tpu.memory_space<vmem_shared>> -> memref<128x16xf32, #tpu.memory_space<vmem_shared>>
      %dma_wait3A_50 = arith.constant 0 : i32
      %dma_wait3A_51 = tpu.memref_slice %arg7[%add3A_21, %dma_wait3A_50] : memref<10240x16xf32, #tpu.memory_space<vmem_shared>> -> memref<128x16xf32, #tpu.memory_space<vmem_shared>>
      tpu.wait_dma2 semaphore(%run_scoped3A : memref<!tpu.dma_semaphore, #tpu.memory_space<semaphore_mem>>) src(%arg6 : memref<128x16xf32, #tpu.memory_space<vmem>>) dst(%dma_wait3A_51 : memref<128x16xf32, #tpu.memory_space<vmem_shared>>)
      tpu.yield
    }) : () -> ()
    %mul3A_22 = arith.constant 640 : i32
    %mul3A_23 = arith.muli %arg1, %mul3A_22 : i32
    %add3A_24 = arith.constant 256 : i32
    %add3A_25 = arith.addi %mul3A_23, %add3A_24 : i32
    "tpu.region"() ({
      %run_scoped3A = tpu.sem_alloc : memref<!tpu.dma_semaphore, #tpu.memory_space<semaphore_mem>>
      %dma_start3A = arith.constant 0 : i32
      %dma_start3A_46 = tpu.memref_slice %arg7[%add3A_25, %dma_start3A] : memref<10240x16xf32, #tpu.memory_space<vmem_shared>> -> memref<128x16xf32, #tpu.memory_space<vmem_shared>>
      %dma_start3A_47 = arith.constant 0 : i32
      %dma_start3A_48 = tpu.memref_slice %arg7[%add3A_25, %dma_start3A_47] : memref<10240x16xf32, #tpu.memory_space<vmem_shared>> -> memref<128x16xf32, #tpu.memory_space<vmem_shared>>
      tpu.enqueue_dma source(%arg6 : memref<128x16xf32, #tpu.memory_space<vmem>>) target(%dma_start3A_48 : memref<128x16xf32, #tpu.memory_space<vmem_shared>>) target_semaphore(%run_scoped3A : memref<!tpu.dma_semaphore, #tpu.memory_space<semaphore_mem>>)
      %dma_wait3A = arith.constant 0 : i32
      %dma_wait3A_49 = tpu.memref_slice %arg7[%add3A_25, %dma_wait3A] : memref<10240x16xf32, #tpu.memory_space<vmem_shared>> -> memref<128x16xf32, #tpu.memory_space<vmem_shared>>
      %dma_wait3A_50 = arith.constant 0 : i32
      %dma_wait3A_51 = tpu.memref_slice %arg7[%add3A_25, %dma_wait3A_50] : memref<10240x16xf32, #tpu.memory_space<vmem_shared>> -> memref<128x16xf32, #tpu.memory_space<vmem_shared>>
      tpu.wait_dma2 semaphore(%run_scoped3A : memref<!tpu.dma_semaphore, #tpu.memory_space<semaphore_mem>>) src(%arg6 : memref<128x16xf32, #tpu.memory_space<vmem>>) dst(%dma_wait3A_51 : memref<128x16xf32, #tpu.memory_space<vmem_shared>>)
      tpu.yield
    }) : () -> ()
    %mul3A_26 = arith.constant 640 : i32
    %mul3A_27 = arith.muli %arg1, %mul3A_26 : i32
    %add3A_28 = arith.constant 384 : i32
    %add3A_29 = arith.addi %mul3A_27, %add3A_28 : i32
    "tpu.region"() ({
      %run_scoped3A = tpu.sem_alloc : memref<!tpu.dma_semaphore, #tpu.memory_space<semaphore_mem>>
      %dma_start3A = arith.constant 0 : i32
      %dma_start3A_46 = tpu.memref_slice %arg7[%add3A_29, %dma_start3A] : memref<10240x16xf32, #tpu.memory_space<vmem_shared>> -> memref<128x16xf32, #tpu.memory_space<vmem_shared>>
      %dma_start3A_47 = arith.constant 0 : i32
      %dma_start3A_48 = tpu.memref_slice %arg7[%add3A_29, %dma_start3A_47] : memref<10240x16xf32, #tpu.memory_space<vmem_shared>> -> memref<128x16xf32, #tpu.memory_space<vmem_shared>>
      tpu.enqueue_dma source(%arg6 : memref<128x16xf32, #tpu.memory_space<vmem>>) target(%dma_start3A_48 : memref<128x16xf32, #tpu.memory_space<vmem_shared>>) target_semaphore(%run_scoped3A : memref<!tpu.dma_semaphore, #tpu.memory_space<semaphore_mem>>)
      %dma_wait3A = arith.constant 0 : i32
      %dma_wait3A_49 = tpu.memref_slice %arg7[%add3A_29, %dma_wait3A] : memref<10240x16xf32, #tpu.memory_space<vmem_shared>> -> memref<128x16xf32, #tpu.memory_space<vmem_shared>>
      %dma_wait3A_50 = arith.constant 0 : i32
      %dma_wait3A_51 = tpu.memref_slice %arg7[%add3A_29, %dma_wait3A_50] : memref<10240x16xf32, #tpu.memory_space<vmem_shared>> -> memref<128x16xf32, #tpu.memory_space<vmem_shared>>
      tpu.wait_dma2 semaphore(%run_scoped3A : memref<!tpu.dma_semaphore, #tpu.memory_space<semaphore_mem>>) src(%arg6 : memref<128x16xf32, #tpu.memory_space<vmem>>) dst(%dma_wait3A_51 : memref<128x16xf32, #tpu.memory_space<vmem_shared>>)
      tpu.yield
    }) : () -> ()
    %mul3A_30 = arith.constant 640 : i32
    %mul3A_31 = arith.muli %arg1, %mul3A_30 : i32
    %add3A_32 = arith.constant 512 : i32
    %add3A_33 = arith.addi %mul3A_31, %add3A_32 : i32
    "tpu.region"() ({
      %run_scoped3A = tpu.sem_alloc : memref<!tpu.dma_semaphore, #tpu.memory_space<semaphore_mem>>
      %dma_start3A = arith.constant 0 : i32
      %dma_start3A_46 = tpu.memref_slice %arg7[%add3A_33, %dma_start3A] : memref<10240x16xf32, #tpu.memory_space<vmem_shared>> -> memref<128x16xf32, #tpu.memory_space<vmem_shared>>
      %dma_start3A_47 = arith.constant 0 : i32
      %dma_start3A_48 = tpu.memref_slice %arg7[%add3A_33, %dma_start3A_47] : memref<10240x16xf32, #tpu.memory_space<vmem_shared>> -> memref<128x16xf32, #tpu.memory_space<vmem_shared>>
      tpu.enqueue_dma source(%arg6 : memref<128x16xf32, #tpu.memory_space<vmem>>) target(%dma_start3A_48 : memref<128x16xf32, #tpu.memory_space<vmem_shared>>) target_semaphore(%run_scoped3A : memref<!tpu.dma_semaphore, #tpu.memory_space<semaphore_mem>>)
      %dma_wait3A = arith.constant 0 : i32
      %dma_wait3A_49 = tpu.memref_slice %arg7[%add3A_33, %dma_wait3A] : memref<10240x16xf32, #tpu.memory_space<vmem_shared>> -> memref<128x16xf32, #tpu.memory_space<vmem_shared>>
      %dma_wait3A_50 = arith.constant 0 : i32
      %dma_wait3A_51 = tpu.memref_slice %arg7[%add3A_33, %dma_wait3A_50] : memref<10240x16xf32, #tpu.memory_space<vmem_shared>> -> memref<128x16xf32, #tpu.memory_space<vmem_shared>>
      tpu.wait_dma2 semaphore(%run_scoped3A : memref<!tpu.dma_semaphore, #tpu.memory_space<semaphore_mem>>) src(%arg6 : memref<128x16xf32, #tpu.memory_space<vmem>>) dst(%dma_wait3A_51 : memref<128x16xf32, #tpu.memory_space<vmem_shared>>)
      tpu.yield
    }) : () -> ()
    %barrier3A = arith.constant 0 : index
    tpu.barrier barrier_id(%barrier3A)
    %scan3A_34 = arith.constant 0 : i32
    %scan3A_35 = arith.constant 0 : i32
    %scan3A_36 = arith.constant 80 : i32
    %scan3A_37 = arith.addi %scan3A_35, %scan3A_36 : i32
    %scan3A_38 = arith.constant 1 : i32
    %scan3A_39 = scf.for %scan3A_46 = %scan3A_35 to %scan3A_37 step %scan3A_38 iter_args(%scan3A_47 = %scan3A_34) -> (i32)  : i32 {
      "tpu.region"() ({
        %run_scoped3A = tpu.sem_alloc : memref<!tpu.dma_semaphore, #tpu.memory_space<semaphore_mem>>
        %dma_start3A = arith.constant 0 : i32
        %dma_start3A_49 = tpu.memref_slice %arg4[%scan3A_46, %dma_start3A] : memref<80x128xi32, #tpu.memory_space<vmem>> -> memref<1x128xi32, #tpu.memory_space<vmem>>
        %dma_start3A_50 = tpu.memref_squeeze %dma_start3A_49 : memref<1x128xi32, #tpu.memory_space<vmem>> -> memref<128xi32, #tpu.memory_space<vmem>>
        %dma_start3A_51 = arith.constant 0 : i32
        %dma_start3A_52 = arith.constant 0 : i32
        %dma_start3A_53 = tpu.memref_slice %arg7[%dma_start3A_51, %dma_start3A_52] : memref<10240x16xf32, #tpu.memory_space<vmem_shared>> -> memref<10240x16xf32, #tpu.memory_space<vmem_shared>>
        tpu.enqueue_indirect_dma source(%arg5 : memref<128x16xf32, #tpu.memory_space<vmem>>) target(%dma_start3A_53 : memref<10240x16xf32, #tpu.memory_space<vmem_shared>>) offsets(%dma_start3A_50 : memref<128xi32, #tpu.memory_space<vmem>>) semaphore(%run_scoped3A : memref<!tpu.dma_semaphore, #tpu.memory_space<semaphore_mem>>) {add = true}
        %dma_wait3A = arith.constant 0 : i32
        %dma_wait3A_54 = tpu.memref_slice %arg4[%scan3A_46, %dma_wait3A] : memref<80x128xi32, #tpu.memory_space<vmem>> -> memref<1x128xi32, #tpu.memory_space<vmem>>
        %dma_wait3A_55 = tpu.memref_squeeze %dma_wait3A_54 : memref<1x128xi32, #tpu.memory_space<vmem>> -> memref<128xi32, #tpu.memory_space<vmem>>
        %dma_wait3A_56 = arith.constant 0 : i32
        %dma_wait3A_57 = arith.constant 0 : i32
        %dma_wait3A_58 = tpu.memref_slice %arg7[%dma_wait3A_56, %dma_wait3A_57] : memref<10240x16xf32, #tpu.memory_space<vmem_shared>> -> memref<10240x16xf32, #tpu.memory_space<vmem_shared>>
        tpu.wait_indirect_dma semaphore(%run_scoped3A : memref<!tpu.dma_semaphore, #tpu.memory_space<semaphore_mem>>) src(%arg5 : memref<128x16xf32, #tpu.memory_space<vmem>>) dst(%dma_wait3A_58 : memref<10240x16xf32, #tpu.memory_space<vmem_shared>>)
        tpu.yield
      }) : () -> ()
      %scan3A_48 = arith.constant 0 : i32
      scf.yield %scan3A_48 : i32
    }
    %scan3A_40 = arith.constant 80 : i32
    %barrier3A_41 = arith.constant 0 : index
    tpu.barrier barrier_id(%barrier3A_41)
    %mul3A_42 = arith.constant 640 : i32
    %mul3A_43 = arith.muli %arg1, %mul3A_42 : i32
    %mul3A_44 = arith.constant 640 : i32
    %mul3A_45 = arith.muli %arg1, %mul3A_44 : i32
    "tpu.region"() ({
      %run_scoped3A = tpu.sem_alloc : memref<!tpu.dma_semaphore, #tpu.memory_space<semaphore_mem>>
      %dma_start3A = arith.constant 0 : i32
      %dma_start3A_46 = tpu.memref_slice %arg3[%arg0, %mul3A_45, %dma_start3A] : memref<2x10240x16xf32, #tpu.memory_space<hbm>> -> memref<1x640x16xf32, #tpu.memory_space<hbm>>
      %dma_start3A_47 = tpu.memref_squeeze %dma_start3A_46 : memref<1x640x16xf32, #tpu.memory_space<hbm>> -> memref<640x16xf32, #tpu.memory_space<hbm>>
      %dma_start3A_48 = arith.constant 0 : i32
      %dma_start3A_49 = tpu.memref_slice %arg7[%mul3A_43, %dma_start3A_48] : memref<10240x16xf32, #tpu.memory_space<vmem_shared>> -> memref<640x16xf32, #tpu.memory_space<vmem_shared>>
      tpu.enqueue_dma source(%dma_start3A_49 : memref<640x16xf32, #tpu.memory_space<vmem_shared>>) target(%dma_start3A_47 : memref<640x16xf32, #tpu.memory_space<hbm>>) target_semaphore(%run_scoped3A : memref<!tpu.dma_semaphore, #tpu.memory_space<semaphore_mem>>)
      %dma_wait3A = arith.constant 0 : i32
      %dma_wait3A_50 = tpu.memref_slice %arg3[%arg0, %mul3A_45, %dma_wait3A] : memref<2x10240x16xf32, #tpu.memory_space<hbm>> -> memref<1x640x16xf32, #tpu.memory_space<hbm>>
      %dma_wait3A_51 = tpu.memref_squeeze %dma_wait3A_50 : memref<1x640x16xf32, #tpu.memory_space<hbm>> -> memref<640x16xf32, #tpu.memory_space<hbm>>
      %dma_wait3A_52 = arith.constant 0 : i32
      %dma_wait3A_53 = tpu.memref_slice %arg7[%mul3A_43, %dma_wait3A_52] : memref<10240x16xf32, #tpu.memory_space<vmem_shared>> -> memref<640x16xf32, #tpu.memory_space<vmem_shared>>
      tpu.wait_dma2 semaphore(%run_scoped3A : memref<!tpu.dma_semaphore, #tpu.memory_space<semaphore_mem>>) src(%dma_wait3A_53 : memref<640x16xf32, #tpu.memory_space<vmem_shared>>) dst(%dma_wait3A_51 : memref<640x16xf32, #tpu.memory_space<hbm>>)
      tpu.yield
    }) : () -> ()
    return
  }
}

#map = affine_map<(d0, d1) -> (0, 0)>
#map1 = affine_map<(d0, d1) -> (0)>
#map2 = affine_map<(d0, d1) -> (0, 0, 0)>
module attributes {stable_mosaic.version = 14 : i64} {
  func.func @_sc_msgpass(%arg0: i32, %arg1: i32, %arg2: memref<10000x128xf32, #tpu.memory_space<hbm>>, %arg3: memref<320000xi32, #tpu.memory_space<hbm>>, %arg4: memref<320000xi32, #tpu.memory_space<hbm>>, %arg5: memref<2x10240x128xf32, #tpu.memory_space<hbm>>, %arg6: memref<80xi32, #tpu.memory_space<vmem>>, %arg7: memref<80xi32, #tpu.memory_space<vmem>>, %arg8: memref<80xi32, #tpu.memory_space<vmem>>, %arg9: memref<80xi32, #tpu.memory_space<vmem>>, %arg10: memref<80x128xf32, #tpu.memory_space<vmem>>, %arg11: memref<80x128xf32, #tpu.memory_space<vmem>>, %arg12: memref<10240x128xf32, #tpu.memory_space<vmem_shared>>, %arg13: memref<!tpu.dma_semaphore, #tpu.memory_space<semaphore_mem>>, %arg14: memref<!tpu.dma_semaphore, #tpu.memory_space<semaphore_mem>>) attributes {dimension_semantics = [#tpu.dimension_semantics<core_parallel>, #tpu.dimension_semantics<subcore_parallel>], iteration_bounds = array<i64: 2, 16>, scalar_prefetch = 0 : i64, scratch_operands = 9 : i64, tpu.core_type = #tpu.core_type<sc_vector_subcore>, window_params = [{transform_indices = #map}, {transform_indices = #map1}, {transform_indices = #map1}, {transform_indices = #map2}]} {
    %mul3A = arith.constant 16 : i32
    %mul3A_0 = arith.muli %arg0, %mul3A : i32
    %add3A = arith.addi %mul3A_0, %arg1 : i32
    %scan3A = arith.constant 0 : i32
    %scan3A_1 = arith.constant 0 : i32
    %scan3A_2 = arith.constant 80 : i32
    %scan3A_3 = arith.addi %scan3A_1, %scan3A_2 : i32
    %scan3A_4 = arith.constant 1 : i32
    %scan3A_5 = scf.for %scan3A_59 = %scan3A_1 to %scan3A_3 step %scan3A_4 iter_args(%scan3A_60 = %scan3A) -> (i32)  : i32 {
      %broadcast_in_dim3A = arith.constant 0.000000e+00 : f32
      %broadcast_in_dim3A_61 = vector.broadcast %broadcast_in_dim3A : f32 to vector<16xf32>
      %swap3A = arith.index_cast %scan3A_59 : i32 to index
      %swap3A_62 = arith.constant 0 : index
      %swap3A_63 = tpu.vector_load %arg10[%swap3A, %swap3A_62] {strides = array<i32>} : memref<80x128xf32, #tpu.memory_space<vmem>>, vector<1x16xf32>,
      %swap3A_64 = vector.shape_cast %swap3A_63 : vector<1x16xf32> to vector<16xf32>
      %swap3A_65 = vector.shape_cast %broadcast_in_dim3A_61 : vector<16xf32> to vector<1x16xf32>
      tpu.vector_store %arg10[%swap3A, %swap3A_62], %swap3A_65 {strides = array<i32>} : memref<80x128xf32, #tpu.memory_space<vmem>>, vector<1x16xf32>,
      %broadcast_in_dim3A_66 = arith.constant 0.000000e+00 : f32
      %broadcast_in_dim3A_67 = vector.broadcast %broadcast_in_dim3A_66 : f32 to vector<16xf32>
      %swap3A_68 = arith.index_cast %scan3A_59 : i32 to index
      %swap3A_69 = arith.constant 16 : index
      %swap3A_70 = tpu.vector_load %arg10[%swap3A_68, %swap3A_69] {strides = array<i32>} : memref<80x128xf32, #tpu.memory_space<vmem>>, vector<1x16xf32>,
      %swap3A_71 = vector.shape_cast %swap3A_70 : vector<1x16xf32> to vector<16xf32>
      %swap3A_72 = vector.shape_cast %broadcast_in_dim3A_67 : vector<16xf32> to vector<1x16xf32>
      tpu.vector_store %arg10[%swap3A_68, %swap3A_69], %swap3A_72 {strides = array<i32>} : memref<80x128xf32, #tpu.memory_space<vmem>>, vector<1x16xf32>,
      %broadcast_in_dim3A_73 = arith.constant 0.000000e+00 : f32
      %broadcast_in_dim3A_74 = vector.broadcast %broadcast_in_dim3A_73 : f32 to vector<16xf32>
      %swap3A_75 = arith.index_cast %scan3A_59 : i32 to index
      %swap3A_76 = arith.constant 32 : index
      %swap3A_77 = tpu.vector_load %arg10[%swap3A_75, %swap3A_76] {strides = array<i32>} : memref<80x128xf32, #tpu.memory_space<vmem>>, vector<1x16xf32>,
      %swap3A_78 = vector.shape_cast %swap3A_77 : vector<1x16xf32> to vector<16xf32>
      %swap3A_79 = vector.shape_cast %broadcast_in_dim3A_74 : vector<16xf32> to vector<1x16xf32>
      tpu.vector_store %arg10[%swap3A_75, %swap3A_76], %swap3A_79 {strides = array<i32>} : memref<80x128xf32, #tpu.memory_space<vmem>>, vector<1x16xf32>,
      %broadcast_in_dim3A_80 = arith.constant 0.000000e+00 : f32
      %broadcast_in_dim3A_81 = vector.broadcast %broadcast_in_dim3A_80 : f32 to vector<16xf32>
      %swap3A_82 = arith.index_cast %scan3A_59 : i32 to index
      %swap3A_83 = arith.constant 48 : index
      %swap3A_84 = tpu.vector_load %arg10[%swap3A_82, %swap3A_83] {strides = array<i32>} : memref<80x128xf32, #tpu.memory_space<vmem>>, vector<1x16xf32>,
      %swap3A_85 = vector.shape_cast %swap3A_84 : vector<1x16xf32> to vector<16xf32>
      %swap3A_86 = vector.shape_cast %broadcast_in_dim3A_81 : vector<16xf32> to vector<1x16xf32>
      tpu.vector_store %arg10[%swap3A_82, %swap3A_83], %swap3A_86 {strides = array<i32>} : memref<80x128xf32, #tpu.memory_space<vmem>>, vector<1x16xf32>,
      %broadcast_in_dim3A_87 = arith.constant 0.000000e+00 : f32
      %broadcast_in_dim3A_88 = vector.broadcast %broadcast_in_dim3A_87 : f32 to vector<16xf32>
      %swap3A_89 = arith.index_cast %scan3A_59 : i32 to index
      %swap3A_90 = arith.constant 64 : index
      %swap3A_91 = tpu.vector_load %arg10[%swap3A_89, %swap3A_90] {strides = array<i32>} : memref<80x128xf32, #tpu.memory_space<vmem>>, vector<1x16xf32>,
      %swap3A_92 = vector.shape_cast %swap3A_91 : vector<1x16xf32> to vector<16xf32>
      %swap3A_93 = vector.shape_cast %broadcast_in_dim3A_88 : vector<16xf32> to vector<1x16xf32>
      tpu.vector_store %arg10[%swap3A_89, %swap3A_90], %swap3A_93 {strides = array<i32>} : memref<80x128xf32, #tpu.memory_space<vmem>>, vector<1x16xf32>,
      %broadcast_in_dim3A_94 = arith.constant 0.000000e+00 : f32
      %broadcast_in_dim3A_95 = vector.broadcast %broadcast_in_dim3A_94 : f32 to vector<16xf32>
      %swap3A_96 = arith.index_cast %scan3A_59 : i32 to index
      %swap3A_97 = arith.constant 80 : index
      %swap3A_98 = tpu.vector_load %arg10[%swap3A_96, %swap3A_97] {strides = array<i32>} : memref<80x128xf32, #tpu.memory_space<vmem>>, vector<1x16xf32>,
      %swap3A_99 = vector.shape_cast %swap3A_98 : vector<1x16xf32> to vector<16xf32>
      %swap3A_100 = vector.shape_cast %broadcast_in_dim3A_95 : vector<16xf32> to vector<1x16xf32>
      tpu.vector_store %arg10[%swap3A_96, %swap3A_97], %swap3A_100 {strides = array<i32>} : memref<80x128xf32, #tpu.memory_space<vmem>>, vector<1x16xf32>,
      %broadcast_in_dim3A_101 = arith.constant 0.000000e+00 : f32
      %broadcast_in_dim3A_102 = vector.broadcast %broadcast_in_dim3A_101 : f32 to vector<16xf32>
      %swap3A_103 = arith.index_cast %scan3A_59 : i32 to index
      %swap3A_104 = arith.constant 96 : index
      %swap3A_105 = tpu.vector_load %arg10[%swap3A_103, %swap3A_104] {strides = array<i32>} : memref<80x128xf32, #tpu.memory_space<vmem>>, vector<1x16xf32>,
      %swap3A_106 = vector.shape_cast %swap3A_105 : vector<1x16xf32> to vector<16xf32>
      %swap3A_107 = vector.shape_cast %broadcast_in_dim3A_102 : vector<16xf32> to vector<1x16xf32>
      tpu.vector_store %arg10[%swap3A_103, %swap3A_104], %swap3A_107 {strides = array<i32>} : memref<80x128xf32, #tpu.memory_space<vmem>>, vector<1x16xf32>,
      %broadcast_in_dim3A_108 = arith.constant 0.000000e+00 : f32
      %broadcast_in_dim3A_109 = vector.broadcast %broadcast_in_dim3A_108 : f32 to vector<16xf32>
      %swap3A_110 = arith.index_cast %scan3A_59 : i32 to index
      %swap3A_111 = arith.constant 112 : index
      %swap3A_112 = tpu.vector_load %arg10[%swap3A_110, %swap3A_111] {strides = array<i32>} : memref<80x128xf32, #tpu.memory_space<vmem>>, vector<1x16xf32>,
      %swap3A_113 = vector.shape_cast %swap3A_112 : vector<1x16xf32> to vector<16xf32>
      %swap3A_114 = vector.shape_cast %broadcast_in_dim3A_109 : vector<16xf32> to vector<1x16xf32>
      tpu.vector_store %arg10[%swap3A_110, %swap3A_111], %swap3A_114 {strides = array<i32>} : memref<80x128xf32, #tpu.memory_space<vmem>>, vector<1x16xf32>,
      %scan3A_115 = arith.constant 0 : i32
      scf.yield %scan3A_115 : i32
    }
    %scan3A_6 = arith.constant 80 : i32
    %mul3A_7 = arith.constant 640 : i32
    %mul3A_8 = arith.muli %arg1, %mul3A_7 : i32
    %add3A_9 = arith.constant 0 : i32
    %add3A_10 = arith.addi %mul3A_8, %add3A_9 : i32
    "tpu.region"() ({
      %run_scoped3A = tpu.sem_alloc : memref<!tpu.dma_semaphore, #tpu.memory_space<semaphore_mem>>
      %dma_start3A_59 = arith.constant 0 : i32
      %dma_start3A_60 = tpu.memref_slice %arg12[%add3A_10, %dma_start3A_59] : memref<10240x128xf32, #tpu.memory_space<vmem_shared>> -> memref<80x128xf32, #tpu.memory_space<vmem_shared>>
      %dma_start3A_61 = arith.constant 0 : i32
      %dma_start3A_62 = tpu.memref_slice %arg12[%add3A_10, %dma_start3A_61] : memref<10240x128xf32, #tpu.memory_space<vmem_shared>> -> memref<80x128xf32, #tpu.memory_space<vmem_shared>>
      tpu.enqueue_dma source(%arg10 : memref<80x128xf32, #tpu.memory_space<vmem>>) target(%dma_start3A_62 : memref<80x128xf32, #tpu.memory_space<vmem_shared>>) target_semaphore(%run_scoped3A : memref<!tpu.dma_semaphore, #tpu.memory_space<semaphore_mem>>)
      %dma_wait3A_63 = arith.constant 0 : i32
      %dma_wait3A_64 = tpu.memref_slice %arg12[%add3A_10, %dma_wait3A_63] : memref<10240x128xf32, #tpu.memory_space<vmem_shared>> -> memref<80x128xf32, #tpu.memory_space<vmem_shared>>
      %dma_wait3A_65 = arith.constant 0 : i32
      %dma_wait3A_66 = tpu.memref_slice %arg12[%add3A_10, %dma_wait3A_65] : memref<10240x128xf32, #tpu.memory_space<vmem_shared>> -> memref<80x128xf32, #tpu.memory_space<vmem_shared>>
      tpu.wait_dma2 semaphore(%run_scoped3A : memref<!tpu.dma_semaphore, #tpu.memory_space<semaphore_mem>>) src(%arg10 : memref<80x128xf32, #tpu.memory_space<vmem>>) dst(%dma_wait3A_66 : memref<80x128xf32, #tpu.memory_space<vmem_shared>>)
      tpu.yield
    }) : () -> ()
    %mul3A_11 = arith.constant 640 : i32
    %mul3A_12 = arith.muli %arg1, %mul3A_11 : i32
    %add3A_13 = arith.constant 80 : i32
    %add3A_14 = arith.addi %mul3A_12, %add3A_13 : i32
    "tpu.region"() ({
      %run_scoped3A = tpu.sem_alloc : memref<!tpu.dma_semaphore, #tpu.memory_space<semaphore_mem>>
      %dma_start3A_59 = arith.constant 0 : i32
      %dma_start3A_60 = tpu.memref_slice %arg12[%add3A_14, %dma_start3A_59] : memref<10240x128xf32, #tpu.memory_space<vmem_shared>> -> memref<80x128xf32, #tpu.memory_space<vmem_shared>>
      %dma_start3A_61 = arith.constant 0 : i32
      %dma_start3A_62 = tpu.memref_slice %arg12[%add3A_14, %dma_start3A_61] : memref<10240x128xf32, #tpu.memory_space<vmem_shared>> -> memref<80x128xf32, #tpu.memory_space<vmem_shared>>
      tpu.enqueue_dma source(%arg10 : memref<80x128xf32, #tpu.memory_space<vmem>>) target(%dma_start3A_62 : memref<80x128xf32, #tpu.memory_space<vmem_shared>>) target_semaphore(%run_scoped3A : memref<!tpu.dma_semaphore, #tpu.memory_space<semaphore_mem>>)
      %dma_wait3A_63 = arith.constant 0 : i32
      %dma_wait3A_64 = tpu.memref_slice %arg12[%add3A_14, %dma_wait3A_63] : memref<10240x128xf32, #tpu.memory_space<vmem_shared>> -> memref<80x128xf32, #tpu.memory_space<vmem_shared>>
      %dma_wait3A_65 = arith.constant 0 : i32
      %dma_wait3A_66 = tpu.memref_slice %arg12[%add3A_14, %dma_wait3A_65] : memref<10240x128xf32, #tpu.memory_space<vmem_shared>> -> memref<80x128xf32, #tpu.memory_space<vmem_shared>>
      tpu.wait_dma2 semaphore(%run_scoped3A : memref<!tpu.dma_semaphore, #tpu.memory_space<semaphore_mem>>) src(%arg10 : memref<80x128xf32, #tpu.memory_space<vmem>>) dst(%dma_wait3A_66 : memref<80x128xf32, #tpu.memory_space<vmem_shared>>)
      tpu.yield
    }) : () -> ()
    %mul3A_15 = arith.constant 640 : i32
    %mul3A_16 = arith.muli %arg1, %mul3A_15 : i32
    %add3A_17 = arith.constant 160 : i32
    %add3A_18 = arith.addi %mul3A_16, %add3A_17 : i32
    "tpu.region"() ({
      %run_scoped3A = tpu.sem_alloc : memref<!tpu.dma_semaphore, #tpu.memory_space<semaphore_mem>>
      %dma_start3A_59 = arith.constant 0 : i32
      %dma_start3A_60 = tpu.memref_slice %arg12[%add3A_18, %dma_start3A_59] : memref<10240x128xf32, #tpu.memory_space<vmem_shared>> -> memref<80x128xf32, #tpu.memory_space<vmem_shared>>
      %dma_start3A_61 = arith.constant 0 : i32
      %dma_start3A_62 = tpu.memref_slice %arg12[%add3A_18, %dma_start3A_61] : memref<10240x128xf32, #tpu.memory_space<vmem_shared>> -> memref<80x128xf32, #tpu.memory_space<vmem_shared>>
      tpu.enqueue_dma source(%arg10 : memref<80x128xf32, #tpu.memory_space<vmem>>) target(%dma_start3A_62 : memref<80x128xf32, #tpu.memory_space<vmem_shared>>) target_semaphore(%run_scoped3A : memref<!tpu.dma_semaphore, #tpu.memory_space<semaphore_mem>>)
      %dma_wait3A_63 = arith.constant 0 : i32
      %dma_wait3A_64 = tpu.memref_slice %arg12[%add3A_18, %dma_wait3A_63] : memref<10240x128xf32, #tpu.memory_space<vmem_shared>> -> memref<80x128xf32, #tpu.memory_space<vmem_shared>>
      %dma_wait3A_65 = arith.constant 0 : i32
      %dma_wait3A_66 = tpu.memref_slice %arg12[%add3A_18, %dma_wait3A_65] : memref<10240x128xf32, #tpu.memory_space<vmem_shared>> -> memref<80x128xf32, #tpu.memory_space<vmem_shared>>
      tpu.wait_dma2 semaphore(%run_scoped3A : memref<!tpu.dma_semaphore, #tpu.memory_space<semaphore_mem>>) src(%arg10 : memref<80x128xf32, #tpu.memory_space<vmem>>) dst(%dma_wait3A_66 : memref<80x128xf32, #tpu.memory_space<vmem_shared>>)
      tpu.yield
    }) : () -> ()
    %mul3A_19 = arith.constant 640 : i32
    %mul3A_20 = arith.muli %arg1, %mul3A_19 : i32
    %add3A_21 = arith.constant 240 : i32
    %add3A_22 = arith.addi %mul3A_20, %add3A_21 : i32
    "tpu.region"() ({
      %run_scoped3A = tpu.sem_alloc : memref<!tpu.dma_semaphore, #tpu.memory_space<semaphore_mem>>
      %dma_start3A_59 = arith.constant 0 : i32
      %dma_start3A_60 = tpu.memref_slice %arg12[%add3A_22, %dma_start3A_59] : memref<10240x128xf32, #tpu.memory_space<vmem_shared>> -> memref<80x128xf32, #tpu.memory_space<vmem_shared>>
      %dma_start3A_61 = arith.constant 0 : i32
      %dma_start3A_62 = tpu.memref_slice %arg12[%add3A_22, %dma_start3A_61] : memref<10240x128xf32, #tpu.memory_space<vmem_shared>> -> memref<80x128xf32, #tpu.memory_space<vmem_shared>>
      tpu.enqueue_dma source(%arg10 : memref<80x128xf32, #tpu.memory_space<vmem>>) target(%dma_start3A_62 : memref<80x128xf32, #tpu.memory_space<vmem_shared>>) target_semaphore(%run_scoped3A : memref<!tpu.dma_semaphore, #tpu.memory_space<semaphore_mem>>)
      %dma_wait3A_63 = arith.constant 0 : i32
      %dma_wait3A_64 = tpu.memref_slice %arg12[%add3A_22, %dma_wait3A_63] : memref<10240x128xf32, #tpu.memory_space<vmem_shared>> -> memref<80x128xf32, #tpu.memory_space<vmem_shared>>
      %dma_wait3A_65 = arith.constant 0 : i32
      %dma_wait3A_66 = tpu.memref_slice %arg12[%add3A_22, %dma_wait3A_65] : memref<10240x128xf32, #tpu.memory_space<vmem_shared>> -> memref<80x128xf32, #tpu.memory_space<vmem_shared>>
      tpu.wait_dma2 semaphore(%run_scoped3A : memref<!tpu.dma_semaphore, #tpu.memory_space<semaphore_mem>>) src(%arg10 : memref<80x128xf32, #tpu.memory_space<vmem>>) dst(%dma_wait3A_66 : memref<80x128xf32, #tpu.memory_space<vmem_shared>>)
      tpu.yield
    }) : () -> ()
    %mul3A_23 = arith.constant 640 : i32
    %mul3A_24 = arith.muli %arg1, %mul3A_23 : i32
    %add3A_25 = arith.constant 320 : i32
    %add3A_26 = arith.addi %mul3A_24, %add3A_25 : i32
    "tpu.region"() ({
      %run_scoped3A = tpu.sem_alloc : memref<!tpu.dma_semaphore, #tpu.memory_space<semaphore_mem>>
      %dma_start3A_59 = arith.constant 0 : i32
      %dma_start3A_60 = tpu.memref_slice %arg12[%add3A_26, %dma_start3A_59] : memref<10240x128xf32, #tpu.memory_space<vmem_shared>> -> memref<80x128xf32, #tpu.memory_space<vmem_shared>>
      %dma_start3A_61 = arith.constant 0 : i32
      %dma_start3A_62 = tpu.memref_slice %arg12[%add3A_26, %dma_start3A_61] : memref<10240x128xf32, #tpu.memory_space<vmem_shared>> -> memref<80x128xf32, #tpu.memory_space<vmem_shared>>
      tpu.enqueue_dma source(%arg10 : memref<80x128xf32, #tpu.memory_space<vmem>>) target(%dma_start3A_62 : memref<80x128xf32, #tpu.memory_space<vmem_shared>>) target_semaphore(%run_scoped3A : memref<!tpu.dma_semaphore, #tpu.memory_space<semaphore_mem>>)
      %dma_wait3A_63 = arith.constant 0 : i32
      %dma_wait3A_64 = tpu.memref_slice %arg12[%add3A_26, %dma_wait3A_63] : memref<10240x128xf32, #tpu.memory_space<vmem_shared>> -> memref<80x128xf32, #tpu.memory_space<vmem_shared>>
      %dma_wait3A_65 = arith.constant 0 : i32
      %dma_wait3A_66 = tpu.memref_slice %arg12[%add3A_26, %dma_wait3A_65] : memref<10240x128xf32, #tpu.memory_space<vmem_shared>> -> memref<80x128xf32, #tpu.memory_space<vmem_shared>>
      tpu.wait_dma2 semaphore(%run_scoped3A : memref<!tpu.dma_semaphore, #tpu.memory_space<semaphore_mem>>) src(%arg10 : memref<80x128xf32, #tpu.memory_space<vmem>>) dst(%dma_wait3A_66 : memref<80x128xf32, #tpu.memory_space<vmem_shared>>)
      tpu.yield
    }) : () -> ()
    %mul3A_27 = arith.constant 640 : i32
    %mul3A_28 = arith.muli %arg1, %mul3A_27 : i32
    %add3A_29 = arith.constant 400 : i32
    %add3A_30 = arith.addi %mul3A_28, %add3A_29 : i32
    "tpu.region"() ({
      %run_scoped3A = tpu.sem_alloc : memref<!tpu.dma_semaphore, #tpu.memory_space<semaphore_mem>>
      %dma_start3A_59 = arith.constant 0 : i32
      %dma_start3A_60 = tpu.memref_slice %arg12[%add3A_30, %dma_start3A_59] : memref<10240x128xf32, #tpu.memory_space<vmem_shared>> -> memref<80x128xf32, #tpu.memory_space<vmem_shared>>
      %dma_start3A_61 = arith.constant 0 : i32
      %dma_start3A_62 = tpu.memref_slice %arg12[%add3A_30, %dma_start3A_61] : memref<10240x128xf32, #tpu.memory_space<vmem_shared>> -> memref<80x128xf32, #tpu.memory_space<vmem_shared>>
      tpu.enqueue_dma source(%arg10 : memref<80x128xf32, #tpu.memory_space<vmem>>) target(%dma_start3A_62 : memref<80x128xf32, #tpu.memory_space<vmem_shared>>) target_semaphore(%run_scoped3A : memref<!tpu.dma_semaphore, #tpu.memory_space<semaphore_mem>>)
      %dma_wait3A_63 = arith.constant 0 : i32
      %dma_wait3A_64 = tpu.memref_slice %arg12[%add3A_30, %dma_wait3A_63] : memref<10240x128xf32, #tpu.memory_space<vmem_shared>> -> memref<80x128xf32, #tpu.memory_space<vmem_shared>>
      %dma_wait3A_65 = arith.constant 0 : i32
      %dma_wait3A_66 = tpu.memref_slice %arg12[%add3A_30, %dma_wait3A_65] : memref<10240x128xf32, #tpu.memory_space<vmem_shared>> -> memref<80x128xf32, #tpu.memory_space<vmem_shared>>
      tpu.wait_dma2 semaphore(%run_scoped3A : memref<!tpu.dma_semaphore, #tpu.memory_space<semaphore_mem>>) src(%arg10 : memref<80x128xf32, #tpu.memory_space<vmem>>) dst(%dma_wait3A_66 : memref<80x128xf32, #tpu.memory_space<vmem_shared>>)
      tpu.yield
    }) : () -> ()
    %mul3A_31 = arith.constant 640 : i32
    %mul3A_32 = arith.muli %arg1, %mul3A_31 : i32
    %add3A_33 = arith.constant 480 : i32
    %add3A_34 = arith.addi %mul3A_32, %add3A_33 : i32
    "tpu.region"() ({
      %run_scoped3A = tpu.sem_alloc : memref<!tpu.dma_semaphore, #tpu.memory_space<semaphore_mem>>
      %dma_start3A_59 = arith.constant 0 : i32
      %dma_start3A_60 = tpu.memref_slice %arg12[%add3A_34, %dma_start3A_59] : memref<10240x128xf32, #tpu.memory_space<vmem_shared>> -> memref<80x128xf32, #tpu.memory_space<vmem_shared>>
      %dma_start3A_61 = arith.constant 0 : i32
      %dma_start3A_62 = tpu.memref_slice %arg12[%add3A_34, %dma_start3A_61] : memref<10240x128xf32, #tpu.memory_space<vmem_shared>> -> memref<80x128xf32, #tpu.memory_space<vmem_shared>>
      tpu.enqueue_dma source(%arg10 : memref<80x128xf32, #tpu.memory_space<vmem>>) target(%dma_start3A_62 : memref<80x128xf32, #tpu.memory_space<vmem_shared>>) target_semaphore(%run_scoped3A : memref<!tpu.dma_semaphore, #tpu.memory_space<semaphore_mem>>)
      %dma_wait3A_63 = arith.constant 0 : i32
      %dma_wait3A_64 = tpu.memref_slice %arg12[%add3A_34, %dma_wait3A_63] : memref<10240x128xf32, #tpu.memory_space<vmem_shared>> -> memref<80x128xf32, #tpu.memory_space<vmem_shared>>
      %dma_wait3A_65 = arith.constant 0 : i32
      %dma_wait3A_66 = tpu.memref_slice %arg12[%add3A_34, %dma_wait3A_65] : memref<10240x128xf32, #tpu.memory_space<vmem_shared>> -> memref<80x128xf32, #tpu.memory_space<vmem_shared>>
      tpu.wait_dma2 semaphore(%run_scoped3A : memref<!tpu.dma_semaphore, #tpu.memory_space<semaphore_mem>>) src(%arg10 : memref<80x128xf32, #tpu.memory_space<vmem>>) dst(%dma_wait3A_66 : memref<80x128xf32, #tpu.memory_space<vmem_shared>>)
      tpu.yield
    }) : () -> ()
    %mul3A_35 = arith.constant 640 : i32
    %mul3A_36 = arith.muli %arg1, %mul3A_35 : i32
    %add3A_37 = arith.constant 560 : i32
    %add3A_38 = arith.addi %mul3A_36, %add3A_37 : i32
    "tpu.region"() ({
      %run_scoped3A = tpu.sem_alloc : memref<!tpu.dma_semaphore, #tpu.memory_space<semaphore_mem>>
      %dma_start3A_59 = arith.constant 0 : i32
      %dma_start3A_60 = tpu.memref_slice %arg12[%add3A_38, %dma_start3A_59] : memref<10240x128xf32, #tpu.memory_space<vmem_shared>> -> memref<80x128xf32, #tpu.memory_space<vmem_shared>>
      %dma_start3A_61 = arith.constant 0 : i32
      %dma_start3A_62 = tpu.memref_slice %arg12[%add3A_38, %dma_start3A_61] : memref<10240x128xf32, #tpu.memory_space<vmem_shared>> -> memref<80x128xf32, #tpu.memory_space<vmem_shared>>
      tpu.enqueue_dma source(%arg10 : memref<80x128xf32, #tpu.memory_space<vmem>>) target(%dma_start3A_62 : memref<80x128xf32, #tpu.memory_space<vmem_shared>>) target_semaphore(%run_scoped3A : memref<!tpu.dma_semaphore, #tpu.memory_space<semaphore_mem>>)
      %dma_wait3A_63 = arith.constant 0 : i32
      %dma_wait3A_64 = tpu.memref_slice %arg12[%add3A_38, %dma_wait3A_63] : memref<10240x128xf32, #tpu.memory_space<vmem_shared>> -> memref<80x128xf32, #tpu.memory_space<vmem_shared>>
      %dma_wait3A_65 = arith.constant 0 : i32
      %dma_wait3A_66 = tpu.memref_slice %arg12[%add3A_38, %dma_wait3A_65] : memref<10240x128xf32, #tpu.memory_space<vmem_shared>> -> memref<80x128xf32, #tpu.memory_space<vmem_shared>>
      tpu.wait_dma2 semaphore(%run_scoped3A : memref<!tpu.dma_semaphore, #tpu.memory_space<semaphore_mem>>) src(%arg10 : memref<80x128xf32, #tpu.memory_space<vmem>>) dst(%dma_wait3A_66 : memref<80x128xf32, #tpu.memory_space<vmem_shared>>)
      tpu.yield
    }) : () -> ()
    %barrier3A = arith.constant 0 : index
    tpu.barrier barrier_id(%barrier3A)
    %scan3A_39 = arith.constant 0 : i32
    %scan3A_40 = arith.constant 0 : i32
    %scan3A_41 = arith.constant 62 : i32
    %scan3A_42 = arith.addi %scan3A_40, %scan3A_41 : i32
    %scan3A_43 = arith.constant 1 : i32
    %scan3A_44 = scf.for %scan3A_59 = %scan3A_40 to %scan3A_42 step %scan3A_43 iter_args(%scan3A_60 = %scan3A_39) -> (i32)  : i32 {
      %mul3A_61 = arith.constant 10000 : i32
      %mul3A_62 = arith.muli %add3A, %mul3A_61 : i32
      %mul3A_63 = arith.constant 2 : i32
      %mul3A_64 = arith.muli %mul3A_63, %scan3A_59 : i32
      %mul3A_65 = arith.constant 80 : i32
      %mul3A_66 = arith.muli %mul3A_64, %mul3A_65 : i32
      %add3A_67 = arith.addi %mul3A_62, %mul3A_66 : i32
      "tpu.region"() ({
        %run_scoped3A = tpu.sem_alloc : memref<!tpu.dma_semaphore, #tpu.memory_space<semaphore_mem>>
        %dma_start3A_83 = tpu.memref_slice %arg3[%add3A_67] : memref<320000xi32, #tpu.memory_space<hbm>> -> memref<80xi32, #tpu.memory_space<hbm>>
        %dma_start3A_84 = tpu.memref_slice %arg3[%add3A_67] : memref<320000xi32, #tpu.memory_space<hbm>> -> memref<80xi32, #tpu.memory_space<hbm>>
        tpu.enqueue_dma source(%dma_start3A_84 : memref<80xi32, #tpu.memory_space<hbm>>) target(%arg6 : memref<80xi32, #tpu.memory_space<vmem>>) target_semaphore(%run_scoped3A : memref<!tpu.dma_semaphore, #tpu.memory_space<semaphore_mem>>)
        %dma_wait3A_85 = tpu.memref_slice %arg3[%add3A_67] : memref<320000xi32, #tpu.memory_space<hbm>> -> memref<80xi32, #tpu.memory_space<hbm>>
        %dma_wait3A_86 = tpu.memref_slice %arg3[%add3A_67] : memref<320000xi32, #tpu.memory_space<hbm>> -> memref<80xi32, #tpu.memory_space<hbm>>
        tpu.wait_dma2 semaphore(%run_scoped3A : memref<!tpu.dma_semaphore, #tpu.memory_space<semaphore_mem>>) src(%dma_wait3A_86 : memref<80xi32, #tpu.memory_space<hbm>>) dst(%arg6 : memref<80xi32, #tpu.memory_space<vmem>>)
        tpu.yield
      }) : () -> ()
      "tpu.region"() ({
        %run_scoped3A = tpu.sem_alloc : memref<!tpu.dma_semaphore, #tpu.memory_space<semaphore_mem>>
        %dma_start3A_83 = tpu.memref_slice %arg4[%add3A_67] : memref<320000xi32, #tpu.memory_space<hbm>> -> memref<80xi32, #tpu.memory_space<hbm>>
        %dma_start3A_84 = tpu.memref_slice %arg4[%add3A_67] : memref<320000xi32, #tpu.memory_space<hbm>> -> memref<80xi32, #tpu.memory_space<hbm>>
        tpu.enqueue_dma source(%dma_start3A_84 : memref<80xi32, #tpu.memory_space<hbm>>) target(%arg7 : memref<80xi32, #tpu.memory_space<vmem>>) target_semaphore(%run_scoped3A : memref<!tpu.dma_semaphore, #tpu.memory_space<semaphore_mem>>)
        %dma_wait3A_85 = tpu.memref_slice %arg4[%add3A_67] : memref<320000xi32, #tpu.memory_space<hbm>> -> memref<80xi32, #tpu.memory_space<hbm>>
        %dma_wait3A_86 = tpu.memref_slice %arg4[%add3A_67] : memref<320000xi32, #tpu.memory_space<hbm>> -> memref<80xi32, #tpu.memory_space<hbm>>
        tpu.wait_dma2 semaphore(%run_scoped3A : memref<!tpu.dma_semaphore, #tpu.memory_space<semaphore_mem>>) src(%dma_wait3A_86 : memref<80xi32, #tpu.memory_space<hbm>>) dst(%arg7 : memref<80xi32, #tpu.memory_space<vmem>>)
        tpu.yield
      }) : () -> ()
      %dma_start3A_68 = arith.constant 0 : i32
      %dma_start3A_69 = arith.constant 0 : i32
      %dma_start3A_70 = tpu.memref_slice %arg2[%dma_start3A_68, %dma_start3A_69] : memref<10000x128xf32, #tpu.memory_space<hbm>> -> memref<10000x128xf32, #tpu.memory_space<hbm>>
      tpu.enqueue_indirect_dma source(%dma_start3A_70 : memref<10000x128xf32, #tpu.memory_space<hbm>>) target(%arg10 : memref<80x128xf32, #tpu.memory_space<vmem>>) offsets(%arg6 : memref<80xi32, #tpu.memory_space<vmem>>) semaphore(%arg13 : memref<!tpu.dma_semaphore, #tpu.memory_space<semaphore_mem>>)
      %dma_wait3A_71 = arith.constant 0 : i32
      %dma_wait3A_72 = arith.constant 0 : i32
      %dma_wait3A_73 = tpu.memref_slice %arg2[%dma_wait3A_71, %dma_wait3A_72] : memref<10000x128xf32, #tpu.memory_space<hbm>> -> memref<10000x128xf32, #tpu.memory_space<hbm>>
      tpu.wait_indirect_dma semaphore(%arg13 : memref<!tpu.dma_semaphore, #tpu.memory_space<semaphore_mem>>) src(%dma_wait3A_73 : memref<10000x128xf32, #tpu.memory_space<hbm>>) dst(%arg10 : memref<80x128xf32, #tpu.memory_space<vmem>>)
      "tpu.region"() ({
        %run_scoped3A = tpu.sem_alloc : memref<!tpu.dma_semaphore, #tpu.memory_space<semaphore_mem>>
        %dma_start3A_83 = arith.constant 0 : i32
        %dma_start3A_84 = arith.constant 0 : i32
        %dma_start3A_85 = tpu.memref_slice %arg12[%dma_start3A_83, %dma_start3A_84] : memref<10240x128xf32, #tpu.memory_space<vmem_shared>> -> memref<10240x128xf32, #tpu.memory_space<vmem_shared>>
        tpu.enqueue_indirect_dma source(%arg10 : memref<80x128xf32, #tpu.memory_space<vmem>>) target(%dma_start3A_85 : memref<10240x128xf32, #tpu.memory_space<vmem_shared>>) offsets(%arg7 : memref<80xi32, #tpu.memory_space<vmem>>) semaphore(%run_scoped3A : memref<!tpu.dma_semaphore, #tpu.memory_space<semaphore_mem>>) {add = true}
        %dma_wait3A_86 = arith.constant 0 : i32
        %dma_wait3A_87 = arith.constant 0 : i32
        %dma_wait3A_88 = tpu.memref_slice %arg12[%dma_wait3A_86, %dma_wait3A_87] : memref<10240x128xf32, #tpu.memory_space<vmem_shared>> -> memref<10240x128xf32, #tpu.memory_space<vmem_shared>>
        tpu.wait_indirect_dma semaphore(%run_scoped3A : memref<!tpu.dma_semaphore, #tpu.memory_space<semaphore_mem>>) src(%arg10 : memref<80x128xf32, #tpu.memory_space<vmem>>) dst(%dma_wait3A_88 : memref<10240x128xf32, #tpu.memory_space<vmem_shared>>)
        tpu.yield
      }) : () -> ()
      %add3A_74 = arith.constant 80 : i32
      %add3A_75 = arith.addi %add3A_67, %add3A_74 : i32
      "tpu.region"() ({
        %run_scoped3A = tpu.sem_alloc : memref<!tpu.dma_semaphore, #tpu.memory_space<semaphore_mem>>
        %dma_start3A_83 = tpu.memref_slice %arg3[%add3A_75] : memref<320000xi32, #tpu.memory_space<hbm>> -> memref<80xi32, #tpu.memory_space<hbm>>
        %dma_start3A_84 = tpu.memref_slice %arg3[%add3A_75] : memref<320000xi32, #tpu.memory_space<hbm>> -> memref<80xi32, #tpu.memory_space<hbm>>
        tpu.enqueue_dma source(%dma_start3A_84 : memref<80xi32, #tpu.memory_space<hbm>>) target(%arg8 : memref<80xi32, #tpu.memory_space<vmem>>) target_semaphore(%run_scoped3A : memref<!tpu.dma_semaphore, #tpu.memory_space<semaphore_mem>>)
        %dma_wait3A_85 = tpu.memref_slice %arg3[%add3A_75] : memref<320000xi32, #tpu.memory_space<hbm>> -> memref<80xi32, #tpu.memory_space<hbm>>
        %dma_wait3A_86 = tpu.memref_slice %arg3[%add3A_75] : memref<320000xi32, #tpu.memory_space<hbm>> -> memref<80xi32, #tpu.memory_space<hbm>>
        tpu.wait_dma2 semaphore(%run_scoped3A : memref<!tpu.dma_semaphore, #tpu.memory_space<semaphore_mem>>) src(%dma_wait3A_86 : memref<80xi32, #tpu.memory_space<hbm>>) dst(%arg8 : memref<80xi32, #tpu.memory_space<vmem>>)
        tpu.yield
      }) : () -> ()
      "tpu.region"() ({
        %run_scoped3A = tpu.sem_alloc : memref<!tpu.dma_semaphore, #tpu.memory_space<semaphore_mem>>
        %dma_start3A_83 = tpu.memref_slice %arg4[%add3A_75] : memref<320000xi32, #tpu.memory_space<hbm>> -> memref<80xi32, #tpu.memory_space<hbm>>
        %dma_start3A_84 = tpu.memref_slice %arg4[%add3A_75] : memref<320000xi32, #tpu.memory_space<hbm>> -> memref<80xi32, #tpu.memory_space<hbm>>
        tpu.enqueue_dma source(%dma_start3A_84 : memref<80xi32, #tpu.memory_space<hbm>>) target(%arg9 : memref<80xi32, #tpu.memory_space<vmem>>) target_semaphore(%run_scoped3A : memref<!tpu.dma_semaphore, #tpu.memory_space<semaphore_mem>>)
        %dma_wait3A_85 = tpu.memref_slice %arg4[%add3A_75] : memref<320000xi32, #tpu.memory_space<hbm>> -> memref<80xi32, #tpu.memory_space<hbm>>
        %dma_wait3A_86 = tpu.memref_slice %arg4[%add3A_75] : memref<320000xi32, #tpu.memory_space<hbm>> -> memref<80xi32, #tpu.memory_space<hbm>>
        tpu.wait_dma2 semaphore(%run_scoped3A : memref<!tpu.dma_semaphore, #tpu.memory_space<semaphore_mem>>) src(%dma_wait3A_86 : memref<80xi32, #tpu.memory_space<hbm>>) dst(%arg9 : memref<80xi32, #tpu.memory_space<vmem>>)
        tpu.yield
      }) : () -> ()
      %dma_start3A_76 = arith.constant 0 : i32
      %dma_start3A_77 = arith.constant 0 : i32
      %dma_start3A_78 = tpu.memref_slice %arg2[%dma_start3A_76, %dma_start3A_77] : memref<10000x128xf32, #tpu.memory_space<hbm>> -> memref<10000x128xf32, #tpu.memory_space<hbm>>
      tpu.enqueue_indirect_dma source(%dma_start3A_78 : memref<10000x128xf32, #tpu.memory_space<hbm>>) target(%arg11 : memref<80x128xf32, #tpu.memory_space<vmem>>) offsets(%arg8 : memref<80xi32, #tpu.memory_space<vmem>>) semaphore(%arg14 : memref<!tpu.dma_semaphore, #tpu.memory_space<semaphore_mem>>)
      %dma_wait3A_79 = arith.constant 0 : i32
      %dma_wait3A_80 = arith.constant 0 : i32
      %dma_wait3A_81 = tpu.memref_slice %arg2[%dma_wait3A_79, %dma_wait3A_80] : memref<10000x128xf32, #tpu.memory_space<hbm>> -> memref<10000x128xf32, #tpu.memory_space<hbm>>
      tpu.wait_indirect_dma semaphore(%arg14 : memref<!tpu.dma_semaphore, #tpu.memory_space<semaphore_mem>>) src(%dma_wait3A_81 : memref<10000x128xf32, #tpu.memory_space<hbm>>) dst(%arg11 : memref<80x128xf32, #tpu.memory_space<vmem>>)
      "tpu.region"() ({
        %run_scoped3A = tpu.sem_alloc : memref<!tpu.dma_semaphore, #tpu.memory_space<semaphore_mem>>
        %dma_start3A_83 = arith.constant 0 : i32
        %dma_start3A_84 = arith.constant 0 : i32
        %dma_start3A_85 = tpu.memref_slice %arg12[%dma_start3A_83, %dma_start3A_84] : memref<10240x128xf32, #tpu.memory_space<vmem_shared>> -> memref<10240x128xf32, #tpu.memory_space<vmem_shared>>
        tpu.enqueue_indirect_dma source(%arg11 : memref<80x128xf32, #tpu.memory_space<vmem>>) target(%dma_start3A_85 : memref<10240x128xf32, #tpu.memory_space<vmem_shared>>) offsets(%arg9 : memref<80xi32, #tpu.memory_space<vmem>>) semaphore(%run_scoped3A : memref<!tpu.dma_semaphore, #tpu.memory_space<semaphore_mem>>) {add = true}
        %dma_wait3A_86 = arith.constant 0 : i32
        %dma_wait3A_87 = arith.constant 0 : i32
        %dma_wait3A_88 = tpu.memref_slice %arg12[%dma_wait3A_86, %dma_wait3A_87] : memref<10240x128xf32, #tpu.memory_space<vmem_shared>> -> memref<10240x128xf32, #tpu.memory_space<vmem_shared>>
        tpu.wait_indirect_dma semaphore(%run_scoped3A : memref<!tpu.dma_semaphore, #tpu.memory_space<semaphore_mem>>) src(%arg11 : memref<80x128xf32, #tpu.memory_space<vmem>>) dst(%dma_wait3A_88 : memref<10240x128xf32, #tpu.memory_space<vmem_shared>>)
        tpu.yield
      }) : () -> ()
      %scan3A_82 = arith.constant 0 : i32
      scf.yield %scan3A_82 : i32
    }
    %scan3A_45 = arith.constant 62 : i32
    %mul3A_46 = arith.constant 10000 : i32
    %mul3A_47 = arith.muli %add3A, %mul3A_46 : i32
    %add3A_48 = arith.constant 9920 : i32
    %add3A_49 = arith.addi %mul3A_47, %add3A_48 : i32
    "tpu.region"() ({
      %run_scoped3A = tpu.sem_alloc : memref<!tpu.dma_semaphore, #tpu.memory_space<semaphore_mem>>
      %dma_start3A_59 = tpu.memref_slice %arg3[%add3A_49] : memref<320000xi32, #tpu.memory_space<hbm>> -> memref<80xi32, #tpu.memory_space<hbm>>
      %dma_start3A_60 = tpu.memref_slice %arg3[%add3A_49] : memref<320000xi32, #tpu.memory_space<hbm>> -> memref<80xi32, #tpu.memory_space<hbm>>
      tpu.enqueue_dma source(%dma_start3A_60 : memref<80xi32, #tpu.memory_space<hbm>>) target(%arg6 : memref<80xi32, #tpu.memory_space<vmem>>) target_semaphore(%run_scoped3A : memref<!tpu.dma_semaphore, #tpu.memory_space<semaphore_mem>>)
      %dma_wait3A_61 = tpu.memref_slice %arg3[%add3A_49] : memref<320000xi32, #tpu.memory_space<hbm>> -> memref<80xi32, #tpu.memory_space<hbm>>
      %dma_wait3A_62 = tpu.memref_slice %arg3[%add3A_49] : memref<320000xi32, #tpu.memory_space<hbm>> -> memref<80xi32, #tpu.memory_space<hbm>>
      tpu.wait_dma2 semaphore(%run_scoped3A : memref<!tpu.dma_semaphore, #tpu.memory_space<semaphore_mem>>) src(%dma_wait3A_62 : memref<80xi32, #tpu.memory_space<hbm>>) dst(%arg6 : memref<80xi32, #tpu.memory_space<vmem>>)
      tpu.yield
    }) : () -> ()
    "tpu.region"() ({
      %run_scoped3A = tpu.sem_alloc : memref<!tpu.dma_semaphore, #tpu.memory_space<semaphore_mem>>
      %dma_start3A_59 = tpu.memref_slice %arg4[%add3A_49] : memref<320000xi32, #tpu.memory_space<hbm>> -> memref<80xi32, #tpu.memory_space<hbm>>
      %dma_start3A_60 = tpu.memref_slice %arg4[%add3A_49] : memref<320000xi32, #tpu.memory_space<hbm>> -> memref<80xi32, #tpu.memory_space<hbm>>
      tpu.enqueue_dma source(%dma_start3A_60 : memref<80xi32, #tpu.memory_space<hbm>>) target(%arg7 : memref<80xi32, #tpu.memory_space<vmem>>) target_semaphore(%run_scoped3A : memref<!tpu.dma_semaphore, #tpu.memory_space<semaphore_mem>>)
      %dma_wait3A_61 = tpu.memref_slice %arg4[%add3A_49] : memref<320000xi32, #tpu.memory_space<hbm>> -> memref<80xi32, #tpu.memory_space<hbm>>
      %dma_wait3A_62 = tpu.memref_slice %arg4[%add3A_49] : memref<320000xi32, #tpu.memory_space<hbm>> -> memref<80xi32, #tpu.memory_space<hbm>>
      tpu.wait_dma2 semaphore(%run_scoped3A : memref<!tpu.dma_semaphore, #tpu.memory_space<semaphore_mem>>) src(%dma_wait3A_62 : memref<80xi32, #tpu.memory_space<hbm>>) dst(%arg7 : memref<80xi32, #tpu.memory_space<vmem>>)
      tpu.yield
    }) : () -> ()
    %dma_start3A = arith.constant 0 : i32
    %dma_start3A_50 = arith.constant 0 : i32
    %dma_start3A_51 = tpu.memref_slice %arg2[%dma_start3A, %dma_start3A_50] : memref<10000x128xf32, #tpu.memory_space<hbm>> -> memref<10000x128xf32, #tpu.memory_space<hbm>>
    tpu.enqueue_indirect_dma source(%dma_start3A_51 : memref<10000x128xf32, #tpu.memory_space<hbm>>) target(%arg10 : memref<80x128xf32, #tpu.memory_space<vmem>>) offsets(%arg6 : memref<80xi32, #tpu.memory_space<vmem>>) semaphore(%arg13 : memref<!tpu.dma_semaphore, #tpu.memory_space<semaphore_mem>>)
    %dma_wait3A = arith.constant 0 : i32
    %dma_wait3A_52 = arith.constant 0 : i32
    %dma_wait3A_53 = tpu.memref_slice %arg2[%dma_wait3A, %dma_wait3A_52] : memref<10000x128xf32, #tpu.memory_space<hbm>> -> memref<10000x128xf32, #tpu.memory_space<hbm>>
    tpu.wait_indirect_dma semaphore(%arg13 : memref<!tpu.dma_semaphore, #tpu.memory_space<semaphore_mem>>) src(%dma_wait3A_53 : memref<10000x128xf32, #tpu.memory_space<hbm>>) dst(%arg10 : memref<80x128xf32, #tpu.memory_space<vmem>>)
    "tpu.region"() ({
      %run_scoped3A = tpu.sem_alloc : memref<!tpu.dma_semaphore, #tpu.memory_space<semaphore_mem>>
      %dma_start3A_59 = arith.constant 0 : i32
      %dma_start3A_60 = arith.constant 0 : i32
      %dma_start3A_61 = tpu.memref_slice %arg12[%dma_start3A_59, %dma_start3A_60] : memref<10240x128xf32, #tpu.memory_space<vmem_shared>> -> memref<10240x128xf32, #tpu.memory_space<vmem_shared>>
      tpu.enqueue_indirect_dma source(%arg10 : memref<80x128xf32, #tpu.memory_space<vmem>>) target(%dma_start3A_61 : memref<10240x128xf32, #tpu.memory_space<vmem_shared>>) offsets(%arg7 : memref<80xi32, #tpu.memory_space<vmem>>) semaphore(%run_scoped3A : memref<!tpu.dma_semaphore, #tpu.memory_space<semaphore_mem>>) {add = true}
      %dma_wait3A_62 = arith.constant 0 : i32
      %dma_wait3A_63 = arith.constant 0 : i32
      %dma_wait3A_64 = tpu.memref_slice %arg12[%dma_wait3A_62, %dma_wait3A_63] : memref<10240x128xf32, #tpu.memory_space<vmem_shared>> -> memref<10240x128xf32, #tpu.memory_space<vmem_shared>>
      tpu.wait_indirect_dma semaphore(%run_scoped3A : memref<!tpu.dma_semaphore, #tpu.memory_space<semaphore_mem>>) src(%arg10 : memref<80x128xf32, #tpu.memory_space<vmem>>) dst(%dma_wait3A_64 : memref<10240x128xf32, #tpu.memory_space<vmem_shared>>)
      tpu.yield
    }) : () -> ()
    %barrier3A_54 = arith.constant 0 : index
    tpu.barrier barrier_id(%barrier3A_54)
    %mul3A_55 = arith.constant 640 : i32
    %mul3A_56 = arith.muli %arg1, %mul3A_55 : i32
    %mul3A_57 = arith.constant 640 : i32
    %mul3A_58 = arith.muli %arg1, %mul3A_57 : i32
    "tpu.region"() ({
      %run_scoped3A = tpu.sem_alloc : memref<!tpu.dma_semaphore, #tpu.memory_space<semaphore_mem>>
      %dma_start3A_59 = arith.constant 0 : i32
      %dma_start3A_60 = tpu.memref_slice %arg5[%arg0, %mul3A_58, %dma_start3A_59] : memref<2x10240x128xf32, #tpu.memory_space<hbm>> -> memref<1x640x128xf32, #tpu.memory_space<hbm>>
      %dma_start3A_61 = tpu.memref_squeeze %dma_start3A_60 : memref<1x640x128xf32, #tpu.memory_space<hbm>> -> memref<640x128xf32, #tpu.memory_space<hbm>>
      %dma_start3A_62 = arith.constant 0 : i32
      %dma_start3A_63 = tpu.memref_slice %arg12[%mul3A_56, %dma_start3A_62] : memref<10240x128xf32, #tpu.memory_space<vmem_shared>> -> memref<640x128xf32, #tpu.memory_space<vmem_shared>>
      tpu.enqueue_dma source(%dma_start3A_63 : memref<640x128xf32, #tpu.memory_space<vmem_shared>>) target(%dma_start3A_61 : memref<640x128xf32, #tpu.memory_space<hbm>>) target_semaphore(%run_scoped3A : memref<!tpu.dma_semaphore, #tpu.memory_space<semaphore_mem>>)
      %dma_wait3A_64 = arith.constant 0 : i32
      %dma_wait3A_65 = tpu.memref_slice %arg5[%arg0, %mul3A_58, %dma_wait3A_64] : memref<2x10240x128xf32, #tpu.memory_space<hbm>> -> memref<1x640x128xf32, #tpu.memory_space<hbm>>
      %dma_wait3A_66 = tpu.memref_squeeze %dma_wait3A_65 : memref<1x640x128xf32, #tpu.memory_space<hbm>> -> memref<640x128xf32, #tpu.memory_space<hbm>>
      %dma_wait3A_67 = arith.constant 0 : i32
      %dma_wait3A_68 = tpu.memref_slice %arg12[%mul3A_56, %dma_wait3A_67] : memref<10240x128xf32, #tpu.memory_space<vmem_shared>> -> memref<640x128xf32, #tpu.memory_space<vmem_shared>>
      tpu.wait_dma2 semaphore(%run_scoped3A : memref<!tpu.dma_semaphore, #tpu.memory_space<semaphore_mem>>) src(%dma_wait3A_68 : memref<640x128xf32, #tpu.memory_space<vmem_shared>>) dst(%dma_wait3A_66 : memref<640x128xf32, #tpu.memory_space<hbm>>)
      tpu.yield
    }) : () -> ()
    return
  }
}

#map = affine_map<(d0, d1) -> (0, 0)>
#map1 = affine_map<(d0, d1) -> (0)>
#map2 = affine_map<(d0, d1) -> (0, 0, 0)>
module attributes {stable_mosaic.version = 14 : i64} {
  func.func @_sc_msgpass(%arg0: i32, %arg1: i32, %arg2: memref<10000x128xf32, #tpu.memory_space<hbm>>, %arg3: memref<320000xi32, #tpu.memory_space<hbm>>, %arg4: memref<320000xi32, #tpu.memory_space<hbm>>, %arg5: memref<2x10240x128xf32, #tpu.memory_space<hbm>>, %arg6: memref<80xi32, #tpu.memory_space<vmem>>, %arg7: memref<80xi32, #tpu.memory_space<vmem>>, %arg8: memref<80xi32, #tpu.memory_space<vmem>>, %arg9: memref<80xi32, #tpu.memory_space<vmem>>, %arg10: memref<80x128xf32, #tpu.memory_space<vmem>>, %arg11: memref<80x128xf32, #tpu.memory_space<vmem>>, %arg12: memref<10240x128xf32, #tpu.memory_space<vmem_shared>>, %arg13: memref<!tpu.dma_semaphore, #tpu.memory_space<semaphore_mem>>, %arg14: memref<!tpu.dma_semaphore, #tpu.memory_space<semaphore_mem>>) attributes {dimension_semantics = [#tpu.dimension_semantics<core_parallel>, #tpu.dimension_semantics<subcore_parallel>], iteration_bounds = array<i64: 2, 16>, scalar_prefetch = 0 : i64, scratch_operands = 9 : i64, tpu.core_type = #tpu.core_type<sc_vector_subcore>, window_params = [{transform_indices = #map}, {transform_indices = #map1}, {transform_indices = #map1}, {transform_indices = #map2}]} {
    %mul3A = arith.constant 16 : i32
    %mul3A_0 = arith.muli %arg0, %mul3A : i32
    %add3A = arith.addi %mul3A_0, %arg1 : i32
    %scan3A = arith.constant 0 : i32
    %scan3A_1 = arith.constant 0 : i32
    %scan3A_2 = arith.constant 80 : i32
    %scan3A_3 = arith.addi %scan3A_1, %scan3A_2 : i32
    %scan3A_4 = arith.constant 1 : i32
    %scan3A_5 = scf.for %scan3A_59 = %scan3A_1 to %scan3A_3 step %scan3A_4 iter_args(%scan3A_60 = %scan3A) -> (i32)  : i32 {
      %broadcast_in_dim3A = arith.constant 0.000000e+00 : f32
      %broadcast_in_dim3A_61 = vector.broadcast %broadcast_in_dim3A : f32 to vector<16xf32>
      %swap3A = arith.index_cast %scan3A_59 : i32 to index
      %swap3A_62 = arith.constant 0 : index
      %swap3A_63 = tpu.vector_load %arg10[%swap3A, %swap3A_62] {strides = array<i32>} : memref<80x128xf32, #tpu.memory_space<vmem>>, vector<1x16xf32>,
      %swap3A_64 = vector.shape_cast %swap3A_63 : vector<1x16xf32> to vector<16xf32>
      %swap3A_65 = vector.shape_cast %broadcast_in_dim3A_61 : vector<16xf32> to vector<1x16xf32>
      tpu.vector_store %arg10[%swap3A, %swap3A_62], %swap3A_65 {strides = array<i32>} : memref<80x128xf32, #tpu.memory_space<vmem>>, vector<1x16xf32>,
      %broadcast_in_dim3A_66 = arith.constant 0.000000e+00 : f32
      %broadcast_in_dim3A_67 = vector.broadcast %broadcast_in_dim3A_66 : f32 to vector<16xf32>
      %swap3A_68 = arith.index_cast %scan3A_59 : i32 to index
      %swap3A_69 = arith.constant 16 : index
      %swap3A_70 = tpu.vector_load %arg10[%swap3A_68, %swap3A_69] {strides = array<i32>} : memref<80x128xf32, #tpu.memory_space<vmem>>, vector<1x16xf32>,
      %swap3A_71 = vector.shape_cast %swap3A_70 : vector<1x16xf32> to vector<16xf32>
      %swap3A_72 = vector.shape_cast %broadcast_in_dim3A_67 : vector<16xf32> to vector<1x16xf32>
      tpu.vector_store %arg10[%swap3A_68, %swap3A_69], %swap3A_72 {strides = array<i32>} : memref<80x128xf32, #tpu.memory_space<vmem>>, vector<1x16xf32>,
      %broadcast_in_dim3A_73 = arith.constant 0.000000e+00 : f32
      %broadcast_in_dim3A_74 = vector.broadcast %broadcast_in_dim3A_73 : f32 to vector<16xf32>
      %swap3A_75 = arith.index_cast %scan3A_59 : i32 to index
      %swap3A_76 = arith.constant 32 : index
      %swap3A_77 = tpu.vector_load %arg10[%swap3A_75, %swap3A_76] {strides = array<i32>} : memref<80x128xf32, #tpu.memory_space<vmem>>, vector<1x16xf32>,
      %swap3A_78 = vector.shape_cast %swap3A_77 : vector<1x16xf32> to vector<16xf32>
      %swap3A_79 = vector.shape_cast %broadcast_in_dim3A_74 : vector<16xf32> to vector<1x16xf32>
      tpu.vector_store %arg10[%swap3A_75, %swap3A_76], %swap3A_79 {strides = array<i32>} : memref<80x128xf32, #tpu.memory_space<vmem>>, vector<1x16xf32>,
      %broadcast_in_dim3A_80 = arith.constant 0.000000e+00 : f32
      %broadcast_in_dim3A_81 = vector.broadcast %broadcast_in_dim3A_80 : f32 to vector<16xf32>
      %swap3A_82 = arith.index_cast %scan3A_59 : i32 to index
      %swap3A_83 = arith.constant 48 : index
      %swap3A_84 = tpu.vector_load %arg10[%swap3A_82, %swap3A_83] {strides = array<i32>} : memref<80x128xf32, #tpu.memory_space<vmem>>, vector<1x16xf32>,
      %swap3A_85 = vector.shape_cast %swap3A_84 : vector<1x16xf32> to vector<16xf32>
      %swap3A_86 = vector.shape_cast %broadcast_in_dim3A_81 : vector<16xf32> to vector<1x16xf32>
      tpu.vector_store %arg10[%swap3A_82, %swap3A_83], %swap3A_86 {strides = array<i32>} : memref<80x128xf32, #tpu.memory_space<vmem>>, vector<1x16xf32>,
      %broadcast_in_dim3A_87 = arith.constant 0.000000e+00 : f32
      %broadcast_in_dim3A_88 = vector.broadcast %broadcast_in_dim3A_87 : f32 to vector<16xf32>
      %swap3A_89 = arith.index_cast %scan3A_59 : i32 to index
      %swap3A_90 = arith.constant 64 : index
      %swap3A_91 = tpu.vector_load %arg10[%swap3A_89, %swap3A_90] {strides = array<i32>} : memref<80x128xf32, #tpu.memory_space<vmem>>, vector<1x16xf32>,
      %swap3A_92 = vector.shape_cast %swap3A_91 : vector<1x16xf32> to vector<16xf32>
      %swap3A_93 = vector.shape_cast %broadcast_in_dim3A_88 : vector<16xf32> to vector<1x16xf32>
      tpu.vector_store %arg10[%swap3A_89, %swap3A_90], %swap3A_93 {strides = array<i32>} : memref<80x128xf32, #tpu.memory_space<vmem>>, vector<1x16xf32>,
      %broadcast_in_dim3A_94 = arith.constant 0.000000e+00 : f32
      %broadcast_in_dim3A_95 = vector.broadcast %broadcast_in_dim3A_94 : f32 to vector<16xf32>
      %swap3A_96 = arith.index_cast %scan3A_59 : i32 to index
      %swap3A_97 = arith.constant 80 : index
      %swap3A_98 = tpu.vector_load %arg10[%swap3A_96, %swap3A_97] {strides = array<i32>} : memref<80x128xf32, #tpu.memory_space<vmem>>, vector<1x16xf32>,
      %swap3A_99 = vector.shape_cast %swap3A_98 : vector<1x16xf32> to vector<16xf32>
      %swap3A_100 = vector.shape_cast %broadcast_in_dim3A_95 : vector<16xf32> to vector<1x16xf32>
      tpu.vector_store %arg10[%swap3A_96, %swap3A_97], %swap3A_100 {strides = array<i32>} : memref<80x128xf32, #tpu.memory_space<vmem>>, vector<1x16xf32>,
      %broadcast_in_dim3A_101 = arith.constant 0.000000e+00 : f32
      %broadcast_in_dim3A_102 = vector.broadcast %broadcast_in_dim3A_101 : f32 to vector<16xf32>
      %swap3A_103 = arith.index_cast %scan3A_59 : i32 to index
      %swap3A_104 = arith.constant 96 : index
      %swap3A_105 = tpu.vector_load %arg10[%swap3A_103, %swap3A_104] {strides = array<i32>} : memref<80x128xf32, #tpu.memory_space<vmem>>, vector<1x16xf32>,
      %swap3A_106 = vector.shape_cast %swap3A_105 : vector<1x16xf32> to vector<16xf32>
      %swap3A_107 = vector.shape_cast %broadcast_in_dim3A_102 : vector<16xf32> to vector<1x16xf32>
      tpu.vector_store %arg10[%swap3A_103, %swap3A_104], %swap3A_107 {strides = array<i32>} : memref<80x128xf32, #tpu.memory_space<vmem>>, vector<1x16xf32>,
      %broadcast_in_dim3A_108 = arith.constant 0.000000e+00 : f32
      %broadcast_in_dim3A_109 = vector.broadcast %broadcast_in_dim3A_108 : f32 to vector<16xf32>
      %swap3A_110 = arith.index_cast %scan3A_59 : i32 to index
      %swap3A_111 = arith.constant 112 : index
      %swap3A_112 = tpu.vector_load %arg10[%swap3A_110, %swap3A_111] {strides = array<i32>} : memref<80x128xf32, #tpu.memory_space<vmem>>, vector<1x16xf32>,
      %swap3A_113 = vector.shape_cast %swap3A_112 : vector<1x16xf32> to vector<16xf32>
      %swap3A_114 = vector.shape_cast %broadcast_in_dim3A_109 : vector<16xf32> to vector<1x16xf32>
      tpu.vector_store %arg10[%swap3A_110, %swap3A_111], %swap3A_114 {strides = array<i32>} : memref<80x128xf32, #tpu.memory_space<vmem>>, vector<1x16xf32>,
      %scan3A_115 = arith.constant 0 : i32
      scf.yield %scan3A_115 : i32
    }
    %scan3A_6 = arith.constant 80 : i32
    %mul3A_7 = arith.constant 640 : i32
    %mul3A_8 = arith.muli %arg1, %mul3A_7 : i32
    %add3A_9 = arith.constant 0 : i32
    %add3A_10 = arith.addi %mul3A_8, %add3A_9 : i32
    "tpu.region"() ({
      %run_scoped3A = tpu.sem_alloc : memref<!tpu.dma_semaphore, #tpu.memory_space<semaphore_mem>>
      %dma_start3A_59 = arith.constant 0 : i32
      %dma_start3A_60 = tpu.memref_slice %arg12[%add3A_10, %dma_start3A_59] : memref<10240x128xf32, #tpu.memory_space<vmem_shared>> -> memref<80x128xf32, #tpu.memory_space<vmem_shared>>
      %dma_start3A_61 = arith.constant 0 : i32
      %dma_start3A_62 = tpu.memref_slice %arg12[%add3A_10, %dma_start3A_61] : memref<10240x128xf32, #tpu.memory_space<vmem_shared>> -> memref<80x128xf32, #tpu.memory_space<vmem_shared>>
      tpu.enqueue_dma source(%arg10 : memref<80x128xf32, #tpu.memory_space<vmem>>) target(%dma_start3A_62 : memref<80x128xf32, #tpu.memory_space<vmem_shared>>) target_semaphore(%run_scoped3A : memref<!tpu.dma_semaphore, #tpu.memory_space<semaphore_mem>>)
      %dma_wait3A_63 = arith.constant 0 : i32
      %dma_wait3A_64 = tpu.memref_slice %arg12[%add3A_10, %dma_wait3A_63] : memref<10240x128xf32, #tpu.memory_space<vmem_shared>> -> memref<80x128xf32, #tpu.memory_space<vmem_shared>>
      %dma_wait3A_65 = arith.constant 0 : i32
      %dma_wait3A_66 = tpu.memref_slice %arg12[%add3A_10, %dma_wait3A_65] : memref<10240x128xf32, #tpu.memory_space<vmem_shared>> -> memref<80x128xf32, #tpu.memory_space<vmem_shared>>
      tpu.wait_dma2 semaphore(%run_scoped3A : memref<!tpu.dma_semaphore, #tpu.memory_space<semaphore_mem>>) src(%arg10 : memref<80x128xf32, #tpu.memory_space<vmem>>) dst(%dma_wait3A_66 : memref<80x128xf32, #tpu.memory_space<vmem_shared>>)
      tpu.yield
    }) : () -> ()
    %mul3A_11 = arith.constant 640 : i32
    %mul3A_12 = arith.muli %arg1, %mul3A_11 : i32
    %add3A_13 = arith.constant 80 : i32
    %add3A_14 = arith.addi %mul3A_12, %add3A_13 : i32
    "tpu.region"() ({
      %run_scoped3A = tpu.sem_alloc : memref<!tpu.dma_semaphore, #tpu.memory_space<semaphore_mem>>
      %dma_start3A_59 = arith.constant 0 : i32
      %dma_start3A_60 = tpu.memref_slice %arg12[%add3A_14, %dma_start3A_59] : memref<10240x128xf32, #tpu.memory_space<vmem_shared>> -> memref<80x128xf32, #tpu.memory_space<vmem_shared>>
      %dma_start3A_61 = arith.constant 0 : i32
      %dma_start3A_62 = tpu.memref_slice %arg12[%add3A_14, %dma_start3A_61] : memref<10240x128xf32, #tpu.memory_space<vmem_shared>> -> memref<80x128xf32, #tpu.memory_space<vmem_shared>>
      tpu.enqueue_dma source(%arg10 : memref<80x128xf32, #tpu.memory_space<vmem>>) target(%dma_start3A_62 : memref<80x128xf32, #tpu.memory_space<vmem_shared>>) target_semaphore(%run_scoped3A : memref<!tpu.dma_semaphore, #tpu.memory_space<semaphore_mem>>)
      %dma_wait3A_63 = arith.constant 0 : i32
      %dma_wait3A_64 = tpu.memref_slice %arg12[%add3A_14, %dma_wait3A_63] : memref<10240x128xf32, #tpu.memory_space<vmem_shared>> -> memref<80x128xf32, #tpu.memory_space<vmem_shared>>
      %dma_wait3A_65 = arith.constant 0 : i32
      %dma_wait3A_66 = tpu.memref_slice %arg12[%add3A_14, %dma_wait3A_65] : memref<10240x128xf32, #tpu.memory_space<vmem_shared>> -> memref<80x128xf32, #tpu.memory_space<vmem_shared>>
      tpu.wait_dma2 semaphore(%run_scoped3A : memref<!tpu.dma_semaphore, #tpu.memory_space<semaphore_mem>>) src(%arg10 : memref<80x128xf32, #tpu.memory_space<vmem>>) dst(%dma_wait3A_66 : memref<80x128xf32, #tpu.memory_space<vmem_shared>>)
      tpu.yield
    }) : () -> ()
    %mul3A_15 = arith.constant 640 : i32
    %mul3A_16 = arith.muli %arg1, %mul3A_15 : i32
    %add3A_17 = arith.constant 160 : i32
    %add3A_18 = arith.addi %mul3A_16, %add3A_17 : i32
    "tpu.region"() ({
      %run_scoped3A = tpu.sem_alloc : memref<!tpu.dma_semaphore, #tpu.memory_space<semaphore_mem>>
      %dma_start3A_59 = arith.constant 0 : i32
      %dma_start3A_60 = tpu.memref_slice %arg12[%add3A_18, %dma_start3A_59] : memref<10240x128xf32, #tpu.memory_space<vmem_shared>> -> memref<80x128xf32, #tpu.memory_space<vmem_shared>>
      %dma_start3A_61 = arith.constant 0 : i32
      %dma_start3A_62 = tpu.memref_slice %arg12[%add3A_18, %dma_start3A_61] : memref<10240x128xf32, #tpu.memory_space<vmem_shared>> -> memref<80x128xf32, #tpu.memory_space<vmem_shared>>
      tpu.enqueue_dma source(%arg10 : memref<80x128xf32, #tpu.memory_space<vmem>>) target(%dma_start3A_62 : memref<80x128xf32, #tpu.memory_space<vmem_shared>>) target_semaphore(%run_scoped3A : memref<!tpu.dma_semaphore, #tpu.memory_space<semaphore_mem>>)
      %dma_wait3A_63 = arith.constant 0 : i32
      %dma_wait3A_64 = tpu.memref_slice %arg12[%add3A_18, %dma_wait3A_63] : memref<10240x128xf32, #tpu.memory_space<vmem_shared>> -> memref<80x128xf32, #tpu.memory_space<vmem_shared>>
      %dma_wait3A_65 = arith.constant 0 : i32
      %dma_wait3A_66 = tpu.memref_slice %arg12[%add3A_18, %dma_wait3A_65] : memref<10240x128xf32, #tpu.memory_space<vmem_shared>> -> memref<80x128xf32, #tpu.memory_space<vmem_shared>>
      tpu.wait_dma2 semaphore(%run_scoped3A : memref<!tpu.dma_semaphore, #tpu.memory_space<semaphore_mem>>) src(%arg10 : memref<80x128xf32, #tpu.memory_space<vmem>>) dst(%dma_wait3A_66 : memref<80x128xf32, #tpu.memory_space<vmem_shared>>)
      tpu.yield
    }) : () -> ()
    %mul3A_19 = arith.constant 640 : i32
    %mul3A_20 = arith.muli %arg1, %mul3A_19 : i32
    %add3A_21 = arith.constant 240 : i32
    %add3A_22 = arith.addi %mul3A_20, %add3A_21 : i32
    "tpu.region"() ({
      %run_scoped3A = tpu.sem_alloc : memref<!tpu.dma_semaphore, #tpu.memory_space<semaphore_mem>>
      %dma_start3A_59 = arith.constant 0 : i32
      %dma_start3A_60 = tpu.memref_slice %arg12[%add3A_22, %dma_start3A_59] : memref<10240x128xf32, #tpu.memory_space<vmem_shared>> -> memref<80x128xf32, #tpu.memory_space<vmem_shared>>
      %dma_start3A_61 = arith.constant 0 : i32
      %dma_start3A_62 = tpu.memref_slice %arg12[%add3A_22, %dma_start3A_61] : memref<10240x128xf32, #tpu.memory_space<vmem_shared>> -> memref<80x128xf32, #tpu.memory_space<vmem_shared>>
      tpu.enqueue_dma source(%arg10 : memref<80x128xf32, #tpu.memory_space<vmem>>) target(%dma_start3A_62 : memref<80x128xf32, #tpu.memory_space<vmem_shared>>) target_semaphore(%run_scoped3A : memref<!tpu.dma_semaphore, #tpu.memory_space<semaphore_mem>>)
      %dma_wait3A_63 = arith.constant 0 : i32
      %dma_wait3A_64 = tpu.memref_slice %arg12[%add3A_22, %dma_wait3A_63] : memref<10240x128xf32, #tpu.memory_space<vmem_shared>> -> memref<80x128xf32, #tpu.memory_space<vmem_shared>>
      %dma_wait3A_65 = arith.constant 0 : i32
      %dma_wait3A_66 = tpu.memref_slice %arg12[%add3A_22, %dma_wait3A_65] : memref<10240x128xf32, #tpu.memory_space<vmem_shared>> -> memref<80x128xf32, #tpu.memory_space<vmem_shared>>
      tpu.wait_dma2 semaphore(%run_scoped3A : memref<!tpu.dma_semaphore, #tpu.memory_space<semaphore_mem>>) src(%arg10 : memref<80x128xf32, #tpu.memory_space<vmem>>) dst(%dma_wait3A_66 : memref<80x128xf32, #tpu.memory_space<vmem_shared>>)
      tpu.yield
    }) : () -> ()
    %mul3A_23 = arith.constant 640 : i32
    %mul3A_24 = arith.muli %arg1, %mul3A_23 : i32
    %add3A_25 = arith.constant 320 : i32
    %add3A_26 = arith.addi %mul3A_24, %add3A_25 : i32
    "tpu.region"() ({
      %run_scoped3A = tpu.sem_alloc : memref<!tpu.dma_semaphore, #tpu.memory_space<semaphore_mem>>
      %dma_start3A_59 = arith.constant 0 : i32
      %dma_start3A_60 = tpu.memref_slice %arg12[%add3A_26, %dma_start3A_59] : memref<10240x128xf32, #tpu.memory_space<vmem_shared>> -> memref<80x128xf32, #tpu.memory_space<vmem_shared>>
      %dma_start3A_61 = arith.constant 0 : i32
      %dma_start3A_62 = tpu.memref_slice %arg12[%add3A_26, %dma_start3A_61] : memref<10240x128xf32, #tpu.memory_space<vmem_shared>> -> memref<80x128xf32, #tpu.memory_space<vmem_shared>>
      tpu.enqueue_dma source(%arg10 : memref<80x128xf32, #tpu.memory_space<vmem>>) target(%dma_start3A_62 : memref<80x128xf32, #tpu.memory_space<vmem_shared>>) target_semaphore(%run_scoped3A : memref<!tpu.dma_semaphore, #tpu.memory_space<semaphore_mem>>)
      %dma_wait3A_63 = arith.constant 0 : i32
      %dma_wait3A_64 = tpu.memref_slice %arg12[%add3A_26, %dma_wait3A_63] : memref<10240x128xf32, #tpu.memory_space<vmem_shared>> -> memref<80x128xf32, #tpu.memory_space<vmem_shared>>
      %dma_wait3A_65 = arith.constant 0 : i32
      %dma_wait3A_66 = tpu.memref_slice %arg12[%add3A_26, %dma_wait3A_65] : memref<10240x128xf32, #tpu.memory_space<vmem_shared>> -> memref<80x128xf32, #tpu.memory_space<vmem_shared>>
      tpu.wait_dma2 semaphore(%run_scoped3A : memref<!tpu.dma_semaphore, #tpu.memory_space<semaphore_mem>>) src(%arg10 : memref<80x128xf32, #tpu.memory_space<vmem>>) dst(%dma_wait3A_66 : memref<80x128xf32, #tpu.memory_space<vmem_shared>>)
      tpu.yield
    }) : () -> ()
    %mul3A_27 = arith.constant 640 : i32
    %mul3A_28 = arith.muli %arg1, %mul3A_27 : i32
    %add3A_29 = arith.constant 400 : i32
    %add3A_30 = arith.addi %mul3A_28, %add3A_29 : i32
    "tpu.region"() ({
      %run_scoped3A = tpu.sem_alloc : memref<!tpu.dma_semaphore, #tpu.memory_space<semaphore_mem>>
      %dma_start3A_59 = arith.constant 0 : i32
      %dma_start3A_60 = tpu.memref_slice %arg12[%add3A_30, %dma_start3A_59] : memref<10240x128xf32, #tpu.memory_space<vmem_shared>> -> memref<80x128xf32, #tpu.memory_space<vmem_shared>>
      %dma_start3A_61 = arith.constant 0 : i32
      %dma_start3A_62 = tpu.memref_slice %arg12[%add3A_30, %dma_start3A_61] : memref<10240x128xf32, #tpu.memory_space<vmem_shared>> -> memref<80x128xf32, #tpu.memory_space<vmem_shared>>
      tpu.enqueue_dma source(%arg10 : memref<80x128xf32, #tpu.memory_space<vmem>>) target(%dma_start3A_62 : memref<80x128xf32, #tpu.memory_space<vmem_shared>>) target_semaphore(%run_scoped3A : memref<!tpu.dma_semaphore, #tpu.memory_space<semaphore_mem>>)
      %dma_wait3A_63 = arith.constant 0 : i32
      %dma_wait3A_64 = tpu.memref_slice %arg12[%add3A_30, %dma_wait3A_63] : memref<10240x128xf32, #tpu.memory_space<vmem_shared>> -> memref<80x128xf32, #tpu.memory_space<vmem_shared>>
      %dma_wait3A_65 = arith.constant 0 : i32
      %dma_wait3A_66 = tpu.memref_slice %arg12[%add3A_30, %dma_wait3A_65] : memref<10240x128xf32, #tpu.memory_space<vmem_shared>> -> memref<80x128xf32, #tpu.memory_space<vmem_shared>>
      tpu.wait_dma2 semaphore(%run_scoped3A : memref<!tpu.dma_semaphore, #tpu.memory_space<semaphore_mem>>) src(%arg10 : memref<80x128xf32, #tpu.memory_space<vmem>>) dst(%dma_wait3A_66 : memref<80x128xf32, #tpu.memory_space<vmem_shared>>)
      tpu.yield
    }) : () -> ()
    %mul3A_31 = arith.constant 640 : i32
    %mul3A_32 = arith.muli %arg1, %mul3A_31 : i32
    %add3A_33 = arith.constant 480 : i32
    %add3A_34 = arith.addi %mul3A_32, %add3A_33 : i32
    "tpu.region"() ({
      %run_scoped3A = tpu.sem_alloc : memref<!tpu.dma_semaphore, #tpu.memory_space<semaphore_mem>>
      %dma_start3A_59 = arith.constant 0 : i32
      %dma_start3A_60 = tpu.memref_slice %arg12[%add3A_34, %dma_start3A_59] : memref<10240x128xf32, #tpu.memory_space<vmem_shared>> -> memref<80x128xf32, #tpu.memory_space<vmem_shared>>
      %dma_start3A_61 = arith.constant 0 : i32
      %dma_start3A_62 = tpu.memref_slice %arg12[%add3A_34, %dma_start3A_61] : memref<10240x128xf32, #tpu.memory_space<vmem_shared>> -> memref<80x128xf32, #tpu.memory_space<vmem_shared>>
      tpu.enqueue_dma source(%arg10 : memref<80x128xf32, #tpu.memory_space<vmem>>) target(%dma_start3A_62 : memref<80x128xf32, #tpu.memory_space<vmem_shared>>) target_semaphore(%run_scoped3A : memref<!tpu.dma_semaphore, #tpu.memory_space<semaphore_mem>>)
      %dma_wait3A_63 = arith.constant 0 : i32
      %dma_wait3A_64 = tpu.memref_slice %arg12[%add3A_34, %dma_wait3A_63] : memref<10240x128xf32, #tpu.memory_space<vmem_shared>> -> memref<80x128xf32, #tpu.memory_space<vmem_shared>>
      %dma_wait3A_65 = arith.constant 0 : i32
      %dma_wait3A_66 = tpu.memref_slice %arg12[%add3A_34, %dma_wait3A_65] : memref<10240x128xf32, #tpu.memory_space<vmem_shared>> -> memref<80x128xf32, #tpu.memory_space<vmem_shared>>
      tpu.wait_dma2 semaphore(%run_scoped3A : memref<!tpu.dma_semaphore, #tpu.memory_space<semaphore_mem>>) src(%arg10 : memref<80x128xf32, #tpu.memory_space<vmem>>) dst(%dma_wait3A_66 : memref<80x128xf32, #tpu.memory_space<vmem_shared>>)
      tpu.yield
    }) : () -> ()
    %mul3A_35 = arith.constant 640 : i32
    %mul3A_36 = arith.muli %arg1, %mul3A_35 : i32
    %add3A_37 = arith.constant 560 : i32
    %add3A_38 = arith.addi %mul3A_36, %add3A_37 : i32
    "tpu.region"() ({
      %run_scoped3A = tpu.sem_alloc : memref<!tpu.dma_semaphore, #tpu.memory_space<semaphore_mem>>
      %dma_start3A_59 = arith.constant 0 : i32
      %dma_start3A_60 = tpu.memref_slice %arg12[%add3A_38, %dma_start3A_59] : memref<10240x128xf32, #tpu.memory_space<vmem_shared>> -> memref<80x128xf32, #tpu.memory_space<vmem_shared>>
      %dma_start3A_61 = arith.constant 0 : i32
      %dma_start3A_62 = tpu.memref_slice %arg12[%add3A_38, %dma_start3A_61] : memref<10240x128xf32, #tpu.memory_space<vmem_shared>> -> memref<80x128xf32, #tpu.memory_space<vmem_shared>>
      tpu.enqueue_dma source(%arg10 : memref<80x128xf32, #tpu.memory_space<vmem>>) target(%dma_start3A_62 : memref<80x128xf32, #tpu.memory_space<vmem_shared>>) target_semaphore(%run_scoped3A : memref<!tpu.dma_semaphore, #tpu.memory_space<semaphore_mem>>)
      %dma_wait3A_63 = arith.constant 0 : i32
      %dma_wait3A_64 = tpu.memref_slice %arg12[%add3A_38, %dma_wait3A_63] : memref<10240x128xf32, #tpu.memory_space<vmem_shared>> -> memref<80x128xf32, #tpu.memory_space<vmem_shared>>
      %dma_wait3A_65 = arith.constant 0 : i32
      %dma_wait3A_66 = tpu.memref_slice %arg12[%add3A_38, %dma_wait3A_65] : memref<10240x128xf32, #tpu.memory_space<vmem_shared>> -> memref<80x128xf32, #tpu.memory_space<vmem_shared>>
      tpu.wait_dma2 semaphore(%run_scoped3A : memref<!tpu.dma_semaphore, #tpu.memory_space<semaphore_mem>>) src(%arg10 : memref<80x128xf32, #tpu.memory_space<vmem>>) dst(%dma_wait3A_66 : memref<80x128xf32, #tpu.memory_space<vmem_shared>>)
      tpu.yield
    }) : () -> ()
    %barrier3A = arith.constant 0 : index
    tpu.barrier barrier_id(%barrier3A)
    %scan3A_39 = arith.constant 0 : i32
    %scan3A_40 = arith.constant 0 : i32
    %scan3A_41 = arith.constant 62 : i32
    %scan3A_42 = arith.addi %scan3A_40, %scan3A_41 : i32
    %scan3A_43 = arith.constant 1 : i32
    %scan3A_44 = scf.for %scan3A_59 = %scan3A_40 to %scan3A_42 step %scan3A_43 iter_args(%scan3A_60 = %scan3A_39) -> (i32)  : i32 {
      %mul3A_61 = arith.constant 10000 : i32
      %mul3A_62 = arith.muli %add3A, %mul3A_61 : i32
      %mul3A_63 = arith.constant 2 : i32
      %mul3A_64 = arith.muli %mul3A_63, %scan3A_59 : i32
      %mul3A_65 = arith.constant 80 : i32
      %mul3A_66 = arith.muli %mul3A_64, %mul3A_65 : i32
      %add3A_67 = arith.addi %mul3A_62, %mul3A_66 : i32
      "tpu.region"() ({
        %run_scoped3A = tpu.sem_alloc : memref<!tpu.dma_semaphore, #tpu.memory_space<semaphore_mem>>
        %dma_start3A_83 = tpu.memref_slice %arg3[%add3A_67] : memref<320000xi32, #tpu.memory_space<hbm>> -> memref<80xi32, #tpu.memory_space<hbm>>
        %dma_start3A_84 = tpu.memref_slice %arg3[%add3A_67] : memref<320000xi32, #tpu.memory_space<hbm>> -> memref<80xi32, #tpu.memory_space<hbm>>
        tpu.enqueue_dma source(%dma_start3A_84 : memref<80xi32, #tpu.memory_space<hbm>>) target(%arg6 : memref<80xi32, #tpu.memory_space<vmem>>) target_semaphore(%run_scoped3A : memref<!tpu.dma_semaphore, #tpu.memory_space<semaphore_mem>>)
        %dma_wait3A_85 = tpu.memref_slice %arg3[%add3A_67] : memref<320000xi32, #tpu.memory_space<hbm>> -> memref<80xi32, #tpu.memory_space<hbm>>
        %dma_wait3A_86 = tpu.memref_slice %arg3[%add3A_67] : memref<320000xi32, #tpu.memory_space<hbm>> -> memref<80xi32, #tpu.memory_space<hbm>>
        tpu.wait_dma2 semaphore(%run_scoped3A : memref<!tpu.dma_semaphore, #tpu.memory_space<semaphore_mem>>) src(%dma_wait3A_86 : memref<80xi32, #tpu.memory_space<hbm>>) dst(%arg6 : memref<80xi32, #tpu.memory_space<vmem>>)
        tpu.yield
      }) : () -> ()
      "tpu.region"() ({
        %run_scoped3A = tpu.sem_alloc : memref<!tpu.dma_semaphore, #tpu.memory_space<semaphore_mem>>
        %dma_start3A_83 = tpu.memref_slice %arg4[%add3A_67] : memref<320000xi32, #tpu.memory_space<hbm>> -> memref<80xi32, #tpu.memory_space<hbm>>
        %dma_start3A_84 = tpu.memref_slice %arg4[%add3A_67] : memref<320000xi32, #tpu.memory_space<hbm>> -> memref<80xi32, #tpu.memory_space<hbm>>
        tpu.enqueue_dma source(%dma_start3A_84 : memref<80xi32, #tpu.memory_space<hbm>>) target(%arg7 : memref<80xi32, #tpu.memory_space<vmem>>) target_semaphore(%run_scoped3A : memref<!tpu.dma_semaphore, #tpu.memory_space<semaphore_mem>>)
        %dma_wait3A_85 = tpu.memref_slice %arg4[%add3A_67] : memref<320000xi32, #tpu.memory_space<hbm>> -> memref<80xi32, #tpu.memory_space<hbm>>
        %dma_wait3A_86 = tpu.memref_slice %arg4[%add3A_67] : memref<320000xi32, #tpu.memory_space<hbm>> -> memref<80xi32, #tpu.memory_space<hbm>>
        tpu.wait_dma2 semaphore(%run_scoped3A : memref<!tpu.dma_semaphore, #tpu.memory_space<semaphore_mem>>) src(%dma_wait3A_86 : memref<80xi32, #tpu.memory_space<hbm>>) dst(%arg7 : memref<80xi32, #tpu.memory_space<vmem>>)
        tpu.yield
      }) : () -> ()
      %dma_start3A_68 = arith.constant 0 : i32
      %dma_start3A_69 = arith.constant 0 : i32
      %dma_start3A_70 = tpu.memref_slice %arg2[%dma_start3A_68, %dma_start3A_69] : memref<10000x128xf32, #tpu.memory_space<hbm>> -> memref<10000x128xf32, #tpu.memory_space<hbm>>
      tpu.enqueue_indirect_dma source(%dma_start3A_70 : memref<10000x128xf32, #tpu.memory_space<hbm>>) target(%arg10 : memref<80x128xf32, #tpu.memory_space<vmem>>) offsets(%arg6 : memref<80xi32, #tpu.memory_space<vmem>>) semaphore(%arg13 : memref<!tpu.dma_semaphore, #tpu.memory_space<semaphore_mem>>)
      %dma_wait3A_71 = arith.constant 0 : i32
      %dma_wait3A_72 = arith.constant 0 : i32
      %dma_wait3A_73 = tpu.memref_slice %arg2[%dma_wait3A_71, %dma_wait3A_72] : memref<10000x128xf32, #tpu.memory_space<hbm>> -> memref<10000x128xf32, #tpu.memory_space<hbm>>
      tpu.wait_indirect_dma semaphore(%arg13 : memref<!tpu.dma_semaphore, #tpu.memory_space<semaphore_mem>>) src(%dma_wait3A_73 : memref<10000x128xf32, #tpu.memory_space<hbm>>) dst(%arg10 : memref<80x128xf32, #tpu.memory_space<vmem>>)
      "tpu.region"() ({
        %run_scoped3A = tpu.sem_alloc : memref<!tpu.dma_semaphore, #tpu.memory_space<semaphore_mem>>
        %dma_start3A_83 = arith.constant 0 : i32
        %dma_start3A_84 = arith.constant 0 : i32
        %dma_start3A_85 = tpu.memref_slice %arg12[%dma_start3A_83, %dma_start3A_84] : memref<10240x128xf32, #tpu.memory_space<vmem_shared>> -> memref<10240x128xf32, #tpu.memory_space<vmem_shared>>
        tpu.enqueue_indirect_dma source(%arg10 : memref<80x128xf32, #tpu.memory_space<vmem>>) target(%dma_start3A_85 : memref<10240x128xf32, #tpu.memory_space<vmem_shared>>) offsets(%arg7 : memref<80xi32, #tpu.memory_space<vmem>>) semaphore(%run_scoped3A : memref<!tpu.dma_semaphore, #tpu.memory_space<semaphore_mem>>) {add = true}
        %dma_wait3A_86 = arith.constant 0 : i32
        %dma_wait3A_87 = arith.constant 0 : i32
        %dma_wait3A_88 = tpu.memref_slice %arg12[%dma_wait3A_86, %dma_wait3A_87] : memref<10240x128xf32, #tpu.memory_space<vmem_shared>> -> memref<10240x128xf32, #tpu.memory_space<vmem_shared>>
        tpu.wait_indirect_dma semaphore(%run_scoped3A : memref<!tpu.dma_semaphore, #tpu.memory_space<semaphore_mem>>) src(%arg10 : memref<80x128xf32, #tpu.memory_space<vmem>>) dst(%dma_wait3A_88 : memref<10240x128xf32, #tpu.memory_space<vmem_shared>>)
        tpu.yield
      }) : () -> ()
      %add3A_74 = arith.constant 80 : i32
      %add3A_75 = arith.addi %add3A_67, %add3A_74 : i32
      "tpu.region"() ({
        %run_scoped3A = tpu.sem_alloc : memref<!tpu.dma_semaphore, #tpu.memory_space<semaphore_mem>>
        %dma_start3A_83 = tpu.memref_slice %arg3[%add3A_75] : memref<320000xi32, #tpu.memory_space<hbm>> -> memref<80xi32, #tpu.memory_space<hbm>>
        %dma_start3A_84 = tpu.memref_slice %arg3[%add3A_75] : memref<320000xi32, #tpu.memory_space<hbm>> -> memref<80xi32, #tpu.memory_space<hbm>>
        tpu.enqueue_dma source(%dma_start3A_84 : memref<80xi32, #tpu.memory_space<hbm>>) target(%arg8 : memref<80xi32, #tpu.memory_space<vmem>>) target_semaphore(%run_scoped3A : memref<!tpu.dma_semaphore, #tpu.memory_space<semaphore_mem>>)
        %dma_wait3A_85 = tpu.memref_slice %arg3[%add3A_75] : memref<320000xi32, #tpu.memory_space<hbm>> -> memref<80xi32, #tpu.memory_space<hbm>>
        %dma_wait3A_86 = tpu.memref_slice %arg3[%add3A_75] : memref<320000xi32, #tpu.memory_space<hbm>> -> memref<80xi32, #tpu.memory_space<hbm>>
        tpu.wait_dma2 semaphore(%run_scoped3A : memref<!tpu.dma_semaphore, #tpu.memory_space<semaphore_mem>>) src(%dma_wait3A_86 : memref<80xi32, #tpu.memory_space<hbm>>) dst(%arg8 : memref<80xi32, #tpu.memory_space<vmem>>)
        tpu.yield
      }) : () -> ()
      "tpu.region"() ({
        %run_scoped3A = tpu.sem_alloc : memref<!tpu.dma_semaphore, #tpu.memory_space<semaphore_mem>>
        %dma_start3A_83 = tpu.memref_slice %arg4[%add3A_75] : memref<320000xi32, #tpu.memory_space<hbm>> -> memref<80xi32, #tpu.memory_space<hbm>>
        %dma_start3A_84 = tpu.memref_slice %arg4[%add3A_75] : memref<320000xi32, #tpu.memory_space<hbm>> -> memref<80xi32, #tpu.memory_space<hbm>>
        tpu.enqueue_dma source(%dma_start3A_84 : memref<80xi32, #tpu.memory_space<hbm>>) target(%arg9 : memref<80xi32, #tpu.memory_space<vmem>>) target_semaphore(%run_scoped3A : memref<!tpu.dma_semaphore, #tpu.memory_space<semaphore_mem>>)
        %dma_wait3A_85 = tpu.memref_slice %arg4[%add3A_75] : memref<320000xi32, #tpu.memory_space<hbm>> -> memref<80xi32, #tpu.memory_space<hbm>>
        %dma_wait3A_86 = tpu.memref_slice %arg4[%add3A_75] : memref<320000xi32, #tpu.memory_space<hbm>> -> memref<80xi32, #tpu.memory_space<hbm>>
        tpu.wait_dma2 semaphore(%run_scoped3A : memref<!tpu.dma_semaphore, #tpu.memory_space<semaphore_mem>>) src(%dma_wait3A_86 : memref<80xi32, #tpu.memory_space<hbm>>) dst(%arg9 : memref<80xi32, #tpu.memory_space<vmem>>)
        tpu.yield
      }) : () -> ()
      %dma_start3A_76 = arith.constant 0 : i32
      %dma_start3A_77 = arith.constant 0 : i32
      %dma_start3A_78 = tpu.memref_slice %arg2[%dma_start3A_76, %dma_start3A_77] : memref<10000x128xf32, #tpu.memory_space<hbm>> -> memref<10000x128xf32, #tpu.memory_space<hbm>>
      tpu.enqueue_indirect_dma source(%dma_start3A_78 : memref<10000x128xf32, #tpu.memory_space<hbm>>) target(%arg11 : memref<80x128xf32, #tpu.memory_space<vmem>>) offsets(%arg8 : memref<80xi32, #tpu.memory_space<vmem>>) semaphore(%arg14 : memref<!tpu.dma_semaphore, #tpu.memory_space<semaphore_mem>>)
      %dma_wait3A_79 = arith.constant 0 : i32
      %dma_wait3A_80 = arith.constant 0 : i32
      %dma_wait3A_81 = tpu.memref_slice %arg2[%dma_wait3A_79, %dma_wait3A_80] : memref<10000x128xf32, #tpu.memory_space<hbm>> -> memref<10000x128xf32, #tpu.memory_space<hbm>>
      tpu.wait_indirect_dma semaphore(%arg14 : memref<!tpu.dma_semaphore, #tpu.memory_space<semaphore_mem>>) src(%dma_wait3A_81 : memref<10000x128xf32, #tpu.memory_space<hbm>>) dst(%arg11 : memref<80x128xf32, #tpu.memory_space<vmem>>)
      "tpu.region"() ({
        %run_scoped3A = tpu.sem_alloc : memref<!tpu.dma_semaphore, #tpu.memory_space<semaphore_mem>>
        %dma_start3A_83 = arith.constant 0 : i32
        %dma_start3A_84 = arith.constant 0 : i32
        %dma_start3A_85 = tpu.memref_slice %arg12[%dma_start3A_83, %dma_start3A_84] : memref<10240x128xf32, #tpu.memory_space<vmem_shared>> -> memref<10240x128xf32, #tpu.memory_space<vmem_shared>>
        tpu.enqueue_indirect_dma source(%arg11 : memref<80x128xf32, #tpu.memory_space<vmem>>) target(%dma_start3A_85 : memref<10240x128xf32, #tpu.memory_space<vmem_shared>>) offsets(%arg9 : memref<80xi32, #tpu.memory_space<vmem>>) semaphore(%run_scoped3A : memref<!tpu.dma_semaphore, #tpu.memory_space<semaphore_mem>>) {add = true}
        %dma_wait3A_86 = arith.constant 0 : i32
        %dma_wait3A_87 = arith.constant 0 : i32
        %dma_wait3A_88 = tpu.memref_slice %arg12[%dma_wait3A_86, %dma_wait3A_87] : memref<10240x128xf32, #tpu.memory_space<vmem_shared>> -> memref<10240x128xf32, #tpu.memory_space<vmem_shared>>
        tpu.wait_indirect_dma semaphore(%run_scoped3A : memref<!tpu.dma_semaphore, #tpu.memory_space<semaphore_mem>>) src(%arg11 : memref<80x128xf32, #tpu.memory_space<vmem>>) dst(%dma_wait3A_88 : memref<10240x128xf32, #tpu.memory_space<vmem_shared>>)
        tpu.yield
      }) : () -> ()
      %scan3A_82 = arith.constant 0 : i32
      scf.yield %scan3A_82 : i32
    }
    %scan3A_45 = arith.constant 62 : i32
    %mul3A_46 = arith.constant 10000 : i32
    %mul3A_47 = arith.muli %add3A, %mul3A_46 : i32
    %add3A_48 = arith.constant 9920 : i32
    %add3A_49 = arith.addi %mul3A_47, %add3A_48 : i32
    "tpu.region"() ({
      %run_scoped3A = tpu.sem_alloc : memref<!tpu.dma_semaphore, #tpu.memory_space<semaphore_mem>>
      %dma_start3A_59 = tpu.memref_slice %arg3[%add3A_49] : memref<320000xi32, #tpu.memory_space<hbm>> -> memref<80xi32, #tpu.memory_space<hbm>>
      %dma_start3A_60 = tpu.memref_slice %arg3[%add3A_49] : memref<320000xi32, #tpu.memory_space<hbm>> -> memref<80xi32, #tpu.memory_space<hbm>>
      tpu.enqueue_dma source(%dma_start3A_60 : memref<80xi32, #tpu.memory_space<hbm>>) target(%arg6 : memref<80xi32, #tpu.memory_space<vmem>>) target_semaphore(%run_scoped3A : memref<!tpu.dma_semaphore, #tpu.memory_space<semaphore_mem>>)
      %dma_wait3A_61 = tpu.memref_slice %arg3[%add3A_49] : memref<320000xi32, #tpu.memory_space<hbm>> -> memref<80xi32, #tpu.memory_space<hbm>>
      %dma_wait3A_62 = tpu.memref_slice %arg3[%add3A_49] : memref<320000xi32, #tpu.memory_space<hbm>> -> memref<80xi32, #tpu.memory_space<hbm>>
      tpu.wait_dma2 semaphore(%run_scoped3A : memref<!tpu.dma_semaphore, #tpu.memory_space<semaphore_mem>>) src(%dma_wait3A_62 : memref<80xi32, #tpu.memory_space<hbm>>) dst(%arg6 : memref<80xi32, #tpu.memory_space<vmem>>)
      tpu.yield
    }) : () -> ()
    "tpu.region"() ({
      %run_scoped3A = tpu.sem_alloc : memref<!tpu.dma_semaphore, #tpu.memory_space<semaphore_mem>>
      %dma_start3A_59 = tpu.memref_slice %arg4[%add3A_49] : memref<320000xi32, #tpu.memory_space<hbm>> -> memref<80xi32, #tpu.memory_space<hbm>>
      %dma_start3A_60 = tpu.memref_slice %arg4[%add3A_49] : memref<320000xi32, #tpu.memory_space<hbm>> -> memref<80xi32, #tpu.memory_space<hbm>>
      tpu.enqueue_dma source(%dma_start3A_60 : memref<80xi32, #tpu.memory_space<hbm>>) target(%arg7 : memref<80xi32, #tpu.memory_space<vmem>>) target_semaphore(%run_scoped3A : memref<!tpu.dma_semaphore, #tpu.memory_space<semaphore_mem>>)
      %dma_wait3A_61 = tpu.memref_slice %arg4[%add3A_49] : memref<320000xi32, #tpu.memory_space<hbm>> -> memref<80xi32, #tpu.memory_space<hbm>>
      %dma_wait3A_62 = tpu.memref_slice %arg4[%add3A_49] : memref<320000xi32, #tpu.memory_space<hbm>> -> memref<80xi32, #tpu.memory_space<hbm>>
      tpu.wait_dma2 semaphore(%run_scoped3A : memref<!tpu.dma_semaphore, #tpu.memory_space<semaphore_mem>>) src(%dma_wait3A_62 : memref<80xi32, #tpu.memory_space<hbm>>) dst(%arg7 : memref<80xi32, #tpu.memory_space<vmem>>)
      tpu.yield
    }) : () -> ()
    %dma_start3A = arith.constant 0 : i32
    %dma_start3A_50 = arith.constant 0 : i32
    %dma_start3A_51 = tpu.memref_slice %arg2[%dma_start3A, %dma_start3A_50] : memref<10000x128xf32, #tpu.memory_space<hbm>> -> memref<10000x128xf32, #tpu.memory_space<hbm>>
    tpu.enqueue_indirect_dma source(%dma_start3A_51 : memref<10000x128xf32, #tpu.memory_space<hbm>>) target(%arg10 : memref<80x128xf32, #tpu.memory_space<vmem>>) offsets(%arg6 : memref<80xi32, #tpu.memory_space<vmem>>) semaphore(%arg13 : memref<!tpu.dma_semaphore, #tpu.memory_space<semaphore_mem>>)
    %dma_wait3A = arith.constant 0 : i32
    %dma_wait3A_52 = arith.constant 0 : i32
    %dma_wait3A_53 = tpu.memref_slice %arg2[%dma_wait3A, %dma_wait3A_52] : memref<10000x128xf32, #tpu.memory_space<hbm>> -> memref<10000x128xf32, #tpu.memory_space<hbm>>
    tpu.wait_indirect_dma semaphore(%arg13 : memref<!tpu.dma_semaphore, #tpu.memory_space<semaphore_mem>>) src(%dma_wait3A_53 : memref<10000x128xf32, #tpu.memory_space<hbm>>) dst(%arg10 : memref<80x128xf32, #tpu.memory_space<vmem>>)
    "tpu.region"() ({
      %run_scoped3A = tpu.sem_alloc : memref<!tpu.dma_semaphore, #tpu.memory_space<semaphore_mem>>
      %dma_start3A_59 = arith.constant 0 : i32
      %dma_start3A_60 = arith.constant 0 : i32
      %dma_start3A_61 = tpu.memref_slice %arg12[%dma_start3A_59, %dma_start3A_60] : memref<10240x128xf32, #tpu.memory_space<vmem_shared>> -> memref<10240x128xf32, #tpu.memory_space<vmem_shared>>
      tpu.enqueue_indirect_dma source(%arg10 : memref<80x128xf32, #tpu.memory_space<vmem>>) target(%dma_start3A_61 : memref<10240x128xf32, #tpu.memory_space<vmem_shared>>) offsets(%arg7 : memref<80xi32, #tpu.memory_space<vmem>>) semaphore(%run_scoped3A : memref<!tpu.dma_semaphore, #tpu.memory_space<semaphore_mem>>) {add = true}
      %dma_wait3A_62 = arith.constant 0 : i32
      %dma_wait3A_63 = arith.constant 0 : i32
      %dma_wait3A_64 = tpu.memref_slice %arg12[%dma_wait3A_62, %dma_wait3A_63] : memref<10240x128xf32, #tpu.memory_space<vmem_shared>> -> memref<10240x128xf32, #tpu.memory_space<vmem_shared>>
      tpu.wait_indirect_dma semaphore(%run_scoped3A : memref<!tpu.dma_semaphore, #tpu.memory_space<semaphore_mem>>) src(%arg10 : memref<80x128xf32, #tpu.memory_space<vmem>>) dst(%dma_wait3A_64 : memref<10240x128xf32, #tpu.memory_space<vmem_shared>>)
      tpu.yield
    }) : () -> ()
    %barrier3A_54 = arith.constant 0 : index
    tpu.barrier barrier_id(%barrier3A_54)
    %mul3A_55 = arith.constant 640 : i32
    %mul3A_56 = arith.muli %arg1, %mul3A_55 : i32
    %mul3A_57 = arith.constant 640 : i32
    %mul3A_58 = arith.muli %arg1, %mul3A_57 : i32
    "tpu.region"() ({
      %run_scoped3A = tpu.sem_alloc : memref<!tpu.dma_semaphore, #tpu.memory_space<semaphore_mem>>
      %dma_start3A_59 = arith.constant 0 : i32
      %dma_start3A_60 = tpu.memref_slice %arg5[%arg0, %mul3A_58, %dma_start3A_59] : memref<2x10240x128xf32, #tpu.memory_space<hbm>> -> memref<1x640x128xf32, #tpu.memory_space<hbm>>
      %dma_start3A_61 = tpu.memref_squeeze %dma_start3A_60 : memref<1x640x128xf32, #tpu.memory_space<hbm>> -> memref<640x128xf32, #tpu.memory_space<hbm>>
      %dma_start3A_62 = arith.constant 0 : i32
      %dma_start3A_63 = tpu.memref_slice %arg12[%mul3A_56, %dma_start3A_62] : memref<10240x128xf32, #tpu.memory_space<vmem_shared>> -> memref<640x128xf32, #tpu.memory_space<vmem_shared>>
      tpu.enqueue_dma source(%dma_start3A_63 : memref<640x128xf32, #tpu.memory_space<vmem_shared>>) target(%dma_start3A_61 : memref<640x128xf32, #tpu.memory_space<hbm>>) target_semaphore(%run_scoped3A : memref<!tpu.dma_semaphore, #tpu.memory_space<semaphore_mem>>)
      %dma_wait3A_64 = arith.constant 0 : i32
      %dma_wait3A_65 = tpu.memref_slice %arg5[%arg0, %mul3A_58, %dma_wait3A_64] : memref<2x10240x128xf32, #tpu.memory_space<hbm>> -> memref<1x640x128xf32, #tpu.memory_space<hbm>>
      %dma_wait3A_66 = tpu.memref_squeeze %dma_wait3A_65 : memref<1x640x128xf32, #tpu.memory_space<hbm>> -> memref<640x128xf32, #tpu.memory_space<hbm>>
      %dma_wait3A_67 = arith.constant 0 : i32
      %dma_wait3A_68 = tpu.memref_slice %arg12[%mul3A_56, %dma_wait3A_67] : memref<10240x128xf32, #tpu.memory_space<vmem_shared>> -> memref<640x128xf32, #tpu.memory_space<vmem_shared>>
      tpu.wait_dma2 semaphore(%run_scoped3A : memref<!tpu.dma_semaphore, #tpu.memory_space<semaphore_mem>>) src(%dma_wait3A_68 : memref<640x128xf32, #tpu.memory_space<vmem_shared>>) dst(%dma_wait3A_66 : memref<640x128xf32, #tpu.memory_space<hbm>>)
      tpu.yield
    }) : () -> ()
    return
  }
}

module attributes {stable_mosaic.version = 14 : i64} {
  func.func @_t1_body(%arg0: i32, %arg1: memref<2x1000x16xf32, #tpu.memory_space<vmem>>, %arg2: memref<1000x128xf32, #tpu.memory_space<vmem>>, %arg3: memref<128x128xf32, #tpu.memory_space<vmem>>, %arg4: memref<1000x128xf32, #tpu.memory_space<vmem>>, %arg5: memref<1000x1xf32, #tpu.memory_space<vmem>>) attributes {dimension_semantics = [#tpu.dimension_semantics<arbitrary>], iteration_bounds = array<i64: 10>, scalar_prefetch = 0 : i64, scratch_operands = 0 : i64, tpu.core_type = #tpu.core_type<tc>, window_params = [{transform_indices = @transform_0, window_bounds = array<i64: 2, 1000, 16>}, {transform_indices = @transform_1, window_bounds = array<i64: 1000, 128>}, {pipeline_mode = #tpu.pipeline_mode<synchronous>, transform_indices = @transform_2, window_bounds = array<i64: 128, 128>}, {transform_indices = @transform_3, window_bounds = array<i64: 1000, 128>}, {transform_indices = @transform_4, window_bounds = array<i64: 1000, 1>}]} {
    %get3A = arith.constant 0 : index
    %get3A_0 = arith.constant 0 : index
    %get3A_1 = arith.constant 0 : index
    %get3A_2 = vector.load %arg1[%get3A, %get3A_0, %get3A_1] : memref<2x1000x16xf32, #tpu.memory_space<vmem>>, vector<1x1000x1xf32>
    %get3A_3 = vector.shape_cast %get3A_2 : vector<1x1000x1xf32> to vector<1000x1xf32>
    %get3A_4 = arith.constant 1 : index
    %get3A_5 = arith.constant 0 : index
    %get3A_6 = arith.constant 0 : index
    %get3A_7 = vector.load %arg1[%get3A_4, %get3A_5, %get3A_6] : memref<2x1000x16xf32, #tpu.memory_space<vmem>>, vector<1x1000x1xf32>
    %get3A_8 = vector.shape_cast %get3A_7 : vector<1x1000x1xf32> to vector<1000x1xf32>
    %add3A = arith.addf %get3A_3, %get3A_8 : vector<1000x1xf32>
    %add3A_9 = arith.constant 1.000000e+00 : f32
    %add3A_10 = vector.broadcast %add3A_9 : f32 to vector<1000x1xf32>
    %add3A_11 = arith.addf %add3A, %add3A_10 : vector<1000x1xf32>
    %rsqrt3A = math.rsqrt %add3A_11 : vector<1000x1xf32>
    %get3A_12 = arith.constant 0 : index
    %get3A_13 = arith.constant 0 : index
    %get3A_14 = vector.load %arg2[%get3A_12, %get3A_13] : memref<1000x128xf32, #tpu.memory_space<vmem>>, vector<1000x128xf32>
    %get3A_15 = arith.constant 0 : index
    %get3A_16 = arith.constant 0 : index
    %get3A_17 = vector.load %arg3[%get3A_15, %get3A_16] : memref<128x128xf32, #tpu.memory_space<vmem>>, vector<128x128xf32>
    %dot_general3A = arith.constant dense<0.000000e+00> : vector<1000x128xf32>
    %dot_general3A_18 = tpu.matmul %get3A_14, %get3A_17, %dot_general3A {dimension_numbers = #tpu.dot_dimension_numbers<[1], [0], [0], [1], [0, 0, 1, 1], [], []>, transpose_lhs_hint = false} : vector<1000x128xf32>, vector<128x128xf32>, vector<1000x128xf32> -> vector<1000x128xf32>
    %mul3A = vector.broadcast %rsqrt3A : vector<1000x1xf32> to vector<1000x128xf32>
    %mul3A_19 = arith.mulf %dot_general3A_18, %mul3A : vector<1000x128xf32>
    %swap3A = arith.constant 0 : index
    %swap3A_20 = arith.constant 0 : index
    %swap3A_21 = vector.load %arg4[%swap3A, %swap3A_20] : memref<1000x128xf32, #tpu.memory_space<vmem>>, vector<1000x128xf32>
    tpu.vector_store %arg4[%swap3A, %swap3A_20], %mul3A_19 {strides = array<i32>} : memref<1000x128xf32, #tpu.memory_space<vmem>>, vector<1000x128xf32>,
    %swap3A_22 = arith.constant 0 : index
    %swap3A_23 = arith.constant 0 : index
    %swap3A_24 = vector.load %arg5[%swap3A_22, %swap3A_23] : memref<1000x1xf32, #tpu.memory_space<vmem>>, vector<1000x1xf32>
    tpu.vector_store %arg5[%swap3A_22, %swap3A_23], %rsqrt3A {strides = array<i32>} : memref<1000x1xf32, #tpu.memory_space<vmem>>, vector<1000x1xf32>,
    return
  }
  func.func @transform_0(%arg0: i32) -> (i32, i32, i32) {
    %c0_i32 = arith.constant 0 : i32
    %c0_i32_0 = arith.constant 0 : i32
    %c0_i32_1 = arith.constant 0 : i32
    return %c0_i32, %arg0, %c0_i32_0 : i32, i32, i32
  }
  func.func @transform_1(%arg0: i32) -> (i32, i32) {
    %c0_i32 = arith.constant 0 : i32
    %c0_i32_0 = arith.constant 0 : i32
    return %arg0, %c0_i32 : i32, i32
  }
  func.func @transform_2(%arg0: i32) -> (i32, i32) {
    %c0_i32 = arith.constant 0 : i32
    %c0_i32_0 = arith.constant 0 : i32
    %c0_i32_1 = arith.constant 0 : i32
    return %c0_i32, %c0_i32_0 : i32, i32
  }
  func.func @transform_3(%arg0: i32) -> (i32, i32) {
    %c0_i32 = arith.constant 0 : i32
    %c0_i32_0 = arith.constant 0 : i32
    return %arg0, %c0_i32 : i32, i32
  }
  func.func @transform_4(%arg0: i32) -> (i32, i32) {
    %c0_i32 = arith.constant 0 : i32
    %c0_i32_0 = arith.constant 0 : i32
    return %arg0, %c0_i32 : i32, i32
  }
}

module attributes {stable_mosaic.version = 14 : i64} {
  func.func @_t2_body(%arg0: i32, %arg1: memref<2x1000x128xf32, #tpu.memory_space<vmem>>, %arg2: memref<1000x128xf32, #tpu.memory_space<vmem>>, %arg3: memref<1000x1xf32, #tpu.memory_space<vmem>>, %arg4: memref<1000x128xf32, #tpu.memory_space<vmem>>, %arg5: memref<1x128xf32, #tpu.memory_space<vmem>>, %arg6: memref<128x128xf32, #tpu.memory_space<vmem>>, %arg7: memref<1000x128xf32, #tpu.memory_space<vmem>>, %arg8: memref<1000x128xf32, #tpu.memory_space<vmem>>) attributes {dimension_semantics = [#tpu.dimension_semantics<arbitrary>], iteration_bounds = array<i64: 10>, scalar_prefetch = 0 : i64, scratch_operands = 0 : i64, tpu.core_type = #tpu.core_type<tc>, window_params = [{transform_indices = @transform_0, window_bounds = array<i64: 2, 1000, 128>}, {transform_indices = @transform_1, window_bounds = array<i64: 1000, 128>}, {transform_indices = @transform_2, window_bounds = array<i64: 1000, 1>}, {transform_indices = @transform_3, window_bounds = array<i64: 1000, 128>}, {pipeline_mode = #tpu.pipeline_mode<synchronous>, transform_indices = @transform_4, window_bounds = array<i64: 1, 128>}, {pipeline_mode = #tpu.pipeline_mode<synchronous>, transform_indices = @transform_5, window_bounds = array<i64: 128, 128>}, {transform_indices = @transform_6, window_bounds = array<i64: 1000, 128>}, {transform_indices = @transform_7, window_bounds = array<i64: 1000, 128>}]} {
    %get3A = arith.constant 0 : index
    %get3A_0 = arith.constant 0 : index
    %get3A_1 = arith.constant 0 : index
    %get3A_2 = vector.load %arg1[%get3A, %get3A_0, %get3A_1] : memref<2x1000x128xf32, #tpu.memory_space<vmem>>, vector<1x1000x128xf32>
    %get3A_3 = vector.shape_cast %get3A_2 : vector<1x1000x128xf32> to vector<1000x128xf32>
    %get3A_4 = arith.constant 1 : index
    %get3A_5 = arith.constant 0 : index
    %get3A_6 = arith.constant 0 : index
    %get3A_7 = vector.load %arg1[%get3A_4, %get3A_5, %get3A_6] : memref<2x1000x128xf32, #tpu.memory_space<vmem>>, vector<1x1000x128xf32>
    %get3A_8 = vector.shape_cast %get3A_7 : vector<1x1000x128xf32> to vector<1000x128xf32>
    %add3A = arith.addf %get3A_3, %get3A_8 : vector<1000x128xf32>
    %get3A_9 = arith.constant 0 : index
    %get3A_10 = arith.constant 0 : index
    %get3A_11 = vector.load %arg3[%get3A_9, %get3A_10] : memref<1000x1xf32, #tpu.memory_space<vmem>>, vector<1000x1xf32>
    %get3A_12 = arith.constant 0 : index
    %get3A_13 = arith.constant 0 : index
    %get3A_14 = vector.load %arg2[%get3A_12, %get3A_13] : memref<1000x128xf32, #tpu.memory_space<vmem>>, vector<1000x128xf32>
    %add3A_15 = arith.addf %add3A, %get3A_14 : vector<1000x128xf32>
    %mul3A = vector.broadcast %get3A_11 : vector<1000x1xf32> to vector<1000x128xf32>
    %mul3A_16 = arith.mulf %mul3A, %add3A_15 : vector<1000x128xf32>
    %get3A_17 = arith.constant 0 : index
    %get3A_18 = arith.constant 0 : index
    %get3A_19 = vector.load %arg5[%get3A_17, %get3A_18] : memref<1x128xf32, #tpu.memory_space<vmem>>, vector<1x128xf32>
    %add3A_20 = vector.broadcast %get3A_19 : vector<1x128xf32> to vector<1000x128xf32>
    %add3A_21 = arith.addf %mul3A_16, %add3A_20 : vector<1000x128xf32>
    %max3A = arith.constant 0.000000e+00 : f32
    %max3A_22 = vector.broadcast %max3A : f32 to vector<1000x128xf32>
    %max3A_23 = arith.maximumf %add3A_21, %max3A_22 : vector<1000x128xf32>
    %get3A_24 = arith.constant 0 : index
    %get3A_25 = arith.constant 0 : index
    %get3A_26 = vector.load %arg4[%get3A_24, %get3A_25] : memref<1000x128xf32, #tpu.memory_space<vmem>>, vector<1000x128xf32>
    %add3A_27 = arith.addf %max3A_23, %get3A_26 : vector<1000x128xf32>
    %swap3A = arith.constant 0 : index
    %swap3A_28 = arith.constant 0 : index
    %swap3A_29 = vector.load %arg7[%swap3A, %swap3A_28] : memref<1000x128xf32, #tpu.memory_space<vmem>>, vector<1000x128xf32>
    tpu.vector_store %arg7[%swap3A, %swap3A_28], %add3A_27 {strides = array<i32>} : memref<1000x128xf32, #tpu.memory_space<vmem>>, vector<1000x128xf32>,
    %get3A_30 = arith.constant 0 : index
    %get3A_31 = arith.constant 0 : index
    %get3A_32 = vector.load %arg6[%get3A_30, %get3A_31] : memref<128x128xf32, #tpu.memory_space<vmem>>, vector<128x128xf32>
    %dot_general3A = arith.constant dense<0.000000e+00> : vector<1000x128xf32>
    %dot_general3A_33 = tpu.matmul %add3A_27, %get3A_32, %dot_general3A {dimension_numbers = #tpu.dot_dimension_numbers<[1], [0], [0], [1], [0, 0, 1, 1], [], []>, transpose_lhs_hint = false} : vector<1000x128xf32>, vector<128x128xf32>, vector<1000x128xf32> -> vector<1000x128xf32>
    %mul3A_34 = vector.broadcast %get3A_11 : vector<1000x1xf32> to vector<1000x128xf32>
    %mul3A_35 = arith.mulf %dot_general3A_33, %mul3A_34 : vector<1000x128xf32>
    %swap3A_36 = arith.constant 0 : index
    %swap3A_37 = arith.constant 0 : index
    %swap3A_38 = vector.load %arg8[%swap3A_36, %swap3A_37] : memref<1000x128xf32, #tpu.memory_space<vmem>>, vector<1000x128xf32>
    tpu.vector_store %arg8[%swap3A_36, %swap3A_37], %mul3A_35 {strides = array<i32>} : memref<1000x128xf32, #tpu.memory_space<vmem>>, vector<1000x128xf32>,
    return
  }
  func.func @transform_0(%arg0: i32) -> (i32, i32, i32) {
    %c0_i32 = arith.constant 0 : i32
    %c0_i32_0 = arith.constant 0 : i32
    %c0_i32_1 = arith.constant 0 : i32
    return %c0_i32, %arg0, %c0_i32_0 : i32, i32, i32
  }
  func.func @transform_1(%arg0: i32) -> (i32, i32) {
    %c0_i32 = arith.constant 0 : i32
    %c0_i32_0 = arith.constant 0 : i32
    return %arg0, %c0_i32 : i32, i32
  }
  func.func @transform_2(%arg0: i32) -> (i32, i32) {
    %c0_i32 = arith.constant 0 : i32
    %c0_i32_0 = arith.constant 0 : i32
    return %arg0, %c0_i32 : i32, i32
  }
  func.func @transform_3(%arg0: i32) -> (i32, i32) {
    %c0_i32 = arith.constant 0 : i32
    %c0_i32_0 = arith.constant 0 : i32
    return %arg0, %c0_i32 : i32, i32
  }
  func.func @transform_4(%arg0: i32) -> (i32, i32) {
    %c0_i32 = arith.constant 0 : i32
    %c0_i32_0 = arith.constant 0 : i32
    %c0_i32_1 = arith.constant 0 : i32
    return %c0_i32, %c0_i32_0 : i32, i32
  }
  func.func @transform_5(%arg0: i32) -> (i32, i32) {
    %c0_i32 = arith.constant 0 : i32
    %c0_i32_0 = arith.constant 0 : i32
    %c0_i32_1 = arith.constant 0 : i32
    return %c0_i32, %c0_i32_0 : i32, i32
  }
  func.func @transform_6(%arg0: i32) -> (i32, i32) {
    %c0_i32 = arith.constant 0 : i32
    %c0_i32_0 = arith.constant 0 : i32
    return %arg0, %c0_i32 : i32, i32
  }
  func.func @transform_7(%arg0: i32) -> (i32, i32) {
    %c0_i32 = arith.constant 0 : i32
    %c0_i32_0 = arith.constant 0 : i32
    return %arg0, %c0_i32 : i32, i32
  }
}

module attributes {stable_mosaic.version = 14 : i64} {
  func.func @_t3_body(%arg0: i32, %arg1: memref<2x1000x128xf32, #tpu.memory_space<vmem>>, %arg2: memref<1000x128xf32, #tpu.memory_space<vmem>>, %arg3: memref<1000x1xf32, #tpu.memory_space<vmem>>, %arg4: memref<1000x128xf32, #tpu.memory_space<vmem>>, %arg5: memref<1x128xf32, #tpu.memory_space<vmem>>, %arg6: memref<1000x1xi32, #tpu.memory_space<vmem>>, %arg7: memref<256x128xf32, #tpu.memory_space<vmem>>, %arg8: memref<1x128xf32, #tpu.memory_space<vmem>>, %arg9: memref<128x128xf32, #tpu.memory_space<vmem>>, %arg10: memref<1x128xf32, #tpu.memory_space<vmem>>, %arg11: memref<128x128xf32, #tpu.memory_space<vmem>>, %arg12: memref<128x128xf32, #tpu.memory_space<vmem>>, %arg13: memref<128x128xf32, #tpu.memory_space<vmem>>) attributes {dimension_semantics = [#tpu.dimension_semantics<arbitrary>], iteration_bounds = array<i64: 10>, scalar_prefetch = 0 : i64, scratch_operands = 2 : i64, tpu.core_type = #tpu.core_type<tc>, window_params = [{transform_indices = @transform_0, window_bounds = array<i64: 2, 1000, 128>}, {transform_indices = @transform_1, window_bounds = array<i64: 1000, 128>}, {transform_indices = @transform_2, window_bounds = array<i64: 1000, 1>}, {transform_indices = @transform_3, window_bounds = array<i64: 1000, 128>}, {pipeline_mode = #tpu.pipeline_mode<synchronous>, transform_indices = @transform_4, window_bounds = array<i64: 1, 128>}, {transform_indices = @transform_5, window_bounds = array<i64: 1000, 1>}, {pipeline_mode = #tpu.pipeline_mode<synchronous>, transform_indices = @transform_6, window_bounds = array<i64: 256, 128>}, {pipeline_mode = #tpu.pipeline_mode<synchronous>, transform_indices = @transform_7, window_bounds = array<i64: 1, 128>}, {pipeline_mode = #tpu.pipeline_mode<synchronous>, transform_indices = @transform_8, window_bounds = array<i64: 128, 128>}, {pipeline_mode = #tpu.pipeline_mode<synchronous>, transform_indices = @transform_9, window_bounds = array<i64: 1, 128>}, {pipeline_mode = #tpu.pipeline_mode<synchronous>, transform_indices = @transform_10, window_bounds = array<i64: 128, 128>}]} {
    %get3A = arith.constant 0 : index
    %get3A_0 = arith.constant 0 : index
    %get3A_1 = arith.constant 0 : index
    %get3A_2 = vector.load %arg1[%get3A, %get3A_0, %get3A_1] : memref<2x1000x128xf32, #tpu.memory_space<vmem>>, vector<1x1000x128xf32>
    %get3A_3 = vector.shape_cast %get3A_2 : vector<1x1000x128xf32> to vector<1000x128xf32>
    %get3A_4 = arith.constant 1 : index
    %get3A_5 = arith.constant 0 : index
    %get3A_6 = arith.constant 0 : index
    %get3A_7 = vector.load %arg1[%get3A_4, %get3A_5, %get3A_6] : memref<2x1000x128xf32, #tpu.memory_space<vmem>>, vector<1x1000x128xf32>
    %get3A_8 = vector.shape_cast %get3A_7 : vector<1x1000x128xf32> to vector<1000x128xf32>
    %add3A = arith.addf %get3A_3, %get3A_8 : vector<1000x128xf32>
    %get3A_9 = arith.constant 0 : index
    %get3A_10 = arith.constant 0 : index
    %get3A_11 = vector.load %arg3[%get3A_9, %get3A_10] : memref<1000x1xf32, #tpu.memory_space<vmem>>, vector<1000x1xf32>
    %get3A_12 = arith.constant 0 : index
    %get3A_13 = arith.constant 0 : index
    %get3A_14 = vector.load %arg2[%get3A_12, %get3A_13] : memref<1000x128xf32, #tpu.memory_space<vmem>>, vector<1000x128xf32>
    %add3A_15 = arith.addf %add3A, %get3A_14 : vector<1000x128xf32>
    %mul3A = vector.broadcast %get3A_11 : vector<1000x1xf32> to vector<1000x128xf32>
    %mul3A_16 = arith.mulf %mul3A, %add3A_15 : vector<1000x128xf32>
    %get3A_17 = arith.constant 0 : index
    %get3A_18 = arith.constant 0 : index
    %get3A_19 = vector.load %arg5[%get3A_17, %get3A_18] : memref<1x128xf32, #tpu.memory_space<vmem>>, vector<1x128xf32>
    %add3A_20 = vector.broadcast %get3A_19 : vector<1x128xf32> to vector<1000x128xf32>
    %add3A_21 = arith.addf %mul3A_16, %add3A_20 : vector<1000x128xf32>
    %max3A = arith.constant 0.000000e+00 : f32
    %max3A_22 = vector.broadcast %max3A : f32 to vector<1000x128xf32>
    %max3A_23 = arith.maximumf %add3A_21, %max3A_22 : vector<1000x128xf32>
    %get3A_24 = arith.constant 0 : index
    %get3A_25 = arith.constant 0 : index
    %get3A_26 = vector.load %arg4[%get3A_24, %get3A_25] : memref<1000x128xf32, #tpu.memory_space<vmem>>, vector<1000x128xf32>
    %add3A_27 = arith.addf %max3A_23, %get3A_26 : vector<1000x128xf32>
    %eq3A = arith.constant 0 : i32
    %eq3A_28 = arith.cmpi eq, %arg0, %eq3A : i32
    %convert_element_type3A = arith.extui %eq3A_28 : i1 to i32
    %cond3A = arith.constant 0 : i32
    %cond3A_29 = arith.cmpi ne, %convert_element_type3A, %cond3A : i32
    scf.if %cond3A_29 {
      %broadcast_in_dim3A = arith.constant 0.000000e+00 : f32
      %broadcast_in_dim3A_63 = vector.broadcast %broadcast_in_dim3A : f32 to vector<128x128xf32>
      %swap3A_64 = arith.constant 0 : index
      %swap3A_65 = arith.constant 0 : index
      %swap3A_66 = vector.load %arg13[%swap3A_64, %swap3A_65] : memref<128x128xf32, #tpu.memory_space<vmem>>, vector<128x128xf32>
      tpu.vector_store %arg13[%swap3A_64, %swap3A_65], %broadcast_in_dim3A_63 {strides = array<i32>} : memref<128x128xf32, #tpu.memory_space<vmem>>, vector<128x128xf32>,
      %broadcast_in_dim3A_67 = arith.constant 0xFF800000 : f32
      %broadcast_in_dim3A_68 = vector.broadcast %broadcast_in_dim3A_67 : f32 to vector<128x128xf32>
      %swap3A_69 = arith.constant 0 : index
      %swap3A_70 = arith.constant 0 : index
      %swap3A_71 = vector.load %arg12[%swap3A_69, %swap3A_70] : memref<128x128xf32, #tpu.memory_space<vmem>>, vector<128x128xf32>
      tpu.vector_store %arg12[%swap3A_69, %swap3A_70], %broadcast_in_dim3A_68 {strides = array<i32>} : memref<128x128xf32, #tpu.memory_space<vmem>>, vector<128x128xf32>,
    } else {
    }
    %get3A_30 = arith.constant 0 : index
    %get3A_31 = arith.constant 0 : index
    %get3A_32 = vector.load %arg6[%get3A_30, %get3A_31] : memref<1000x1xi32, #tpu.memory_space<vmem>>, vector<1000x1xi32>
    %iota3A = tpu.iota {dimensions = array<i32: 1>} : vector<1000x128xi32>
    %eq3A_33 = vector.broadcast %get3A_32 : vector<1000x1xi32> to vector<1000x128xi32>
    %eq3A_34 = arith.cmpi eq, %iota3A, %eq3A_33 : vector<1000x128xi32>
    %convert_element_type3A_35 = arith.extui %eq3A_34 : vector<1000x128xi1> to vector<1000x128xi32>
    %convert_element_type3A_36 = arith.sitofp %convert_element_type3A_35 : vector<1000x128xi32> to vector<1000x128xf32>
    %get3A_37 = arith.constant 0 : index
    %get3A_38 = arith.constant 0 : index
    %get3A_39 = vector.load %arg13[%get3A_37, %get3A_38] : memref<128x128xf32, #tpu.memory_space<vmem>>, vector<128x128xf32>
    %dot_general3A = arith.constant dense<0.000000e+00> : vector<128x128xf32>
    %dot_general3A_40 = tpu.matmul %convert_element_type3A_36, %add3A_27, %dot_general3A {dimension_numbers = #tpu.dot_dimension_numbers<[0], [0], [1], [1], [0, 1, 1, 1], [], []>, transpose_lhs_hint = false} : vector<1000x128xf32>, vector<1000x128xf32>, vector<128x128xf32> -> vector<128x128xf32>
    %add3A_41 = arith.addf %get3A_39, %dot_general3A_40 : vector<128x128xf32>
    %swap3A = arith.constant 0 : index
    %swap3A_42 = arith.constant 0 : index
    %swap3A_43 = vector.load %arg13[%swap3A, %swap3A_42] : memref<128x128xf32, #tpu.memory_space<vmem>>, vector<128x128xf32>
    tpu.vector_store %arg13[%swap3A, %swap3A_42], %add3A_41 {strides = array<i32>} : memref<128x128xf32, #tpu.memory_space<vmem>>, vector<128x128xf32>,
    %slice3A = vector.extract_strided_slice %get3A_32 {offsets = [0, 0], sizes = [1, 1], strides = [1, 1]} : vector<1000x1xi32> to vector<1x1xi32>
    %squeeze3A = vector.extract %slice3A[0, 0] : i32 from vector<1x1xi32>
    %slice3A_44 = vector.extract_strided_slice %get3A_32 {offsets = [999, 0], sizes = [1, 1], strides = [1, 1]} : vector<1000x1xi32> to vector<1x1xi32>
    %squeeze3A_45 = vector.extract %slice3A_44[0, 0] : i32 from vector<1x1xi32>
    %add3A_46 = arith.constant 1 : i32
    %add3A_47 = arith.addi %squeeze3A_45, %add3A_46 : i32
    %while3A = arith.constant 0 : i32
    %while3A_48 = arith.subi %add3A_47, %squeeze3A : i32
    %while3A_49 = arith.addi %squeeze3A, %while3A_48 : i32
    %while3A_50 = arith.constant 1 : i32
    %while3A_51 = arith.divsi %while3A_48, %while3A_50 : i32
    %while3A_52 = arith.muli %while3A_51, %while3A_50 : i32
    %while3A_53 = arith.addi %squeeze3A, %while3A_52 : i32
    %while3A_54 = arith.constant 1 : i32
    %while3A_55 = scf.for %while3A_63 = %squeeze3A to %while3A_53 step %while3A_54 iter_args(%while3A_64 = %while3A) -> (i32)  : i32 {
      %eq3A_65 = vector.broadcast %while3A_63 : i32 to vector<1000x1xi32>
      %eq3A_66 = arith.cmpi eq, %get3A_32, %eq3A_65 : vector<1000x1xi32>
      %jit3A = arith.constant 0xFF800000 : f32
      %broadcast_in_dim3A = vector.shape_cast %eq3A_66 : vector<1000x1xi1> to vector<1000x1xi1>
      %broadcast_in_dim3A_67 = vector.broadcast %broadcast_in_dim3A : vector<1000x1xi1> to vector<1000x128xi1>
      %broadcast_in_dim3A_68 = vector.broadcast %jit3A : f32 to vector<1000x128xf32>
      %select_n3A = arith.select %broadcast_in_dim3A_67, %add3A_27, %broadcast_in_dim3A_68 : vector<1000x128xi1>, vector<1000x128xf32>
      %reduce_max3A = arith.constant dense<0xFF800000> : vector<128xf32>
      %reduce_max3A_69 = vector.multi_reduction <maximumf>, %select_n3A, %reduce_max3A [0] : vector<1000x128xf32> to vector<128xf32>
      %broadcast_in_dim3A_70 = vector.shape_cast %reduce_max3A_69 : vector<128xf32> to vector<1x128xf32>
      %get3A_71 = arith.index_cast %while3A_63 : i32 to index
      %get3A_72 = arith.constant 0 : index
      %get3A_73 = vector.load %arg12[%get3A_71, %get3A_72] : memref<128x128xf32, #tpu.memory_space<vmem>>, vector<1x128xf32>
      %max3A_74 = arith.maximumf %get3A_73, %broadcast_in_dim3A_70 : vector<1x128xf32>
      %swap3A_75 = arith.index_cast %while3A_63 : i32 to index
      %swap3A_76 = arith.constant 0 : index
      %swap3A_77 = vector.load %arg12[%swap3A_75, %swap3A_76] : memref<128x128xf32, #tpu.memory_space<vmem>>, vector<1x128xf32>
      tpu.vector_store %arg12[%swap3A_75, %swap3A_76], %max3A_74 {strides = array<i32>} : memref<128x128xf32, #tpu.memory_space<vmem>>, vector<1x128xf32>,
      %while3A_78 = arith.constant 0 : i32
      scf.yield %while3A_78 : i32
    }
    %while3A_56 = arith.constant 1 : i32
    %while3A_57 = scf.for %while3A_63 = %while3A_53 to %while3A_49 step %while3A_56 iter_args(%while3A_64 = %while3A_55) -> (i32)  : i32 {
      %eq3A_65 = vector.broadcast %while3A_63 : i32 to vector<1000x1xi32>
      %eq3A_66 = arith.cmpi eq, %get3A_32, %eq3A_65 : vector<1000x1xi32>
      %jit3A = arith.constant 0xFF800000 : f32
      %broadcast_in_dim3A = vector.shape_cast %eq3A_66 : vector<1000x1xi1> to vector<1000x1xi1>
      %broadcast_in_dim3A_67 = vector.broadcast %broadcast_in_dim3A : vector<1000x1xi1> to vector<1000x128xi1>
      %broadcast_in_dim3A_68 = vector.broadcast %jit3A : f32 to vector<1000x128xf32>
      %select_n3A = arith.select %broadcast_in_dim3A_67, %add3A_27, %broadcast_in_dim3A_68 : vector<1000x128xi1>, vector<1000x128xf32>
      %reduce_max3A = arith.constant dense<0xFF800000> : vector<128xf32>
      %reduce_max3A_69 = vector.multi_reduction <maximumf>, %select_n3A, %reduce_max3A [0] : vector<1000x128xf32> to vector<128xf32>
      %broadcast_in_dim3A_70 = vector.shape_cast %reduce_max3A_69 : vector<128xf32> to vector<1x128xf32>
      %get3A_71 = arith.index_cast %while3A_63 : i32 to index
      %get3A_72 = arith.constant 0 : index
      %get3A_73 = vector.load %arg12[%get3A_71, %get3A_72] : memref<128x128xf32, #tpu.memory_space<vmem>>, vector<1x128xf32>
      %max3A_74 = arith.maximumf %get3A_73, %broadcast_in_dim3A_70 : vector<1x128xf32>
      %swap3A_75 = arith.index_cast %while3A_63 : i32 to index
      %swap3A_76 = arith.constant 0 : index
      %swap3A_77 = vector.load %arg12[%swap3A_75, %swap3A_76] : memref<128x128xf32, #tpu.memory_space<vmem>>, vector<1x128xf32>
      tpu.vector_store %arg12[%swap3A_75, %swap3A_76], %max3A_74 {strides = array<i32>} : memref<128x128xf32, #tpu.memory_space<vmem>>, vector<1x128xf32>,
      %while3A_78 = arith.constant 0 : i32
      scf.yield %while3A_78 : i32
    }
    %eq3A_58 = arith.constant 9 : i32
    %eq3A_59 = arith.cmpi eq, %arg0, %eq3A_58 : i32
    %convert_element_type3A_60 = arith.extui %eq3A_59 : i1 to i32
    %cond3A_61 = arith.constant 0 : i32
    %cond3A_62 = arith.cmpi ne, %convert_element_type3A_60, %cond3A_61 : i32
    scf.if %cond3A_62 {
      %get3A_63 = arith.constant 0 : index
      %get3A_64 = arith.constant 0 : index
      %get3A_65 = vector.load %arg12[%get3A_63, %get3A_64] : memref<128x128xf32, #tpu.memory_space<vmem>>, vector<128x128xf32>
      %get3A_66 = arith.constant 0 : index
      %get3A_67 = arith.constant 0 : index
      %get3A_68 = vector.load %arg13[%get3A_66, %get3A_67] : memref<128x128xf32, #tpu.memory_space<vmem>>, vector<128x128xf32>
      %concatenate3A = tpu.concatenate %get3A_65, %get3A_68 in 1 : vector<128x128xf32>, vector<128x128xf32> -> vector<128x256xf32>
      %get3A_69 = arith.constant 0 : index
      %get3A_70 = arith.constant 0 : index
      %get3A_71 = vector.load %arg7[%get3A_69, %get3A_70] : memref<256x128xf32, #tpu.memory_space<vmem>>, vector<256x128xf32>
      %dot_general3A_72 = arith.constant dense<0.000000e+00> : vector<128x128xf32>
      %dot_general3A_73 = tpu.matmul %concatenate3A, %get3A_71, %dot_general3A_72 {dimension_numbers = #tpu.dot_dimension_numbers<[1], [0], [0], [1], [0, 0, 1, 1], [], []>, transpose_lhs_hint = false} : vector<128x256xf32>, vector<256x128xf32>, vector<128x128xf32> -> vector<128x128xf32>
      %get3A_74 = arith.constant 0 : index
      %get3A_75 = arith.constant 0 : index
      %get3A_76 = vector.load %arg8[%get3A_74, %get3A_75] : memref<1x128xf32, #tpu.memory_space<vmem>>, vector<1x128xf32>
      %add3A_77 = vector.broadcast %get3A_76 : vector<1x128xf32> to vector<128x128xf32>
      %add3A_78 = arith.addf %dot_general3A_73, %add3A_77 : vector<128x128xf32>
      %max3A_79 = arith.constant 0.000000e+00 : f32
      %max3A_80 = vector.broadcast %max3A_79 : f32 to vector<128x128xf32>
      %max3A_81 = arith.maximumf %add3A_78, %max3A_80 : vector<128x128xf32>
      %get3A_82 = arith.constant 0 : index
      %get3A_83 = arith.constant 0 : index
      %get3A_84 = vector.load %arg9[%get3A_82, %get3A_83] : memref<128x128xf32, #tpu.memory_space<vmem>>, vector<128x128xf32>
      %dot_general3A_85 = arith.constant dense<0.000000e+00> : vector<128x128xf32>
      %dot_general3A_86 = tpu.matmul %max3A_81, %get3A_84, %dot_general3A_85 {dimension_numbers = #tpu.dot_dimension_numbers<[1], [0], [0], [1], [0, 0, 1, 1], [], []>, transpose_lhs_hint = false} : vector<128x128xf32>, vector<128x128xf32>, vector<128x128xf32> -> vector<128x128xf32>
      %get3A_87 = arith.constant 0 : index
      %get3A_88 = arith.constant 0 : index
      %get3A_89 = vector.load %arg10[%get3A_87, %get3A_88] : memref<1x128xf32, #tpu.memory_space<vmem>>, vector<1x128xf32>
      %add3A_90 = vector.broadcast %get3A_89 : vector<1x128xf32> to vector<128x128xf32>
      %add3A_91 = arith.addf %dot_general3A_86, %add3A_90 : vector<128x128xf32>
      %swap3A_92 = arith.constant 0 : index
      %swap3A_93 = arith.constant 0 : index
      %swap3A_94 = vector.load %arg11[%swap3A_92, %swap3A_93] : memref<128x128xf32, #tpu.memory_space<vmem>>, vector<128x128xf32>
      tpu.vector_store %arg11[%swap3A_92, %swap3A_93], %add3A_91 {strides = array<i32>} : memref<128x128xf32, #tpu.memory_space<vmem>>, vector<128x128xf32>,
    } else {
    }
    return
  }
  func.func @transform_0(%arg0: i32) -> (i32, i32, i32) {
    %c0_i32 = arith.constant 0 : i32
    %c0_i32_0 = arith.constant 0 : i32
    %c0_i32_1 = arith.constant 0 : i32
    return %c0_i32, %arg0, %c0_i32_0 : i32, i32, i32
  }
  func.func @transform_1(%arg0: i32) -> (i32, i32) {
    %c0_i32 = arith.constant 0 : i32
    %c0_i32_0 = arith.constant 0 : i32
    return %arg0, %c0_i32 : i32, i32
  }
  func.func @transform_2(%arg0: i32) -> (i32, i32) {
    %c0_i32 = arith.constant 0 : i32
    %c0_i32_0 = arith.constant 0 : i32
    return %arg0, %c0_i32 : i32, i32
  }
  func.func @transform_3(%arg0: i32) -> (i32, i32) {
    %c0_i32 = arith.constant 0 : i32
    %c0_i32_0 = arith.constant 0 : i32
    return %arg0, %c0_i32 : i32, i32
  }
  func.func @transform_4(%arg0: i32) -> (i32, i32) {
    %c0_i32 = arith.constant 0 : i32
    %c0_i32_0 = arith.constant 0 : i32
    %c0_i32_1 = arith.constant 0 : i32
    return %c0_i32, %c0_i32_0 : i32, i32
  }
  func.func @transform_5(%arg0: i32) -> (i32, i32) {
    %c0_i32 = arith.constant 0 : i32
    %c0_i32_0 = arith.constant 0 : i32
    return %arg0, %c0_i32 : i32, i32
  }
  func.func @transform_6(%arg0: i32) -> (i32, i32) {
    %c0_i32 = arith.constant 0 : i32
    %c0_i32_0 = arith.constant 0 : i32
    %c0_i32_1 = arith.constant 0 : i32
    return %c0_i32, %c0_i32_0 : i32, i32
  }
  func.func @transform_7(%arg0: i32) -> (i32, i32) {
    %c0_i32 = arith.constant 0 : i32
    %c0_i32_0 = arith.constant 0 : i32
    %c0_i32_1 = arith.constant 0 : i32
    return %c0_i32, %c0_i32_0 : i32, i32
  }
  func.func @transform_8(%arg0: i32) -> (i32, i32) {
    %c0_i32 = arith.constant 0 : i32
    %c0_i32_0 = arith.constant 0 : i32
    %c0_i32_1 = arith.constant 0 : i32
    return %c0_i32, %c0_i32_0 : i32, i32
  }
  func.func @transform_9(%arg0: i32) -> (i32, i32) {
    %c0_i32 = arith.constant 0 : i32
    %c0_i32_0 = arith.constant 0 : i32
    %c0_i32_1 = arith.constant 0 : i32
    return %c0_i32, %c0_i32_0 : i32, i32
  }
  func.func @transform_10(%arg0: i32) -> (i32, i32) {
    %c0_i32 = arith.constant 0 : i32
    %c0_i32_0 = arith.constant 0 : i32
    %c0_i32_1 = arith.constant 0 : i32
    return %c0_i32, %c0_i32_0 : i32, i32
  }
}

</mosaic_0001>

<sc_bundles>
// kernel: kernel.11.cloned.1.call-start
scs
__scs_entry_jumppad:
0x0: {  	(pc) =	sbr.rel $0x88, $3  }
0x1: {  	(tag) =	ssettag $0x0;
	lr =	simm.s32 $0x1  }
0x2: {  	[smem:$0x3F96] =	sst lr;
	_ =	strace $0xD0000000  }
0x3: {  	_ = 	snop  }
0x4: {  	_ = 	snop  }
0x5: {  	_ = 	snop  }
0x6: {  	_ = 	snop  }
0x7: {  	_ = 	snop  }
__scs_overlays_trampoline_lowered:
0x8: {  	[smem:$0x3FA5] =	sst s0  }
0x9: {  	[smem:$0x3FA6] =	sst s1  }
0xa: {  	[smem:$0x3FA7] =	sst s2  }
0xb: {  	[smem:$0x3FA8] =	sst s3  }
0xc: {  	[smem:$0x3FA9] =	sst s4  }
0xd: {  	[smem:$0x3FAA] =	sst s5  }
0xe: {  	[smem:$0x3FAB] =	sst s6  }
0xf: {  	[smem:$0x3FAC] =	sst s7  }
0x10: {  	[smem:$0x3FAD] =	sst s8  }
0x11: {  	[smem:$0x3FAE] =	sst s9;
	s0 =	simm.s32 @!p0 $0x0  }
0x12: {  	s1 =	sld [smem:$0x3F94];
	s0 =	simm.s32 @p0 $0x1  }
0x13: {  	[smem:$0x3FAF] =	sst s0;
	s0 =	simm.s32 @!p1 $0x0  }
0x14: {  	s2 =	sld [smem:$0x3F93];
	s0 =	simm.s32 @p1 $0x1  }
0x15: {  	[smem:$0x3FB0] =	sst s0;
	s0 =	simm.s32 @!p2 $0x0  }
0x16: {  	s3 =	sld [smem:$0x3FDB];
	s0 =	simm.s32 @p2 $0x1  }
0x17: {  	s4 =	simm.s32 $0x1BF5;
	[smem:$0x3FB2] =	sst s0  }
0x18: {  	s0 =	sld [smem:$0x3F95];
	_ =	swait.ge [sflag:s4], $0x0  }
0x19: {  	s7 =	sld [smem:$0x3F96]  }
0x1a: {  	s8 =	sadd.s32 $0xFFFFE003, lr  }
0x1b: {  	s9 =	sadd.s32 $0xFFFFFEF7, lr;
	s5 =	simm.s32 $0xFFFFFFFF;
	p2 =	slt.u32 s8, $0xFFFFF086  }
0x1c: {  	p1 =	slt.u32 s9, $0xF7A;
	s5 =	simm.s32 @!p2 $0x0  }
0x1d: {  	s5 =	simm.s32 @p1 $0x1;
	p0 =	seq.s32 s7, s2  }
0x1e: {  	s7 =	smul.u32 @!p0 $0xF7A, s2;
	p2 =	seq.s32 @!p0 s5, $0x0  }
0x1f: {  	s9 =	smul.u32 $0xF7A, s1;
	s8 =	simm.s32 @!p0 $0x1BF5;
	p2 =	por !p2, p0  }
0x20: {  	[sflag:s8] =	ssyncset.s32 @!p0 $0xFFFFF086;
	s6 =	sadd.s32 @!p0 s3, s7;
	s7 =	simm.s32 @!p0 $0x108  }
0x21: {  	s3 =	sadd.s32 s3, s9;
	s6 =	sadd.s32 @!p0 $0x88, s6;
	s7 =	simm.s32 @p2 $0x1082  }
0x22: {  	[simem:s7], [sflag:s8] =	dma.local @!p0 [hbm:s6], $0xF7A  }
0x23: {  	s9 =	sor.u32 $0xD0000000, s2;
	s6 =	simm.s32 $0x108;
	_ =	swait.ge @!p0 [sflag:s8], $0x0  }
0x24: {  	s3 =	sadd.s32 $0x88, s3;
	s6 =	simm.s32 @!p1 $0x1082;
	[sflag:s4] =	ssyncset.s32 $0xFFFFF086  }
0x25: {  	[simem:s6], [sflag:s4] =	dma.local [hbm:s3], $0xF7A  }
0x26: {  	[smem:$0x3F96] =	sst s1;
	(tag) =	ssettag s2;
	_ =	strace s9  }
0x27: {  	s1 =	sld [smem:$0x3FA6]  }
0x28: {  	s2 =	sld [smem:$0x3FA7]  }
0x29: {  	s4 =	sld [smem:$0x3FA9]  }
0x2a: {  	p0 =	seq.s32 s5, $0x0;
	s5 =	sld [smem:$0x3FAA]  }
0x2b: {  	s6 =	sld [smem:$0x3FAB]  }
0x2c: {  	s7 =	sld [smem:$0x3FAC]  }
0x2d: {  	s3 =	simm.s32 $0x108;
	s8 =	sld [smem:$0x3FAD]  }
0x2e: {  	s3 =	simm.s32 @!p0 $0x1082;
	s9 =	sld [smem:$0x3FAE]  }
0x2f: {  	lr =	sadd.s32 s0, s3;
	s0 =	sld [smem:$0x3FA5]  }
0x30: {  	s3 =	sld [smem:$0x3FA8]  }
0x31: {  	[smem:$0x3FB1] =	sst s10  }
0x32: {  	s10 =	sld [smem:$0x3FAF];
	_ =	sdelay $0x3  }
0x33: {  	p0 =	seq.s32 s10, $0x1;
	s10 =	sld [smem:$0x3FB1];
	_ =	sdelay $0x3  }
0x34: {  	[smem:$0x3FB1] =	sst s10  }
0x35: {  	s10 =	sld [smem:$0x3FB0];
	_ =	sdelay $0x3  }
0x36: {  	p1 =	seq.s32 s10, $0x1;
	s10 =	sld [smem:$0x3FB1];
	_ =	sdelay $0x3  }
0x37: {  	[smem:$0x3FB1] =	sst s10  }
0x38: {  	s10 =	sld [smem:$0x3FB2]  }
0x39: {  	_ = 	snop;
	(pc) =	sbr.ind lr, $3  }
0x3a: {  	_ = 	snop  }
0x3b: {  	_ = 	snop  }
0x3c: {  	p2 =	seq.s32 s10, $0x1;
	s10 =	sld [smem:$0x3FB1]  }
0x3d: {  	_ =	shalt  }
0x3e: {  	_ =	shalt  }
0x3f: {  	_ =	shalt  }
0x40: {  	_ =	shalt  }
0x41: {  	_ =	shalt  }
0x42: {  	_ =	shalt  }
0x43: {  	_ =	shalt  }
0x44: {  	_ =	shalt  }
0x45: {  	_ =	shalt  }
0x46: {  	_ =	shalt  }
0x47: {  	_ =	shalt  }
0x48: {  	_ =	shalt  }
0x49: {  	_ =	shalt  }
0x4a: {  	_ =	shalt  }
0x4b: {  	_ =	shalt  }
0x4c: {  	_ =	shalt  }
0x4d: {  	_ =	shalt  }
0x4e: {  	_ =	shalt  }
0x4f: {  	_ =	shalt  }
0x50: {  	_ =	shalt  }
0x51: {  	_ =	shalt  }
0x52: {  	_ =	shalt  }
0x53: {  	_ =	shalt  }
0x54: {  	_ =	shalt  }
0x55: {  	_ =	shalt  }
0x56: {  	_ =	shalt  }
0x57: {  	_ =	shalt  }
0x58: {  	_ =	shalt  }
0x59: {  	_ =	shalt  }
0x5a: {  	_ =	shalt  }
0x5b: {  	_ =	shalt  }
0x5c: {  	_ =	shalt  }
0x5d: {  	_ =	shalt  }
0x5e: {  	_ =	shalt  }
0x5f: {  	_ =	shalt  }
0x60: {  	_ =	shalt  }
0x61: {  	_ =	shalt  }
0x62: {  	_ =	shalt  }
0x63: {  	_ =	shalt  }
0x64: {  	_ =	shalt  }
0x65: {  	_ =	shalt  }
0x66: {  	_ =	shalt  }
0x67: {  	_ =	shalt  }
0x68: {  	_ =	shalt  }
0x69: {  	_ =	shalt  }
0x6a: {  	_ =	shalt  }
0x6b: {  	_ =	shalt  }
0x6c: {  	_ =	shalt  }
0x6d: {  	_ =	shalt  }
0x6e: {  	_ =	shalt  }
0x6f: {  	_ =	shalt  }
0x70: {  	_ =	shalt  }
0x71: {  	_ =	shalt  }
0x72: {  	_ =	shalt  }
0x73: {  	_ =	shalt  }
0x74: {  	_ =	shalt  }
0x75: {  	_ =	shalt  }
0x76: {  	_ =	shalt  }
0x77: {  	_ =	shalt  }
0x78: {  	_ =	shalt  }
0x79: {  	_ =	shalt  }
0x7a: {  	_ =	shalt  }
0x7b: {  	_ =	shalt  }
0x7c: {  	_ =	shalt  }
0x7d: {  	_ =	shalt  }
0x7e: {  	_ =	shalt  }
0x7f: {  	_ =	shalt  }
0x80: {  	_ =	shalt  }
0x81: {  	_ =	shalt  }
0x82: {  	_ =	shalt  }
0x83: {  	_ =	shalt  }
0x84: {  	_ =	shalt  }
0x85: {  	_ =	shalt  }
0x86: {  	_ =	shalt  }
0x87: {  	_ =	shalt  }
.Lfunc_end0:
.L_simem_size_0:
called_computation.1_lowered:
.L_overlay_start_0:
0x88: {  	s2 =	sld [smem:$0x3FD9]  }
0x89: {  	s3 =	sld [smem:$0x3FFE];
	_ =	sdelay $0x1  }
0x8a: {  	s1 =	srdreg.scid  }
0x8b: {  	s0 =	sand.u32 $0x1, s1  }
0x8c: {  	s16 =	sshll.u32 s0, $0xA;
	s2 =	sadd.s32 s3, s2  }
0x8d: {  	s2 =	sadd.s32 s2, s16  }
0x8e: {  	[smem:$0x3FBD] =	sst s2  }
0x8f: {  	_ = 	snop  }
0x90: {  	(tm) =	ssettm $0x1  }
0x91: {  	s17 =	sld [smem:$0x3FFB];
	_ =	sdelay $0x3  }
0x92: {  	_ =	strace s17  }
0x93: {  	s2 =	sld [smem:$0x3FFC];
	_ =	sdelay $0x3  }
0x94: {  	_ =	strace s2  }
0x95: {  	s2 =	sld [smem:$0x3FFD];
	_ =	sdelay $0x3  }
0x96: {  	_ =	strace s2  }
0x97: {  	_ =	strace $0x8FFFFFFF  }
0x98: {  	s18 =	sld [smem:$0x3FDB];
	_ =	sdelay $0x1  }
0x99: {  	s19 =	simm.s32 $_scs_section_size  }
0x9a: {  	s4 =	simm.s32 $_size__tile_overlayer_lowered;
	s5 =	simm.s32 $_tile_overlayer_lowered  }
0x9b: {  	s22 =	simm.s32 $0x1BFF;
	s21 =	sshll.u32 s5, $0x1;
	s2 =	sadd.s32 s19, s18  }
0x9c: {  	s6 =	simm.s32 $0x0;
	s20 =	sshll.u32 s4, $0x1;
	s4 =	sadd.s32 s21, s2  }
0x9d: {  	[timem:s6], [sflag:s22] =	dma.local [hbm:s4], s20  }
0x9e: {  	_ =	swait.ge [sflag:s22], s20  }
0x9f: {  	s3 =	ssub.s32 $0x0, s20;
	[sflag:s22] =	ssyncset.done $0x0  }
0xa0: {  	[sflag:s22] =	ssyncadd.s32 s3;
	_ =	sdelay $0x1  }
0xa1: {  	s23 =	simm.s32 $0x1B8B  }
0xa2: {  	_ =	swait.ge [sflag:s23], $0x1  }
0xa3: {  	[sflag:s23] =	ssyncset.done $0x0  }
0xa4: {  	s25 =	simm.s32 $0x1B8E;
	s24 =	sld [smem:$0x3FFE];
	[sflag:s23] =	ssyncadd.s32 $0xFFFFFFFF  }
0xa5: {  	s26 =	simm.s32 $execute0_lowered;
	[smem:$0x3FD2] =	sst s25  }
0xa6: {  	s4 =	sshll.u32 s26, $0x1;
	_ =	strace $0x80000049;
	[dreg:$0x1] =	wrdreg $0xFFFFFFFF  }
0xa7: {  	s28 =	simm.s32 $_size_execute0_lowered;
	s2 =	sadd.s32 s2, s4;
	[dreg:$0x0] =	wrdreg $0x0  }
0xa8: {  	s4 =	sshll.u32 s28, $0x1;
	[dreg:$0x2] =	wrdreg s2  }
0xa9: {  	[dreg:$0x3] =	wrdreg s4  }
0xaa: {  	[dreg:$0x4] =	wrdreg $0xC0  }
0xab: {  	_ =	task [dreg:s6], $0x5FFFF  }
0xac: {  	[dreg:$0x1] =	wrdreg $0xFFFFFFFF  }
0xad: {  	[dreg:$0x0] =	wrdreg $0x60  }
0xae: {  	[dreg:$0x2] =	wrdreg s24  }
0xaf: {  	[dreg:$0x3] =	wrdreg $0x52000  }
0xb0: {  	[dreg:$0x4] =	wrdreg $0x9  }
0xb1: {  	_ =	task.clear_ibuf [dreg:s6], $0x5FFFF;
	_ =	strace $0x90000049  }
0xb2: {  	s29 =	simm.s32 $0x9;
	_ =	strace $0x8000004B  }
0xb3: {  	_ =	swait.ge [sflag:s29], $0x1  }
0xb4: {  	[sflag:s29] =	ssyncadd.s32 $0xFFFFFFFF  }
0xb5: {  	_ =	strace $0x9000004B  }
0xb6: {  	_ =	sfence  }
0xb7: {  	s30 =	sld [smem:$0x0];
	_ =	sdelay $0x2  }
0xb8: {  	s31 =	sshll.u32 s1, $0xD;
	s1 =	sshrl.u32 s1, $0x2  }
0xb9: {  	s3 =	sand.u32 $0x4000, s31;
	s1 =	sadd.s32 s1, s30  }
0xba: {  	s0 =	sor.u32 s3, s0;
	s1 =	sshll.u32 s1, $0x11  }
0xbb: {  	s0 =	sor.u32 s1, s0  }
0xbc: {  	s0 =	sadd.s32 $0x8F2B, s0  }
0xbd: {  	[sflag:s0] =	ssyncadd.remote.s32 $0x1  }
0xbe: {  	_ =	sfence.sel $0xFFFF  }
0xbf: {  	[dreg:$0x0] =	wrdreg $0xFFFFFFFF;
	(pc) =	sbr.abs _section_cstart, $3  }
0xc0: {  	[dreg:$0x1] =	wrdreg $0xFFFFFFFF  }
0xc1: {  	_ =	task.clear_ibuf [dreg:s6], $0x2FFFF;
	_ =	strace $0x9FFFFFFF  }
0xc2: {  	(tm) =	ssettm $0x7FFFFFFF  }
0xc3: {  	_ =	shalt  }
tec
execute0_lowered:
.L_overlay_start_1:
0x0: {  	(tag) =	ssettag $0x1  }
0x1: {  	s0 =	rddreg [dreg:$0x0]  }
0x2: {  	s1 =	rddreg [dreg:$0x1];
	s2 =	srdreg.scid;
	s3 =	simm.s32 $0x0  }
0x3: {  	s12 =	stileid.u32;
	s21 =	simm.s32 $0x200;
	s28 =	simm.s32 $0x180  }
0x4: {  	s29 =	simm.s32 $0x2A00;
	s30 =	simm.s32 $0x2;
	s6 =	smul.u32 $0x14000, s12  }
0x5: {  	s31 =	simm.s32 $0x0;
	s2 =	sand.u32 $0x1, s2;
	s7 =	smul.u32 $0x50000, s12  }
0x6: {  	[smem:$0x7FF] =	sst s3;
	s4 =	sadd.s32 $0x17400, s0;
	s17 =	smul.u32 $0x2710, s12  }
0x7: {  	s20 =	sadd.s32 $0x3800, s0;
	s22 =	sadd.s32 $0xD600, s0;
	s5 =	smul.u32 $0x140000, s2  }
0x8: {  	_ =	strace $0x8000004A;
	s23 =	ssub.s32 $0x2, s2;
	s8 =	sshll.u32 s2, $0x4  }
0x9: {  	s2 =	smul.u32 $0x27100, s2;
	s9 =	sshrl.u32 s23, $0x1;
	s8 =	sor.u32 s12, s8  }
0xa: {  	s7 =	sshrl.u32 s7, $0x2;
	s5 =	sadd.s32 s6, s5;
	s16 =	ssub.s32 s23, s9  }
0xb: {  	s10 =	smul.u32 $0x2710, s8;
	s26 =	sadd.s32 s17, s2;
	s23 =	simm.s32 $0x80  }
0xc: {  	s5 =	sshrl.u32 s5, $0x3;
	s16 =	smax.u32 s16, $0x1;
	s2 =	sshrl.u32 s26, $0x3  }
0xd: {  	s0 =	sadd.s32 s5, s0;
	s5 =	sadd.s32 s7, s1;
	s11 =	sshrl.u32 s10, $0x3  }
0xe: {  	s17 =	sadd.s32 s2, s22;
	s18 =	sadd.s32 s2, s20;
	s7 =	sadd.s32 $0x2800, s5  }
0xf: {  	s24 =	sadd.s32 $0x5000, s5;
	s25 =	sadd.s32 $0x7800, s5;
	s9 =	sadd.s32 $0xA000, s5  }
0x10: {  	s10 =	sadd.s32 $0xC800, s5;
	s14 =	sadd.s32 $0x4D8, s11;
	s11 =	sadd.s32 $0xF000, s5  }
0x11: {  	s12 =	sadd.s32 $0x11800, s5;
	s15 =	sadd.s32 $0x3E600, s0;
	[dreg:$0x3] =	wrdreg s7  }
0x12: {  	s0 =	sadd.s32 $0x50, s26;
	s26 =	simm.s32 $0x100;
	[dreg:$0x4] =	wrdreg s24  }
0x13: {  	[dreg:$0x5] =	wrdreg s25;
	s13 =	sadd.s32 s20, s14;
	s14 =	sadd.s32 s22, s14  }
0x14: {  	s0 =	sshrl.u32 s0, $0x3;
	s24 =	simm.s32 $0x50;
	s25 =	simm.s32 $0x1  }
0x15: {  	v0 =	vimm.f32 $0.0e+00;
	s19 =	sadd.s32 s0, s22;
	s20 =	sadd.s32 s0, s20;
	s22 =	simm.s32 $0x3  }
.LBB2_1:
0x16: {  	s0 =	simm.s32 $0x0;
	s2 =	simm.s32 $0x200  }
.LBB2_2:
0x17: {  	p0 =	sne.s32 s2, $0x9E00;
	[tilespmem:s0+$0x270] =	vst v0  }
0x18: {  	[tilespmem:s0+$0x200] =	vst v0  }
0x19: {  	[tilespmem:s0+$0x210] =	vst v0  }
.Ltmp0:
0x1a: {  	[tilespmem:s0+$0x220] =	vst v0;
	(pc) =	sbr.rel @p0 .LBB2_2-.Ltmp0, $4  }
0x1b: {  	[tilespmem:s0+$0x230] =	vst v0  }
0x1c: {  	[tilespmem:s0+$0x240] =	vst v0  }
0x1d: {  	[tilespmem:s0+$0x250] =	vst v0  }
0x1e: {  	[tilespmem:s0+$0x260] =	vst v0;
	s0 =	sshra.s32 s2, $0x2;
	s2 =	sadd.s32 $0x200, s2  }
0x1f: {  	[tilespmem:s0+$0x270] =	vst v0  }
0x20: {  	[tilespmem:s0+$0x200] =	vst v0  }
0x21: {  	[tilespmem:s0+$0x210] =	vst v0  }
0x22: {  	[tilespmem:s0+$0x220] =	vst v0  }
0x23: {  	[tilespmem:s0+$0x230] =	vst v0  }
0x24: {  	[tilespmem:s0+$0x240] =	vst v0  }
0x25: {  	[tilespmem:s0+$0x250] =	vst v0  }
0x26: {  	[tilespmem:s0+$0x260] =	vst v0  }
0x27: {  	[spmem:s5] =	stream.linear.scatter [tilespmem:s21], [sflag:$0x3], $0x2800, $0x38;
	[tilespmem:$0x19200] =	vst v63  }
0x28: {  	_ =	swait.ge [sflag:s22], $0x2800  }
0x29: {  	[sflag:s22] =	ssyncset.done $0x0  }
0x2a: {  	s6 =	rddreg [dreg:$0x3];
	[sflag:s22] =	ssyncadd.s32 $0xFFFFD800  }
0x2b: {  	[spmem:s6] =	stream.linear.scatter [tilespmem:s21], [sflag:$0x3], $0x2800, $0x38;
	[tilespmem:$0x19200] =	vst v63  }
0x2c: {  	_ =	swait.ge [sflag:s22], $0x2800  }
0x2d: {  	[sflag:s22] =	ssyncset.done $0x0  }
0x2e: {  	s7 =	rddreg [dreg:$0x4];
	[sflag:s22] =	ssyncadd.s32 $0xFFFFD800  }
0x2f: {  	[spmem:s7] =	stream.linear.scatter [tilespmem:s21], [sflag:$0x3], $0x2800, $0x38;
	[tilespmem:$0x19200] =	vst v63  }
0x30: {  	_ =	swait.ge [sflag:s22], $0x2800  }
0x31: {  	[sflag:s22] =	ssyncset.done $0x0  }
0x32: {  	s8 =	rddreg [dreg:$0x5];
	[sflag:s22] =	ssyncadd.s32 $0xFFFFD800  }
0x33: {  	[spmem:s8] =	stream.linear.scatter [tilespmem:s21], [sflag:$0x3], $0x2800, $0x38;
	[tilespmem:$0x19200] =	vst v63  }
0x34: {  	_ =	swait.ge [sflag:s22], $0x2800  }
0x35: {  	[sflag:s22] =	ssyncset.done $0x0  }
0x36: {  	[sflag:s22] =	ssyncadd.s32 $0xFFFFD800  }
0x37: {  	[spmem:s9] =	stream.linear.scatter [tilespmem:s21], [sflag:$0x3], $0x2800, $0x38;
	[tilespmem:$0x19200] =	vst v63  }
0x38: {  	_ =	swait.ge [sflag:s22], $0x2800  }
0x39: {  	[sflag:s22] =	ssyncset.done $0x0  }
0x3a: {  	[sflag:s22] =	ssyncadd.s32 $0xFFFFD800  }
0x3b: {  	[spmem:s10] =	stream.linear.scatter [tilespmem:s21], [sflag:$0x3], $0x2800, $0x38;
	[tilespmem:$0x19200] =	vst v63  }
0x3c: {  	_ =	swait.ge [sflag:s22], $0x2800  }
0x3d: {  	[sflag:s22] =	ssyncset.done $0x0  }
0x3e: {  	[sflag:s22] =	ssyncadd.s32 $0xFFFFD800  }
0x3f: {  	[spmem:s11] =	stream.linear.scatter [tilespmem:s21], [sflag:$0x3], $0x2800, $0x38;
	[tilespmem:$0x19200] =	vst v63  }
0x40: {  	_ =	swait.ge [sflag:s22], $0x2800  }
0x41: {  	[sflag:s22] =	ssyncset.done $0x0  }
0x42: {  	[sflag:s22] =	ssyncadd.s32 $0xFFFFD800  }
0x43: {  	[spmem:s12] =	stream.linear.scatter [tilespmem:s21], [sflag:$0x3], $0x2800, $0x38;
	[tilespmem:$0x19200] =	vst v63  }
0x44: {  	_ =	swait.ge [sflag:s22], $0x2800  }
0x45: {  	[sflag:s22] =	ssyncset.done $0x0  }
0x46: {  	[sflag:s22] =	ssyncadd.s32 $0xFFFFD800  }
0x47: {  	s2 =	sadd.s32 $0x0, s18;
	[bflag:$0x0] =	sbarrier.arrive $0xFFFF  }
0x48: {  	[tilespmem:s3], [sflag:$0x3] =	stream.linear.gather [hbm4b:s2+s3], $0x50, $0x38;
	[tilespmem:$0x19200] =	vst v63  }
0x49: {  	_ =	swait.ge [sflag:s22], $0x50  }
0x4a: {  	[sflag:s22] =	ssyncset.done $0x0  }
0x4b: {  	s6 =	sadd.s32 $0x0, s17;
	[sflag:s22] =	ssyncadd.s32 $0xFFFFFFB0  }
0x4c: {  	[tilespmem:s23], [sflag:$0x3] =	stream.linear.gather [hbm4b:s6+s3], $0x50, $0x38;
	[tilespmem:$0x19200] =	vst v63  }
0x4d: {  	_ =	swait.ge [sflag:s22], $0x50  }
0x4e: {  	[sflag:s22] =	ssyncset.done $0x0  }
0x4f: {  	[sflag:s22] =	ssyncadd.s32 $0xFFFFFFB0  }
0x50: {  	[tilespmem:s21], [sflag:$0x1] =	stream.indirect.gather [hbm4b:s4+s24], $0x80, s3, s24, $0xb8;
	[tilespmem:$0x19200] =	vst v63  }
0x51: {  	_ =	swait.ge [sflag:s25], $0x2800  }
0x52: {  	[sflag:s25] =	ssyncset.done $0x0  }
0x53: {  	[sflag:s25] =	ssyncadd.s32 $0xFFFFD800  }
0x54: {  	[spmem:s1] =	stream.indirect.scatter.add.f32 [tilespmem:s21], [sflag:$0x3], $0x80, s23, s24, $0xb8;
	[tilespmem:$0x19200] =	vst v63  }
0x55: {  	_ =	swait.ge [sflag:s22], $0x2800  }
0x56: {  	[sflag:s22] =	ssyncset.done $0x0  }
0x57: {  	s7 =	sadd.s32 $0x0, s20;
	[sflag:s22] =	ssyncadd.s32 $0xFFFFD800  }
0x58: {  	[tilespmem:s26], [sflag:$0x3] =	stream.linear.gather [hbm4b:s7+s3], $0x50, $0x38;
	[tilespmem:$0x19200] =	vst v63  }
0x59: {  	_ =	swait.ge [sflag:s22], $0x50  }
0x5a: {  	[sflag:s22] =	ssyncset.done $0x0  }
0x5b: {  	s8 =	sadd.s32 $0x0, s19;
	[sflag:s22] =	ssyncadd.s32 $0xFFFFFFB0  }
0x5c: {  	[tilespmem:s28], [sflag:$0x3] =	stream.linear.gather [hbm4b:s8+s3], $0x50, $0x38;
	[tilespmem:$0x19200] =	vst v63  }
0x5d: {  	_ =	swait.ge [sflag:s22], $0x50  }
0x5e: {  	[sflag:s22] =	ssyncset.done $0x0  }
0x5f: {  	[sflag:s22] =	ssyncadd.s32 $0xFFFFFFB0  }
0x60: {  	[tilespmem:s29], [sflag:$0x2] =	stream.indirect.gather [hbm4b:s4+s24], $0x80, s26, s24, $0xb8;
	[tilespmem:$0x19200] =	vst v63  }
0x61: {  	_ =	swait.ge [sflag:s30], $0x2800  }
0x62: {  	[sflag:s30] =	ssyncset.done $0x0  }
0x63: {  	[sflag:s30] =	ssyncadd.s32 $0xFFFFD800  }
0x64: {  	[spmem:s1] =	stream.indirect.scatter.add.f32 [tilespmem:s29], [sflag:$0x3], $0x80, s28, s24, $0xb8;
	[tilespmem:$0x19200] =	vst v63  }
0x65: {  	_ =	swait.ge [sflag:s22], $0x2800  }
0x66: {  	s0 =	simm.s32 $0x14;
	s2 =	simm.s32 $0x28;
	[sflag:s22] =	ssyncset.done $0x0  }
.LBB2_4:
0x67: {  	s7 =	sadd.s32 s0, s18  }
0x68: {  	[sflag:s22] =	ssyncadd.s32 $0xFFFFD800;
	s8 =	smov.u32 s2;
	s6 =	sadd.s32 $0x14, s2  }
0x69: {  	[tilespmem:s3], [sflag:$0x3] =	stream.linear.gather [hbm4b:s7+s3], $0x50, $0x38;
	[tilespmem:$0x19200] =	vst v63  }
0x6a: {  	p0 =	sne.s32 s2, $0x4C4;
	_ =	swait.ge [sflag:s22], $0x50  }
0x6b: {  	[sflag:s22] =	ssyncset.done $0x0  }
0x6c: {  	s2 =	sadd.s32 s0, s17;
	[sflag:s22] =	ssyncadd.s32 $0xFFFFFFB0  }
0x6d: {  	[tilespmem:s23], [sflag:$0x3] =	stream.linear.gather [hbm4b:s2+s3], $0x50, $0x38;
	[tilespmem:$0x19200] =	vst v63  }
0x6e: {  	_ =	swait.ge [sflag:s22], $0x50  }
0x6f: {  	[sflag:s22] =	ssyncset.done $0x0  }
0x70: {  	[sflag:s22] =	ssyncadd.s32 $0xFFFFFFB0  }
0x71: {  	[tilespmem:s21], [sflag:$0x1] =	stream.indirect.gather [hbm4b:s4+s24], $0x80, s3, s24, $0xb8;
	[tilespmem:$0x19200] =	vst v63  }
0x72: {  	_ =	swait.ge [sflag:s25], $0x2800  }
0x73: {  	[sflag:s25] =	ssyncset.done $0x0  }
0x74: {  	[sflag:s25] =	ssyncadd.s32 $0xFFFFD800  }
0x75: {  	[spmem:s1] =	stream.indirect.scatter.add.f32 [tilespmem:s21], [sflag:$0x3], $0x80, s23, s24, $0xb8;
	[tilespmem:$0x19200] =	vst v63  }
0x76: {  	_ =	swait.ge [sflag:s22], $0x2800  }
0x77: {  	[sflag:s22] =	ssyncset.done $0x0  }
0x78: {  	s2 =	sadd.s32 s0, s20;
	[sflag:s22] =	ssyncadd.s32 $0xFFFFD800  }
0x79: {  	[tilespmem:s26], [sflag:$0x3] =	stream.linear.gather [hbm4b:s2+s3], $0x50, $0x38;
	[tilespmem:$0x19200] =	vst v63  }
0x7a: {  	_ =	swait.ge [sflag:s22], $0x50  }
0x7b: {  	[sflag:s22] =	ssyncset.done $0x0  }
0x7c: {  	s2 =	sadd.s32 s0, s19;
	s0 =	smov.u32 s8;
	[sflag:s22] =	ssyncadd.s32 $0xFFFFFFB0  }
0x7d: {  	[tilespmem:s28], [sflag:$0x3] =	stream.linear.gather [hbm4b:s2+s3], $0x50, $0x38;
	[tilespmem:$0x19200] =	vst v63  }
0x7e: {  	_ =	swait.ge [sflag:s22], $0x50  }
0x7f: {  	[sflag:s22] =	ssyncset.done $0x0  }
0x80: {  	[sflag:s22] =	ssyncadd.s32 $0xFFFFFFB0  }
0x81: {  	[tilespmem:s29], [sflag:$0x2] =	stream.indirect.gather [hbm4b:s4+s24], $0x80, s26, s24, $0xb8;
	[tilespmem:$0x19200] =	vst v63  }
0x82: {  	_ =	swait.ge [sflag:s30], $0x2800  }
.Ltmp1:
0x83: {  	[sflag:s30] =	ssyncset.done $0x0;
	(pc) =	sbr.rel @p0 .LBB2_4-.Ltmp1, $4  }
0x84: {  	[sflag:s30] =	ssyncadd.s32 $0xFFFFD800  }
0x85: {  	[spmem:s1] =	stream.indirect.scatter.add.f32 [tilespmem:s29], [sflag:$0x3], $0x80, s28, s24, $0xb8;
	[tilespmem:$0x19200] =	vst v63  }
0x86: {  	_ =	swait.ge [sflag:s22], $0x2800  }
0x87: {  	s2 =	smov.u32 s6;
	[sflag:s22] =	ssyncset.done $0x0  }
0x88: {  	s2 =	sadd.s32 s0, s18;
	[sflag:s22] =	ssyncadd.s32 $0xFFFFD800  }
0x89: {  	[tilespmem:s3], [sflag:$0x3] =	stream.linear.gather [hbm4b:s2+s3], $0x50, $0x38;
	[tilespmem:$0x19200] =	vst v63  }
0x8a: {  	_ =	swait.ge [sflag:s22], $0x50  }
0x8b: {  	[sflag:s22] =	ssyncset.done $0x0  }
0x8c: {  	s7 =	sadd.s32 s0, s17;
	[sflag:s22] =	ssyncadd.s32 $0xFFFFFFB0  }
0x8d: {  	[tilespmem:s23], [sflag:$0x3] =	stream.linear.gather [hbm4b:s7+s3], $0x50, $0x38;
	[tilespmem:$0x19200] =	vst v63  }
0x8e: {  	_ =	swait.ge [sflag:s22], $0x50  }
0x8f: {  	[sflag:s22] =	ssyncset.done $0x0  }
0x90: {  	[sflag:s22] =	ssyncadd.s32 $0xFFFFFFB0  }
0x91: {  	[tilespmem:s21], [sflag:$0x1] =	stream.indirect.gather [hbm4b:s4+s24], $0x80, s3, s24, $0xb8;
	[tilespmem:$0x19200] =	vst v63  }
0x92: {  	_ =	swait.ge [sflag:s25], $0x2800  }
0x93: {  	[sflag:s25] =	ssyncset.done $0x0  }
0x94: {  	[sflag:s25] =	ssyncadd.s32 $0xFFFFD800  }
0x95: {  	[spmem:s1] =	stream.indirect.scatter.add.f32 [tilespmem:s21], [sflag:$0x3], $0x80, s23, s24, $0xb8;
	[tilespmem:$0x19200] =	vst v63  }
0x96: {  	_ =	swait.ge [sflag:s22], $0x2800  }
0x97: {  	[sflag:s22] =	ssyncset.done $0x0  }
0x98: {  	s8 =	sadd.s32 s0, s20;
	[sflag:s22] =	ssyncadd.s32 $0xFFFFD800  }
0x99: {  	[tilespmem:s26], [sflag:$0x3] =	stream.linear.gather [hbm4b:s8+s3], $0x50, $0x38;
	[tilespmem:$0x19200] =	vst v63  }
0x9a: {  	_ =	swait.ge [sflag:s22], $0x50  }
0x9b: {  	[sflag:s22] =	ssyncset.done $0x0  }
0x9c: {  	s6 =	sadd.s32 s0, s19;
	[sflag:s22] =	ssyncadd.s32 $0xFFFFFFB0  }
0x9d: {  	[tilespmem:s28], [sflag:$0x3] =	stream.linear.gather [hbm4b:s6+s3], $0x50, $0x38;
	[tilespmem:$0x19200] =	vst v63  }
0x9e: {  	_ =	swait.ge [sflag:s22], $0x50  }
0x9f: {  	[sflag:s22] =	ssyncset.done $0x0  }
0xa0: {  	[sflag:s22] =	ssyncadd.s32 $0xFFFFFFB0  }
0xa1: {  	[tilespmem:s29], [sflag:$0x2] =	stream.indirect.gather [hbm4b:s4+s24], $0x80, s26, s24, $0xb8;
	[tilespmem:$0x19200] =	vst v63  }
0xa2: {  	_ =	swait.ge [sflag:s30], $0x2800  }
0xa3: {  	[sflag:s30] =	ssyncset.done $0x0  }
0xa4: {  	[sflag:s30] =	ssyncadd.s32 $0xFFFFD800  }
0xa5: {  	[spmem:s1] =	stream.indirect.scatter.add.f32 [tilespmem:s29], [sflag:$0x3], $0x80, s28, s24, $0xb8;
	[tilespmem:$0x19200] =	vst v63  }
0xa6: {  	_ =	swait.ge [sflag:s22], $0x2800  }
0xa7: {  	[sflag:s22] =	ssyncset.done $0x0  }
0xa8: {  	[sflag:s22] =	ssyncadd.s32 $0xFFFFD800  }
0xa9: {  	[tilespmem:s3], [sflag:$0x3] =	stream.linear.gather [hbm4b:s13+s3], $0x50, $0x38;
	[tilespmem:$0x19200] =	vst v63  }
0xaa: {  	_ =	swait.ge [sflag:s22], $0x50  }
0xab: {  	[sflag:s22] =	ssyncset.done $0x0  }
0xac: {  	[sflag:s22] =	ssyncadd.s32 $0xFFFFFFB0  }
0xad: {  	[tilespmem:s23], [sflag:$0x3] =	stream.linear.gather [hbm4b:s14+s3], $0x50, $0x38;
	[tilespmem:$0x19200] =	vst v63  }
0xae: {  	_ =	swait.ge [sflag:s22], $0x50  }
0xaf: {  	[sflag:s22] =	ssyncset.done $0x0  }
0xb0: {  	[sflag:s22] =	ssyncadd.s32 $0xFFFFFFB0  }
0xb1: {  	[tilespmem:s21], [sflag:$0x1] =	stream.indirect.gather [hbm4b:s4+s24], $0x80, s3, s24, $0xb8;
	[tilespmem:$0x19200] =	vst v63  }
0xb2: {  	_ =	swait.ge [sflag:s25], $0x2800  }
0xb3: {  	[sflag:s25] =	ssyncset.done $0x0  }
0xb4: {  	[sflag:s25] =	ssyncadd.s32 $0xFFFFD800  }
0xb5: {  	[spmem:s1] =	stream.indirect.scatter.add.f32 [tilespmem:s21], [sflag:$0x3], $0x80, s23, s24, $0xb8;
	[tilespmem:$0x19200] =	vst v63  }
0xb6: {  	s7 =	stileid.u32;
	_ =	swait.ge [sflag:s22], $0x2800  }
0xb7: {  	s31 =	sadd.s32 $0x1, s31;
	s0 =	sshll.u32 s7, $0x6;
	[sflag:s22] =	ssyncset.done $0x0  }
0xb8: {  	p0 =	sne.s32 s31, s16;
	s0 =	sor.u32 $0x1C03, s0;
	[sflag:s22] =	ssyncadd.s32 $0xFFFFD800  }
.Ltmp2:
0xb9: {  	s8 =	sshrl.u32 s5, $0x3;
	[bflag:$0x0] =	sbarrier.arrive $0xFFFF;
	(pc) =	sbr.rel @p0 .LBB2_1-.Ltmp2, $4  }
0xba: {  	[hbm:s15], [sflag:s0] =	dma.local [spmem:s8], $0x2800  }
0xbb: {  	_ =	swait.ge [sflag:s22], $0x2800  }
0xbc: {  	[sflag:s22] =	ssyncset.done $0x0  }
0xbd: {  	[sflag:s22] =	ssyncadd.s32 $0xFFFFD800  }
0xbe: {  	_ =	sfence.sel $0x180000  }
0xbf: {  	[bflag:$0x0] =	sbarrier.arrive $0xFFFF  }
0xc0: {  	_ =	strace $0x9000004A  }
0xc1: {  	s0 =	stileid.u32;
	[bflag:$0x2] =	sbarrier.arrive $0xFFFF  }
0xc2: {  	p0 =	sne.s32 s0, $0x0;
	s0 =	rddreg [dreg:$0x2]  }
0xc3: {  	s0 =	sadd.s32 @!p0 $0x100000, s0  }
0xc4: {  	[sflag:s0] =	ssyncadd.tile.s32 @!p0 $0x1;
	_ =	shalt  }
.Lfunc_end2:
_tile_overlayer_lowered:
.L_overlay_start_2:
0xc5: {  	(tag) =	ssettag $0x2  }
0xc6: {  	s0 =	rddreg [dreg:$0x0];
	s2 =	stileid.u32  }
0xc7: {  	s1 =	rddreg [dreg:$0x1];
	p0 =	sne.s32 s2, $0x0  }
0xc8: {  	s3 =	rddreg [dreg:$0x2];
	[bflag:$0x3] =	sbarrier.arrive $0xFFFF;
	s2 =	simm.s32 @!p0 $0x1C03  }
0xc9: {  	[timem:s3], [sflag:s2] =	dma.local @!p0 [hbm:s0], s1  }
0xca: {  	s0 =	simm.s32 @!p0 $0x3  }
0xcb: {  	_ =	swait.ge @!p0 [sflag:s0], s1  }
0xcc: {  	s1 =	ssub.s32 @!p0 $0x0, s1;
	[sflag:s0] =	ssyncset.done @!p0 $0x0  }
0xcd: {  	[sflag:s0] =	ssyncadd.s32 @!p0 s1  }
0xce: {  	[bflag:$0x3] =	sbarrier.arrive $0xFFFF  }
0xcf: {  	_ =	shalt  }

// kernel: kernel.14.cloned.1.call-start
scs
__scs_entry_jumppad:
0x0: {  	(pc) =	sbr.rel $0x88, $3  }
0x1: {  	(tag) =	ssettag $0x0;
	lr =	simm.s32 $0x1  }
0x2: {  	[smem:$0x3F96] =	sst lr;
	_ =	strace $0xD0000000  }
0x3: {  	_ = 	snop  }
0x4: {  	_ = 	snop  }
0x5: {  	_ = 	snop  }
0x6: {  	_ = 	snop  }
0x7: {  	_ = 	snop  }
__scs_overlays_trampoline_lowered:
0x8: {  	[smem:$0x3FA5] =	sst s0  }
0x9: {  	[smem:$0x3FA6] =	sst s1  }
0xa: {  	[smem:$0x3FA7] =	sst s2  }
0xb: {  	[smem:$0x3FA8] =	sst s3  }
0xc: {  	[smem:$0x3FA9] =	sst s4  }
0xd: {  	[smem:$0x3FAA] =	sst s5  }
0xe: {  	[smem:$0x3FAB] =	sst s6  }
0xf: {  	[smem:$0x3FAC] =	sst s7  }
0x10: {  	[smem:$0x3FAD] =	sst s8  }
0x11: {  	[smem:$0x3FAE] =	sst s9;
	s0 =	simm.s32 @!p0 $0x0  }
0x12: {  	s1 =	sld [smem:$0x3F94];
	s0 =	simm.s32 @p0 $0x1  }
0x13: {  	[smem:$0x3FAF] =	sst s0;
	s0 =	simm.s32 @!p1 $0x0  }
0x14: {  	s2 =	sld [smem:$0x3F93];
	s0 =	simm.s32 @p1 $0x1  }
0x15: {  	[smem:$0x3FB0] =	sst s0;
	s0 =	simm.s32 @!p2 $0x0  }
0x16: {  	s3 =	sld [smem:$0x3FDB];
	s0 =	simm.s32 @p2 $0x1  }
0x17: {  	s4 =	simm.s32 $0x1BF5;
	[smem:$0x3FB2] =	sst s0  }
0x18: {  	s0 =	sld [smem:$0x3F95];
	_ =	swait.ge [sflag:s4], $0x0  }
0x19: {  	s7 =	sld [smem:$0x3F96]  }
0x1a: {  	s8 =	sadd.s32 $0xFFFFE003, lr  }
0x1b: {  	s9 =	sadd.s32 $0xFFFFFEF7, lr;
	s5 =	simm.s32 $0xFFFFFFFF;
	p2 =	slt.u32 s8, $0xFFFFF086  }
0x1c: {  	p1 =	slt.u32 s9, $0xF7A;
	s5 =	simm.s32 @!p2 $0x0  }
0x1d: {  	s5 =	simm.s32 @p1 $0x1;
	p0 =	seq.s32 s7, s2  }
0x1e: {  	s7 =	smul.u32 @!p0 $0xF7A, s2;
	p2 =	seq.s32 @!p0 s5, $0x0  }
0x1f: {  	s9 =	smul.u32 $0xF7A, s1;
	s8 =	simm.s32 @!p0 $0x1BF5;
	p2 =	por !p2, p0  }
0x20: {  	[sflag:s8] =	ssyncset.s32 @!p0 $0xFFFFF086;
	s6 =	sadd.s32 @!p0 s3, s7;
	s7 =	simm.s32 @!p0 $0x108  }
0x21: {  	s3 =	sadd.s32 s3, s9;
	s6 =	sadd.s32 @!p0 $0x88, s6;
	s7 =	simm.s32 @p2 $0x1082  }
0x22: {  	[simem:s7], [sflag:s8] =	dma.local @!p0 [hbm:s6], $0xF7A  }
0x23: {  	s9 =	sor.u32 $0xD0000000, s2;
	s6 =	simm.s32 $0x108;
	_ =	swait.ge @!p0 [sflag:s8], $0x0  }
0x24: {  	s3 =	sadd.s32 $0x88, s3;
	s6 =	simm.s32 @!p1 $0x1082;
	[sflag:s4] =	ssyncset.s32 $0xFFFFF086  }
0x25: {  	[simem:s6], [sflag:s4] =	dma.local [hbm:s3], $0xF7A  }
0x26: {  	[smem:$0x3F96] =	sst s1;
	(tag) =	ssettag s2;
	_ =	strace s9  }
0x27: {  	s1 =	sld [smem:$0x3FA6]  }
0x28: {  	s2 =	sld [smem:$0x3FA7]  }
0x29: {  	s4 =	sld [smem:$0x3FA9]  }
0x2a: {  	p0 =	seq.s32 s5, $0x0;
	s5 =	sld [smem:$0x3FAA]  }
0x2b: {  	s6 =	sld [smem:$0x3FAB]  }
0x2c: {  	s7 =	sld [smem:$0x3FAC]  }
0x2d: {  	s3 =	simm.s32 $0x108;
	s8 =	sld [smem:$0x3FAD]  }
0x2e: {  	s3 =	simm.s32 @!p0 $0x1082;
	s9 =	sld [smem:$0x3FAE]  }
0x2f: {  	lr =	sadd.s32 s0, s3;
	s0 =	sld [smem:$0x3FA5]  }
0x30: {  	s3 =	sld [smem:$0x3FA8]  }
0x31: {  	[smem:$0x3FB1] =	sst s10  }
0x32: {  	s10 =	sld [smem:$0x3FAF];
	_ =	sdelay $0x3  }
0x33: {  	p0 =	seq.s32 s10, $0x1;
	s10 =	sld [smem:$0x3FB1];
	_ =	sdelay $0x3  }
0x34: {  	[smem:$0x3FB1] =	sst s10  }
0x35: {  	s10 =	sld [smem:$0x3FB0];
	_ =	sdelay $0x3  }
0x36: {  	p1 =	seq.s32 s10, $0x1;
	s10 =	sld [smem:$0x3FB1];
	_ =	sdelay $0x3  }
0x37: {  	[smem:$0x3FB1] =	sst s10  }
0x38: {  	s10 =	sld [smem:$0x3FB2]  }
0x39: {  	_ = 	snop;
	(pc) =	sbr.ind lr, $3  }
0x3a: {  	_ = 	snop  }
0x3b: {  	_ = 	snop  }
0x3c: {  	p2 =	seq.s32 s10, $0x1;
	s10 =	sld [smem:$0x3FB1]  }
0x3d: {  	_ =	shalt  }
0x3e: {  	_ =	shalt  }
0x3f: {  	_ =	shalt  }
0x40: {  	_ =	shalt  }
0x41: {  	_ =	shalt  }
0x42: {  	_ =	shalt  }
0x43: {  	_ =	shalt  }
0x44: {  	_ =	shalt  }
0x45: {  	_ =	shalt  }
0x46: {  	_ =	shalt  }
0x47: {  	_ =	shalt  }
0x48: {  	_ =	shalt  }
0x49: {  	_ =	shalt  }
0x4a: {  	_ =	shalt  }
0x4b: {  	_ =	shalt  }
0x4c: {  	_ =	shalt  }
0x4d: {  	_ =	shalt  }
0x4e: {  	_ =	shalt  }
0x4f: {  	_ =	shalt  }
0x50: {  	_ =	shalt  }
0x51: {  	_ =	shalt  }
0x52: {  	_ =	shalt  }
0x53: {  	_ =	shalt  }
0x54: {  	_ =	shalt  }
0x55: {  	_ =	shalt  }
0x56: {  	_ =	shalt  }
0x57: {  	_ =	shalt  }
0x58: {  	_ =	shalt  }
0x59: {  	_ =	shalt  }
0x5a: {  	_ =	shalt  }
0x5b: {  	_ =	shalt  }
0x5c: {  	_ =	shalt  }
0x5d: {  	_ =	shalt  }
0x5e: {  	_ =	shalt  }
0x5f: {  	_ =	shalt  }
0x60: {  	_ =	shalt  }
0x61: {  	_ =	shalt  }
0x62: {  	_ =	shalt  }
0x63: {  	_ =	shalt  }
0x64: {  	_ =	shalt  }
0x65: {  	_ =	shalt  }
0x66: {  	_ =	shalt  }
0x67: {  	_ =	shalt  }
0x68: {  	_ =	shalt  }
0x69: {  	_ =	shalt  }
0x6a: {  	_ =	shalt  }
0x6b: {  	_ =	shalt  }
0x6c: {  	_ =	shalt  }
0x6d: {  	_ =	shalt  }
0x6e: {  	_ =	shalt  }
0x6f: {  	_ =	shalt  }
0x70: {  	_ =	shalt  }
0x71: {  	_ =	shalt  }
0x72: {  	_ =	shalt  }
0x73: {  	_ =	shalt  }
0x74: {  	_ =	shalt  }
0x75: {  	_ =	shalt  }
0x76: {  	_ =	shalt  }
0x77: {  	_ =	shalt  }
0x78: {  	_ =	shalt  }
0x79: {  	_ =	shalt  }
0x7a: {  	_ =	shalt  }
0x7b: {  	_ =	shalt  }
0x7c: {  	_ =	shalt  }
0x7d: {  	_ =	shalt  }
0x7e: {  	_ =	shalt  }
0x7f: {  	_ =	shalt  }
0x80: {  	_ =	shalt  }
0x81: {  	_ =	shalt  }
0x82: {  	_ =	shalt  }
0x83: {  	_ =	shalt  }
0x84: {  	_ =	shalt  }
0x85: {  	_ =	shalt  }
0x86: {  	_ =	shalt  }
0x87: {  	_ =	shalt  }
.Lfunc_end0:
.L_simem_size_0:
called_computation.2_lowered:
.L_overlay_start_0:
0x88: {  	s2 =	sld [smem:$0x3FD9]  }
0x89: {  	s3 =	sld [smem:$0x3FFE];
	_ =	sdelay $0x1  }
0x8a: {  	s1 =	srdreg.scid  }
0x8b: {  	s0 =	sand.u32 $0x1, s1  }
0x8c: {  	s16 =	sshll.u32 s0, $0xA;
	s2 =	sadd.s32 s3, s2  }
0x8d: {  	s2 =	sadd.s32 s2, s16  }
0x8e: {  	[smem:$0x3FBD] =	sst s2  }
0x8f: {  	_ = 	snop  }
0x90: {  	(tm) =	ssettm $0x1  }
0x91: {  	s17 =	sld [smem:$0x3FFB];
	_ =	sdelay $0x3  }
0x92: {  	_ =	strace s17  }
0x93: {  	s2 =	sld [smem:$0x3FFC];
	_ =	sdelay $0x3  }
0x94: {  	_ =	strace s2  }
0x95: {  	s2 =	sld [smem:$0x3FFD];
	_ =	sdelay $0x3  }
0x96: {  	_ =	strace s2  }
0x97: {  	_ =	strace $0x8FFFFFFF  }
0x98: {  	s18 =	sld [smem:$0x3FDB];
	_ =	sdelay $0x1  }
0x99: {  	s19 =	simm.s32 $_scs_section_size  }
0x9a: {  	s4 =	simm.s32 $_size__tile_overlayer_lowered;
	s5 =	simm.s32 $_tile_overlayer_lowered  }
0x9b: {  	s22 =	simm.s32 $0x1BFF;
	s21 =	sshll.u32 s5, $0x1;
	s2 =	sadd.s32 s19, s18  }
0x9c: {  	s6 =	simm.s32 $0x0;
	s20 =	sshll.u32 s4, $0x1;
	s4 =	sadd.s32 s21, s2  }
0x9d: {  	[timem:s6], [sflag:s22] =	dma.local [hbm:s4], s20  }
0x9e: {  	_ =	swait.ge [sflag:s22], s20  }
0x9f: {  	s3 =	ssub.s32 $0x0, s20;
	[sflag:s22] =	ssyncset.done $0x0  }
0xa0: {  	[sflag:s22] =	ssyncadd.s32 s3;
	_ =	sdelay $0x1  }
0xa1: {  	s23 =	simm.s32 $0x1B8B  }
0xa2: {  	_ =	swait.ge [sflag:s23], $0x1  }
0xa3: {  	[sflag:s23] =	ssyncset.done $0x0  }
0xa4: {  	s25 =	simm.s32 $0x1B8E;
	s24 =	sld [smem:$0x3FFE];
	[sflag:s23] =	ssyncadd.s32 $0xFFFFFFFF  }
0xa5: {  	s26 =	simm.s32 $execute0_lowered;
	[smem:$0x3FD2] =	sst s25  }
0xa6: {  	s4 =	sshll.u32 s26, $0x1;
	_ =	strace $0x8000004C;
	[dreg:$0x1] =	wrdreg $0xFFFFFFFF  }
0xa7: {  	s28 =	simm.s32 $_size_execute0_lowered;
	s2 =	sadd.s32 s2, s4;
	[dreg:$0x0] =	wrdreg $0x0  }
0xa8: {  	s4 =	sshll.u32 s28, $0x1;
	[dreg:$0x2] =	wrdreg s2  }
0xa9: {  	[dreg:$0x3] =	wrdreg s4  }
0xaa: {  	[dreg:$0x4] =	wrdreg $0xC0  }
0xab: {  	_ =	task [dreg:s6], $0x5FFFF  }
0xac: {  	[dreg:$0x1] =	wrdreg $0xFFFFFFFF  }
0xad: {  	[dreg:$0x0] =	wrdreg $0x60  }
0xae: {  	[dreg:$0x2] =	wrdreg s24  }
0xaf: {  	[dreg:$0x3] =	wrdreg $0x52000  }
0xb0: {  	[dreg:$0x4] =	wrdreg $0x9  }
0xb1: {  	_ =	task.clear_ibuf [dreg:s6], $0x5FFFF;
	_ =	strace $0x9000004C  }
0xb2: {  	s29 =	simm.s32 $0x9;
	_ =	strace $0x8000004E  }
0xb3: {  	_ =	swait.ge [sflag:s29], $0x1  }
0xb4: {  	[sflag:s29] =	ssyncadd.s32 $0xFFFFFFFF  }
0xb5: {  	_ =	strace $0x9000004E  }
0xb6: {  	_ =	sfence  }
0xb7: {  	s30 =	sld [smem:$0x0];
	_ =	sdelay $0x2  }
0xb8: {  	s31 =	sshll.u32 s1, $0xD;
	s1 =	sshrl.u32 s1, $0x2  }
0xb9: {  	s3 =	sand.u32 $0x4000, s31;
	s1 =	sadd.s32 s1, s30  }
0xba: {  	s0 =	sor.u32 s3, s0;
	s1 =	sshll.u32 s1, $0x11  }
0xbb: {  	s0 =	sor.u32 s1, s0  }
0xbc: {  	s0 =	sadd.s32 $0x8F2B, s0  }
0xbd: {  	[sflag:s0] =	ssyncadd.remote.s32 $0x1  }
0xbe: {  	_ =	sfence.sel $0xFFFF  }
0xbf: {  	[dreg:$0x0] =	wrdreg $0xFFFFFFFF;
	(pc) =	sbr.abs _section_cstart, $3  }
0xc0: {  	[dreg:$0x1] =	wrdreg $0xFFFFFFFF  }
0xc1: {  	_ =	task.clear_ibuf [dreg:s6], $0x2FFFF;
	_ =	strace $0x9FFFFFFF  }
0xc2: {  	(tm) =	ssettm $0x7FFFFFFF  }
0xc3: {  	_ =	shalt  }
tec
execute0_lowered:
.L_overlay_start_1:
0x0: {  	(tag) =	ssettag $0x1  }
0x1: {  	s0 =	rddreg [dreg:$0x0]  }
0x2: {  	s1 =	rddreg [dreg:$0x1];
	s2 =	srdreg.scid;
	s3 =	simm.s32 $0x0  }
0x3: {  	s12 =	stileid.u32;
	s21 =	simm.s32 $0x200;
	s28 =	simm.s32 $0x180  }
0x4: {  	s29 =	simm.s32 $0x2A00;
	s30 =	simm.s32 $0x2;
	s6 =	smul.u32 $0x14000, s12  }
0x5: {  	s31 =	simm.s32 $0x0;
	s2 =	sand.u32 $0x1, s2;
	s7 =	smul.u32 $0x50000, s12  }
0x6: {  	[smem:$0x7FF] =	sst s3;
	s4 =	sadd.s32 $0x17400, s0;
	s17 =	smul.u32 $0x2710, s12  }
0x7: {  	s20 =	sadd.s32 $0x3800, s0;
	s22 =	sadd.s32 $0xD600, s0;
	s5 =	smul.u32 $0x140000, s2  }
0x8: {  	_ =	strace $0x8000004D;
	s23 =	ssub.s32 $0x2, s2;
	s8 =	sshll.u32 s2, $0x4  }
0x9: {  	s2 =	smul.u32 $0x27100, s2;
	s9 =	sshrl.u32 s23, $0x1;
	s8 =	sor.u32 s12, s8  }
0xa: {  	s7 =	sshrl.u32 s7, $0x2;
	s5 =	sadd.s32 s6, s5;
	s16 =	ssub.s32 s23, s9  }
0xb: {  	s10 =	smul.u32 $0x2710, s8;
	s26 =	sadd.s32 s17, s2;
	s23 =	simm.s32 $0x80  }
0xc: {  	s5 =	sshrl.u32 s5, $0x3;
	s16 =	smax.u32 s16, $0x1;
	s2 =	sshrl.u32 s26, $0x3  }
0xd: {  	s0 =	sadd.s32 s5, s0;
	s5 =	sadd.s32 s7, s1;
	s11 =	sshrl.u32 s10, $0x3  }
0xe: {  	s17 =	sadd.s32 s2, s22;
	s18 =	sadd.s32 s2, s20;
	s7 =	sadd.s32 $0x2800, s5  }
0xf: {  	s24 =	sadd.s32 $0x5000, s5;
	s25 =	sadd.s32 $0x7800, s5;
	s9 =	sadd.s32 $0xA000, s5  }
0x10: {  	s10 =	sadd.s32 $0xC800, s5;
	s14 =	sadd.s32 $0x4D8, s11;
	s11 =	sadd.s32 $0xF000, s5  }
0x11: {  	s12 =	sadd.s32 $0x11800, s5;
	s15 =	sadd.s32 $0x3E600, s0;
	[dreg:$0x3] =	wrdreg s7  }
0x12: {  	s0 =	sadd.s32 $0x50, s26;
	s26 =	simm.s32 $0x100;
	[dreg:$0x4] =	wrdreg s24  }
0x13: {  	[dreg:$0x5] =	wrdreg s25;
	s13 =	sadd.s32 s20, s14;
	s14 =	sadd.s32 s22, s14  }
0x14: {  	s0 =	sshrl.u32 s0, $0x3;
	s24 =	simm.s32 $0x50;
	s25 =	simm.s32 $0x1  }
0x15: {  	v0 =	vimm.f32 $0.0e+00;
	s19 =	sadd.s32 s0, s22;
	s20 =	sadd.s32 s0, s20;
	s22 =	simm.s32 $0x3  }
.LBB2_1:
0x16: {  	s0 =	simm.s32 $0x0;
	s2 =	simm.s32 $0x200  }
.LBB2_2:
0x17: {  	p0 =	sne.s32 s2, $0x9E00;
	[tilespmem:s0+$0x270] =	vst v0  }
0x18: {  	[tilespmem:s0+$0x200] =	vst v0  }
0x19: {  	[tilespmem:s0+$0x210] =	vst v0  }
.Ltmp0:
0x1a: {  	[tilespmem:s0+$0x220] =	vst v0;
	(pc) =	sbr.rel @p0 .LBB2_2-.Ltmp0, $4  }
0x1b: {  	[tilespmem:s0+$0x230] =	vst v0  }
0x1c: {  	[tilespmem:s0+$0x240] =	vst v0  }
0x1d: {  	[tilespmem:s0+$0x250] =	vst v0  }
0x1e: {  	[tilespmem:s0+$0x260] =	vst v0;
	s0 =	sshra.s32 s2, $0x2;
	s2 =	sadd.s32 $0x200, s2  }
0x1f: {  	[tilespmem:s0+$0x270] =	vst v0  }
0x20: {  	[tilespmem:s0+$0x200] =	vst v0  }
0x21: {  	[tilespmem:s0+$0x210] =	vst v0  }
0x22: {  	[tilespmem:s0+$0x220] =	vst v0  }
0x23: {  	[tilespmem:s0+$0x230] =	vst v0  }
0x24: {  	[tilespmem:s0+$0x240] =	vst v0  }
0x25: {  	[tilespmem:s0+$0x250] =	vst v0  }
0x26: {  	[tilespmem:s0+$0x260] =	vst v0  }
0x27: {  	[spmem:s5] =	stream.linear.scatter [tilespmem:s21], [sflag:$0x3], $0x2800, $0x38;
	[tilespmem:$0x19200] =	vst v63  }
0x28: {  	_ =	swait.ge [sflag:s22], $0x2800  }
0x29: {  	[sflag:s22] =	ssyncset.done $0x0  }
0x2a: {  	s6 =	rddreg [dreg:$0x3];
	[sflag:s22] =	ssyncadd.s32 $0xFFFFD800  }
0x2b: {  	[spmem:s6] =	stream.linear.scatter [tilespmem:s21], [sflag:$0x3], $0x2800, $0x38;
	[tilespmem:$0x19200] =	vst v63  }
0x2c: {  	_ =	swait.ge [sflag:s22], $0x2800  }
0x2d: {  	[sflag:s22] =	ssyncset.done $0x0  }
0x2e: {  	s7 =	rddreg [dreg:$0x4];
	[sflag:s22] =	ssyncadd.s32 $0xFFFFD800  }
0x2f: {  	[spmem:s7] =	stream.linear.scatter [tilespmem:s21], [sflag:$0x3], $0x2800, $0x38;
	[tilespmem:$0x19200] =	vst v63  }
0x30: {  	_ =	swait.ge [sflag:s22], $0x2800  }
0x31: {  	[sflag:s22] =	ssyncset.done $0x0  }
0x32: {  	s8 =	rddreg [dreg:$0x5];
	[sflag:s22] =	ssyncadd.s32 $0xFFFFD800  }
0x33: {  	[spmem:s8] =	stream.linear.scatter [tilespmem:s21], [sflag:$0x3], $0x2800, $0x38;
	[tilespmem:$0x19200] =	vst v63  }
0x34: {  	_ =	swait.ge [sflag:s22], $0x2800  }
0x35: {  	[sflag:s22] =	ssyncset.done $0x0  }
0x36: {  	[sflag:s22] =	ssyncadd.s32 $0xFFFFD800  }
0x37: {  	[spmem:s9] =	stream.linear.scatter [tilespmem:s21], [sflag:$0x3], $0x2800, $0x38;
	[tilespmem:$0x19200] =	vst v63  }
0x38: {  	_ =	swait.ge [sflag:s22], $0x2800  }
0x39: {  	[sflag:s22] =	ssyncset.done $0x0  }
0x3a: {  	[sflag:s22] =	ssyncadd.s32 $0xFFFFD800  }
0x3b: {  	[spmem:s10] =	stream.linear.scatter [tilespmem:s21], [sflag:$0x3], $0x2800, $0x38;
	[tilespmem:$0x19200] =	vst v63  }
0x3c: {  	_ =	swait.ge [sflag:s22], $0x2800  }
0x3d: {  	[sflag:s22] =	ssyncset.done $0x0  }
0x3e: {  	[sflag:s22] =	ssyncadd.s32 $0xFFFFD800  }
0x3f: {  	[spmem:s11] =	stream.linear.scatter [tilespmem:s21], [sflag:$0x3], $0x2800, $0x38;
	[tilespmem:$0x19200] =	vst v63  }
0x40: {  	_ =	swait.ge [sflag:s22], $0x2800  }
0x41: {  	[sflag:s22] =	ssyncset.done $0x0  }
0x42: {  	[sflag:s22] =	ssyncadd.s32 $0xFFFFD800  }
0x43: {  	[spmem:s12] =	stream.linear.scatter [tilespmem:s21], [sflag:$0x3], $0x2800, $0x38;
	[tilespmem:$0x19200] =	vst v63  }
0x44: {  	_ =	swait.ge [sflag:s22], $0x2800  }
0x45: {  	[sflag:s22] =	ssyncset.done $0x0  }
0x46: {  	[sflag:s22] =	ssyncadd.s32 $0xFFFFD800  }
0x47: {  	s2 =	sadd.s32 $0x0, s18;
	[bflag:$0x0] =	sbarrier.arrive $0xFFFF  }
0x48: {  	[tilespmem:s3], [sflag:$0x3] =	stream.linear.gather [hbm4b:s2+s3], $0x50, $0x38;
	[tilespmem:$0x19200] =	vst v63  }
0x49: {  	_ =	swait.ge [sflag:s22], $0x50  }
0x4a: {  	[sflag:s22] =	ssyncset.done $0x0  }
0x4b: {  	s6 =	sadd.s32 $0x0, s17;
	[sflag:s22] =	ssyncadd.s32 $0xFFFFFFB0  }
0x4c: {  	[tilespmem:s23], [sflag:$0x3] =	stream.linear.gather [hbm4b:s6+s3], $0x50, $0x38;
	[tilespmem:$0x19200] =	vst v63  }
0x4d: {  	_ =	swait.ge [sflag:s22], $0x50  }
0x4e: {  	[sflag:s22] =	ssyncset.done $0x0  }
0x4f: {  	[sflag:s22] =	ssyncadd.s32 $0xFFFFFFB0  }
0x50: {  	[tilespmem:s21], [sflag:$0x1] =	stream.indirect.gather [hbm4b:s4+s24], $0x80, s3, s24, $0xb8;
	[tilespmem:$0x19200] =	vst v63  }
0x51: {  	_ =	swait.ge [sflag:s25], $0x2800  }
0x52: {  	[sflag:s25] =	ssyncset.done $0x0  }
0x53: {  	[sflag:s25] =	ssyncadd.s32 $0xFFFFD800  }
0x54: {  	[spmem:s1] =	stream.indirect.scatter.add.f32 [tilespmem:s21], [sflag:$0x3], $0x80, s23, s24, $0xb8;
	[tilespmem:$0x19200] =	vst v63  }
0x55: {  	_ =	swait.ge [sflag:s22], $0x2800  }
0x56: {  	[sflag:s22] =	ssyncset.done $0x0  }
0x57: {  	s7 =	sadd.s32 $0x0, s20;
	[sflag:s22] =	ssyncadd.s32 $0xFFFFD800  }
0x58: {  	[tilespmem:s26], [sflag:$0x3] =	stream.linear.gather [hbm4b:s7+s3], $0x50, $0x38;
	[tilespmem:$0x19200] =	vst v63  }
0x59: {  	_ =	swait.ge [sflag:s22], $0x50  }
0x5a: {  	[sflag:s22] =	ssyncset.done $0x0  }
0x5b: {  	s8 =	sadd.s32 $0x0, s19;
	[sflag:s22] =	ssyncadd.s32 $0xFFFFFFB0  }
0x5c: {  	[tilespmem:s28], [sflag:$0x3] =	stream.linear.gather [hbm4b:s8+s3], $0x50, $0x38;
	[tilespmem:$0x19200] =	vst v63  }
0x5d: {  	_ =	swait.ge [sflag:s22], $0x50  }
0x5e: {  	[sflag:s22] =	ssyncset.done $0x0  }
0x5f: {  	[sflag:s22] =	ssyncadd.s32 $0xFFFFFFB0  }
0x60: {  	[tilespmem:s29], [sflag:$0x2] =	stream.indirect.gather [hbm4b:s4+s24], $0x80, s26, s24, $0xb8;
	[tilespmem:$0x19200] =	vst v63  }
0x61: {  	_ =	swait.ge [sflag:s30], $0x2800  }
0x62: {  	[sflag:s30] =	ssyncset.done $0x0  }
0x63: {  	[sflag:s30] =	ssyncadd.s32 $0xFFFFD800  }
0x64: {  	[spmem:s1] =	stream.indirect.scatter.add.f32 [tilespmem:s29], [sflag:$0x3], $0x80, s28, s24, $0xb8;
	[tilespmem:$0x19200] =	vst v63  }
0x65: {  	_ =	swait.ge [sflag:s22], $0x2800  }
0x66: {  	s0 =	simm.s32 $0x14;
	s2 =	simm.s32 $0x28;
	[sflag:s22] =	ssyncset.done $0x0  }
.LBB2_4:
0x67: {  	s7 =	sadd.s32 s0, s18  }
0x68: {  	[sflag:s22] =	ssyncadd.s32 $0xFFFFD800;
	s8 =	smov.u32 s2;
	s6 =	sadd.s32 $0x14, s2  }
0x69: {  	[tilespmem:s3], [sflag:$0x3] =	stream.linear.gather [hbm4b:s7+s3], $0x50, $0x38;
	[tilespmem:$0x19200] =	vst v63  }
0x6a: {  	p0 =	sne.s32 s2, $0x4C4;
	_ =	swait.ge [sflag:s22], $0x50  }
0x6b: {  	[sflag:s22] =	ssyncset.done $0x0  }
0x6c: {  	s2 =	sadd.s32 s0, s17;
	[sflag:s22] =	ssyncadd.s32 $0xFFFFFFB0  }
0x6d: {  	[tilespmem:s23], [sflag:$0x3] =	stream.linear.gather [hbm4b:s2+s3], $0x50, $0x38;
	[tilespmem:$0x19200] =	vst v63  }
0x6e: {  	_ =	swait.ge [sflag:s22], $0x50  }
0x6f: {  	[sflag:s22] =	ssyncset.done $0x0  }
0x70: {  	[sflag:s22] =	ssyncadd.s32 $0xFFFFFFB0  }
0x71: {  	[tilespmem:s21], [sflag:$0x1] =	stream.indirect.gather [hbm4b:s4+s24], $0x80, s3, s24, $0xb8;
	[tilespmem:$0x19200] =	vst v63  }
0x72: {  	_ =	swait.ge [sflag:s25], $0x2800  }
0x73: {  	[sflag:s25] =	ssyncset.done $0x0  }
0x74: {  	[sflag:s25] =	ssyncadd.s32 $0xFFFFD800  }
0x75: {  	[spmem:s1] =	stream.indirect.scatter.add.f32 [tilespmem:s21], [sflag:$0x3], $0x80, s23, s24, $0xb8;
	[tilespmem:$0x19200] =	vst v63  }
0x76: {  	_ =	swait.ge [sflag:s22], $0x2800  }
0x77: {  	[sflag:s22] =	ssyncset.done $0x0  }
0x78: {  	s2 =	sadd.s32 s0, s20;
	[sflag:s22] =	ssyncadd.s32 $0xFFFFD800  }
0x79: {  	[tilespmem:s26], [sflag:$0x3] =	stream.linear.gather [hbm4b:s2+s3], $0x50, $0x38;
	[tilespmem:$0x19200] =	vst v63  }
0x7a: {  	_ =	swait.ge [sflag:s22], $0x50  }
0x7b: {  	[sflag:s22] =	ssyncset.done $0x0  }
0x7c: {  	s2 =	sadd.s32 s0, s19;
	s0 =	smov.u32 s8;
	[sflag:s22] =	ssyncadd.s32 $0xFFFFFFB0  }
0x7d: {  	[tilespmem:s28], [sflag:$0x3] =	stream.linear.gather [hbm4b:s2+s3], $0x50, $0x38;
	[tilespmem:$0x19200] =	vst v63  }
0x7e: {  	_ =	swait.ge [sflag:s22], $0x50  }
0x7f: {  	[sflag:s22] =	ssyncset.done $0x0  }
0x80: {  	[sflag:s22] =	ssyncadd.s32 $0xFFFFFFB0  }
0x81: {  	[tilespmem:s29], [sflag:$0x2] =	stream.indirect.gather [hbm4b:s4+s24], $0x80, s26, s24, $0xb8;
	[tilespmem:$0x19200] =	vst v63  }
0x82: {  	_ =	swait.ge [sflag:s30], $0x2800  }
.Ltmp1:
0x83: {  	[sflag:s30] =	ssyncset.done $0x0;
	(pc) =	sbr.rel @p0 .LBB2_4-.Ltmp1, $4  }
0x84: {  	[sflag:s30] =	ssyncadd.s32 $0xFFFFD800  }
0x85: {  	[spmem:s1] =	stream.indirect.scatter.add.f32 [tilespmem:s29], [sflag:$0x3], $0x80, s28, s24, $0xb8;
	[tilespmem:$0x19200] =	vst v63  }
0x86: {  	_ =	swait.ge [sflag:s22], $0x2800  }
0x87: {  	s2 =	smov.u32 s6;
	[sflag:s22] =	ssyncset.done $0x0  }
0x88: {  	s2 =	sadd.s32 s0, s18;
	[sflag:s22] =	ssyncadd.s32 $0xFFFFD800  }
0x89: {  	[tilespmem:s3], [sflag:$0x3] =	stream.linear.gather [hbm4b:s2+s3], $0x50, $0x38;
	[tilespmem:$0x19200] =	vst v63  }
0x8a: {  	_ =	swait.ge [sflag:s22], $0x50  }
0x8b: {  	[sflag:s22] =	ssyncset.done $0x0  }
0x8c: {  	s7 =	sadd.s32 s0, s17;
	[sflag:s22] =	ssyncadd.s32 $0xFFFFFFB0  }
0x8d: {  	[tilespmem:s23], [sflag:$0x3] =	stream.linear.gather [hbm4b:s7+s3], $0x50, $0x38;
	[tilespmem:$0x19200] =	vst v63  }
0x8e: {  	_ =	swait.ge [sflag:s22], $0x50  }
0x8f: {  	[sflag:s22] =	ssyncset.done $0x0  }
0x90: {  	[sflag:s22] =	ssyncadd.s32 $0xFFFFFFB0  }
0x91: {  	[tilespmem:s21], [sflag:$0x1] =	stream.indirect.gather [hbm4b:s4+s24], $0x80, s3, s24, $0xb8;
	[tilespmem:$0x19200] =	vst v63  }
0x92: {  	_ =	swait.ge [sflag:s25], $0x2800  }
0x93: {  	[sflag:s25] =	ssyncset.done $0x0  }
0x94: {  	[sflag:s25] =	ssyncadd.s32 $0xFFFFD800  }
0x95: {  	[spmem:s1] =	stream.indirect.scatter.add.f32 [tilespmem:s21], [sflag:$0x3], $0x80, s23, s24, $0xb8;
	[tilespmem:$0x19200] =	vst v63  }
0x96: {  	_ =	swait.ge [sflag:s22], $0x2800  }
0x97: {  	[sflag:s22] =	ssyncset.done $0x0  }
0x98: {  	s8 =	sadd.s32 s0, s20;
	[sflag:s22] =	ssyncadd.s32 $0xFFFFD800  }
0x99: {  	[tilespmem:s26], [sflag:$0x3] =	stream.linear.gather [hbm4b:s8+s3], $0x50, $0x38;
	[tilespmem:$0x19200] =	vst v63  }
0x9a: {  	_ =	swait.ge [sflag:s22], $0x50  }
0x9b: {  	[sflag:s22] =	ssyncset.done $0x0  }
0x9c: {  	s6 =	sadd.s32 s0, s19;
	[sflag:s22] =	ssyncadd.s32 $0xFFFFFFB0  }
0x9d: {  	[tilespmem:s28], [sflag:$0x3] =	stream.linear.gather [hbm4b:s6+s3], $0x50, $0x38;
	[tilespmem:$0x19200] =	vst v63  }
0x9e: {  	_ =	swait.ge [sflag:s22], $0x50  }
0x9f: {  	[sflag:s22] =	ssyncset.done $0x0  }
0xa0: {  	[sflag:s22] =	ssyncadd.s32 $0xFFFFFFB0  }
0xa1: {  	[tilespmem:s29], [sflag:$0x2] =	stream.indirect.gather [hbm4b:s4+s24], $0x80, s26, s24, $0xb8;
	[tilespmem:$0x19200] =	vst v63  }
0xa2: {  	_ =	swait.ge [sflag:s30], $0x2800  }
0xa3: {  	[sflag:s30] =	ssyncset.done $0x0  }
0xa4: {  	[sflag:s30] =	ssyncadd.s32 $0xFFFFD800  }
0xa5: {  	[spmem:s1] =	stream.indirect.scatter.add.f32 [tilespmem:s29], [sflag:$0x3], $0x80, s28, s24, $0xb8;
	[tilespmem:$0x19200] =	vst v63  }
0xa6: {  	_ =	swait.ge [sflag:s22], $0x2800  }
0xa7: {  	[sflag:s22] =	ssyncset.done $0x0  }
0xa8: {  	[sflag:s22] =	ssyncadd.s32 $0xFFFFD800  }
0xa9: {  	[tilespmem:s3], [sflag:$0x3] =	stream.linear.gather [hbm4b:s13+s3], $0x50, $0x38;
	[tilespmem:$0x19200] =	vst v63  }
0xaa: {  	_ =	swait.ge [sflag:s22], $0x50  }
0xab: {  	[sflag:s22] =	ssyncset.done $0x0  }
0xac: {  	[sflag:s22] =	ssyncadd.s32 $0xFFFFFFB0  }
0xad: {  	[tilespmem:s23], [sflag:$0x3] =	stream.linear.gather [hbm4b:s14+s3], $0x50, $0x38;
	[tilespmem:$0x19200] =	vst v63  }
0xae: {  	_ =	swait.ge [sflag:s22], $0x50  }
0xaf: {  	[sflag:s22] =	ssyncset.done $0x0  }
0xb0: {  	[sflag:s22] =	ssyncadd.s32 $0xFFFFFFB0  }
0xb1: {  	[tilespmem:s21], [sflag:$0x1] =	stream.indirect.gather [hbm4b:s4+s24], $0x80, s3, s24, $0xb8;
	[tilespmem:$0x19200] =	vst v63  }
0xb2: {  	_ =	swait.ge [sflag:s25], $0x2800  }
0xb3: {  	[sflag:s25] =	ssyncset.done $0x0  }
0xb4: {  	[sflag:s25] =	ssyncadd.s32 $0xFFFFD800  }
0xb5: {  	[spmem:s1] =	stream.indirect.scatter.add.f32 [tilespmem:s21], [sflag:$0x3], $0x80, s23, s24, $0xb8;
	[tilespmem:$0x19200] =	vst v63  }
0xb6: {  	s7 =	stileid.u32;
	_ =	swait.ge [sflag:s22], $0x2800  }
0xb7: {  	s31 =	sadd.s32 $0x1, s31;
	s0 =	sshll.u32 s7, $0x6;
	[sflag:s22] =	ssyncset.done $0x0  }
0xb8: {  	p0 =	sne.s32 s31, s16;
	s0 =	sor.u32 $0x1C03, s0;
	[sflag:s22] =	ssyncadd.s32 $0xFFFFD800  }
.Ltmp2:
0xb9: {  	s8 =	sshrl.u32 s5, $0x3;
	[bflag:$0x0] =	sbarrier.arrive $0xFFFF;
	(pc) =	sbr.rel @p0 .LBB2_1-.Ltmp2, $4  }
0xba: {  	[hbm:s15], [sflag:s0] =	dma.local [spmem:s8], $0x2800  }
0xbb: {  	_ =	swait.ge [sflag:s22], $0x2800  }
0xbc: {  	[sflag:s22] =	ssyncset.done $0x0  }
0xbd: {  	[sflag:s22] =	ssyncadd.s32 $0xFFFFD800  }
0xbe: {  	_ =	sfence.sel $0x180000  }
0xbf: {  	[bflag:$0x0] =	sbarrier.arrive $0xFFFF  }
0xc0: {  	_ =	strace $0x9000004D  }
0xc1: {  	s0 =	stileid.u32;
	[bflag:$0x2] =	sbarrier.arrive $0xFFFF  }
0xc2: {  	p0 =	sne.s32 s0, $0x0;
	s0 =	rddreg [dreg:$0x2]  }
0xc3: {  	s0 =	sadd.s32 @!p0 $0x100000, s0  }
0xc4: {  	[sflag:s0] =	ssyncadd.tile.s32 @!p0 $0x1;
	_ =	shalt  }
.Lfunc_end2:
_tile_overlayer_lowered:
.L_overlay_start_2:
0xc5: {  	(tag) =	ssettag $0x2  }
0xc6: {  	s0 =	rddreg [dreg:$0x0];
	s2 =	stileid.u32  }
0xc7: {  	s1 =	rddreg [dreg:$0x1];
	p0 =	sne.s32 s2, $0x0  }
0xc8: {  	s3 =	rddreg [dreg:$0x2];
	[bflag:$0x3] =	sbarrier.arrive $0xFFFF;
	s2 =	simm.s32 @!p0 $0x1C03  }
0xc9: {  	[timem:s3], [sflag:s2] =	dma.local @!p0 [hbm:s0], s1  }
0xca: {  	s0 =	simm.s32 @!p0 $0x3  }
0xcb: {  	_ =	swait.ge @!p0 [sflag:s0], s1  }
0xcc: {  	s1 =	ssub.s32 @!p0 $0x0, s1;
	[sflag:s0] =	ssyncset.done @!p0 $0x0  }
0xcd: {  	[sflag:s0] =	ssyncadd.s32 @!p0 s1  }
0xce: {  	[bflag:$0x3] =	sbarrier.arrive $0xFFFF  }
0xcf: {  	_ =	shalt  }

// kernel: kernel.8.cloned.1.call-start
scs
__scs_entry_jumppad:
0x0: {  	(pc) =	sbr.rel $0x88, $3  }
0x1: {  	(tag) =	ssettag $0x0;
	lr =	simm.s32 $0x1  }
0x2: {  	[smem:$0x3F96] =	sst lr;
	_ =	strace $0xD0000000  }
0x3: {  	_ = 	snop  }
0x4: {  	_ = 	snop  }
0x5: {  	_ = 	snop  }
0x6: {  	_ = 	snop  }
0x7: {  	_ = 	snop  }
__scs_overlays_trampoline_lowered:
0x8: {  	[smem:$0x3FA5] =	sst s0  }
0x9: {  	[smem:$0x3FA6] =	sst s1  }
0xa: {  	[smem:$0x3FA7] =	sst s2  }
0xb: {  	[smem:$0x3FA8] =	sst s3  }
0xc: {  	[smem:$0x3FA9] =	sst s4  }
0xd: {  	[smem:$0x3FAA] =	sst s5  }
0xe: {  	[smem:$0x3FAB] =	sst s6  }
0xf: {  	[smem:$0x3FAC] =	sst s7  }
0x10: {  	[smem:$0x3FAD] =	sst s8  }
0x11: {  	[smem:$0x3FAE] =	sst s9;
	s0 =	simm.s32 @!p0 $0x0  }
0x12: {  	s1 =	sld [smem:$0x3F94];
	s0 =	simm.s32 @p0 $0x1  }
0x13: {  	[smem:$0x3FAF] =	sst s0;
	s0 =	simm.s32 @!p1 $0x0  }
0x14: {  	s2 =	sld [smem:$0x3F93];
	s0 =	simm.s32 @p1 $0x1  }
0x15: {  	[smem:$0x3FB0] =	sst s0;
	s0 =	simm.s32 @!p2 $0x0  }
0x16: {  	s3 =	sld [smem:$0x3FDB];
	s0 =	simm.s32 @p2 $0x1  }
0x17: {  	s4 =	simm.s32 $0x1BF5;
	[smem:$0x3FB2] =	sst s0  }
0x18: {  	s0 =	sld [smem:$0x3F95];
	_ =	swait.ge [sflag:s4], $0x0  }
0x19: {  	s7 =	sld [smem:$0x3F96]  }
0x1a: {  	s8 =	sadd.s32 $0xFFFFE003, lr  }
0x1b: {  	s9 =	sadd.s32 $0xFFFFFEF7, lr;
	s5 =	simm.s32 $0xFFFFFFFF;
	p2 =	slt.u32 s8, $0xFFFFF086  }
0x1c: {  	p1 =	slt.u32 s9, $0xF7A;
	s5 =	simm.s32 @!p2 $0x0  }
0x1d: {  	s5 =	simm.s32 @p1 $0x1;
	p0 =	seq.s32 s7, s2  }
0x1e: {  	s7 =	smul.u32 @!p0 $0xF7A, s2;
	p2 =	seq.s32 @!p0 s5, $0x0  }
0x1f: {  	s9 =	smul.u32 $0xF7A, s1;
	s8 =	simm.s32 @!p0 $0x1BF5;
	p2 =	por !p2, p0  }
0x20: {  	[sflag:s8] =	ssyncset.s32 @!p0 $0xFFFFF086;
	s6 =	sadd.s32 @!p0 s3, s7;
	s7 =	simm.s32 @!p0 $0x108  }
0x21: {  	s3 =	sadd.s32 s3, s9;
	s6 =	sadd.s32 @!p0 $0x88, s6;
	s7 =	simm.s32 @p2 $0x1082  }
0x22: {  	[simem:s7], [sflag:s8] =	dma.local @!p0 [hbm:s6], $0xF7A  }
0x23: {  	s9 =	sor.u32 $0xD0000000, s2;
	s6 =	simm.s32 $0x108;
	_ =	swait.ge @!p0 [sflag:s8], $0x0  }
0x24: {  	s3 =	sadd.s32 $0x88, s3;
	s6 =	simm.s32 @!p1 $0x1082;
	[sflag:s4] =	ssyncset.s32 $0xFFFFF086  }
0x25: {  	[simem:s6], [sflag:s4] =	dma.local [hbm:s3], $0xF7A  }
0x26: {  	[smem:$0x3F96] =	sst s1;
	(tag) =	ssettag s2;
	_ =	strace s9  }
0x27: {  	s1 =	sld [smem:$0x3FA6]  }
0x28: {  	s2 =	sld [smem:$0x3FA7]  }
0x29: {  	s4 =	sld [smem:$0x3FA9]  }
0x2a: {  	p0 =	seq.s32 s5, $0x0;
	s5 =	sld [smem:$0x3FAA]  }
0x2b: {  	s6 =	sld [smem:$0x3FAB]  }
0x2c: {  	s7 =	sld [smem:$0x3FAC]  }
0x2d: {  	s3 =	simm.s32 $0x108;
	s8 =	sld [smem:$0x3FAD]  }
0x2e: {  	s3 =	simm.s32 @!p0 $0x1082;
	s9 =	sld [smem:$0x3FAE]  }
0x2f: {  	lr =	sadd.s32 s0, s3;
	s0 =	sld [smem:$0x3FA5]  }
0x30: {  	s3 =	sld [smem:$0x3FA8]  }
0x31: {  	[smem:$0x3FB1] =	sst s10  }
0x32: {  	s10 =	sld [smem:$0x3FAF];
	_ =	sdelay $0x3  }
0x33: {  	p0 =	seq.s32 s10, $0x1;
	s10 =	sld [smem:$0x3FB1];
	_ =	sdelay $0x3  }
0x34: {  	[smem:$0x3FB1] =	sst s10  }
0x35: {  	s10 =	sld [smem:$0x3FB0];
	_ =	sdelay $0x3  }
0x36: {  	p1 =	seq.s32 s10, $0x1;
	s10 =	sld [smem:$0x3FB1];
	_ =	sdelay $0x3  }
0x37: {  	[smem:$0x3FB1] =	sst s10  }
0x38: {  	s10 =	sld [smem:$0x3FB2]  }
0x39: {  	_ = 	snop;
	(pc) =	sbr.ind lr, $3  }
0x3a: {  	_ = 	snop  }
0x3b: {  	_ = 	snop  }
0x3c: {  	p2 =	seq.s32 s10, $0x1;
	s10 =	sld [smem:$0x3FB1]  }
0x3d: {  	_ =	shalt  }
0x3e: {  	_ =	shalt  }
0x3f: {  	_ =	shalt  }
0x40: {  	_ =	shalt  }
0x41: {  	_ =	shalt  }
0x42: {  	_ =	shalt  }
0x43: {  	_ =	shalt  }
0x44: {  	_ =	shalt  }
0x45: {  	_ =	shalt  }
0x46: {  	_ =	shalt  }
0x47: {  	_ =	shalt  }
0x48: {  	_ =	shalt  }
0x49: {  	_ =	shalt  }
0x4a: {  	_ =	shalt  }
0x4b: {  	_ =	shalt  }
0x4c: {  	_ =	shalt  }
0x4d: {  	_ =	shalt  }
0x4e: {  	_ =	shalt  }
0x4f: {  	_ =	shalt  }
0x50: {  	_ =	shalt  }
0x51: {  	_ =	shalt  }
0x52: {  	_ =	shalt  }
0x53: {  	_ =	shalt  }
0x54: {  	_ =	shalt  }
0x55: {  	_ =	shalt  }
0x56: {  	_ =	shalt  }
0x57: {  	_ =	shalt  }
0x58: {  	_ =	shalt  }
0x59: {  	_ =	shalt  }
0x5a: {  	_ =	shalt  }
0x5b: {  	_ =	shalt  }
0x5c: {  	_ =	shalt  }
0x5d: {  	_ =	shalt  }
0x5e: {  	_ =	shalt  }
0x5f: {  	_ =	shalt  }
0x60: {  	_ =	shalt  }
0x61: {  	_ =	shalt  }
0x62: {  	_ =	shalt  }
0x63: {  	_ =	shalt  }
0x64: {  	_ =	shalt  }
0x65: {  	_ =	shalt  }
0x66: {  	_ =	shalt  }
0x67: {  	_ =	shalt  }
0x68: {  	_ =	shalt  }
0x69: {  	_ =	shalt  }
0x6a: {  	_ =	shalt  }
0x6b: {  	_ =	shalt  }
0x6c: {  	_ =	shalt  }
0x6d: {  	_ =	shalt  }
0x6e: {  	_ =	shalt  }
0x6f: {  	_ =	shalt  }
0x70: {  	_ =	shalt  }
0x71: {  	_ =	shalt  }
0x72: {  	_ =	shalt  }
0x73: {  	_ =	shalt  }
0x74: {  	_ =	shalt  }
0x75: {  	_ =	shalt  }
0x76: {  	_ =	shalt  }
0x77: {  	_ =	shalt  }
0x78: {  	_ =	shalt  }
0x79: {  	_ =	shalt  }
0x7a: {  	_ =	shalt  }
0x7b: {  	_ =	shalt  }
0x7c: {  	_ =	shalt  }
0x7d: {  	_ =	shalt  }
0x7e: {  	_ =	shalt  }
0x7f: {  	_ =	shalt  }
0x80: {  	_ =	shalt  }
0x81: {  	_ =	shalt  }
0x82: {  	_ =	shalt  }
0x83: {  	_ =	shalt  }
0x84: {  	_ =	shalt  }
0x85: {  	_ =	shalt  }
0x86: {  	_ =	shalt  }
0x87: {  	_ =	shalt  }
.Lfunc_end0:
.L_simem_size_0:
called_computation_lowered:
.L_overlay_start_0:
0x88: {  	s2 =	sld [smem:$0x3FD9]  }
0x89: {  	s3 =	sld [smem:$0x3FFE];
	_ =	sdelay $0x1  }
0x8a: {  	s1 =	srdreg.scid  }
0x8b: {  	s0 =	sand.u32 $0x1, s1  }
0x8c: {  	s16 =	sshll.u32 s0, $0xA;
	s2 =	sadd.s32 s3, s2  }
0x8d: {  	s2 =	sadd.s32 s2, s16  }
0x8e: {  	[smem:$0x3FBD] =	sst s2  }
0x8f: {  	_ = 	snop  }
0x90: {  	(tm) =	ssettm $0x1  }
0x91: {  	s17 =	sld [smem:$0x3FFB];
	_ =	sdelay $0x3  }
0x92: {  	_ =	strace s17  }
0x93: {  	s2 =	sld [smem:$0x3FFC];
	_ =	sdelay $0x3  }
0x94: {  	_ =	strace s2  }
0x95: {  	s2 =	sld [smem:$0x3FFD];
	_ =	sdelay $0x3  }
0x96: {  	_ =	strace s2  }
0x97: {  	_ =	strace $0x8FFFFFFF  }
0x98: {  	s18 =	sld [smem:$0x3FDB];
	_ =	sdelay $0x1  }
0x99: {  	s19 =	simm.s32 $_scs_section_size  }
0x9a: {  	s4 =	simm.s32 $_size__tile_overlayer_lowered;
	s5 =	simm.s32 $_tile_overlayer_lowered  }
0x9b: {  	s22 =	simm.s32 $0x1BFF;
	s21 =	sshll.u32 s5, $0x1;
	s2 =	sadd.s32 s19, s18  }
0x9c: {  	s6 =	simm.s32 $0x0;
	s20 =	sshll.u32 s4, $0x1;
	s4 =	sadd.s32 s21, s2  }
0x9d: {  	[timem:s6], [sflag:s22] =	dma.local [hbm:s4], s20  }
0x9e: {  	_ =	swait.ge [sflag:s22], s20  }
0x9f: {  	s3 =	ssub.s32 $0x0, s20;
	[sflag:s22] =	ssyncset.done $0x0  }
0xa0: {  	[sflag:s22] =	ssyncadd.s32 s3;
	_ =	sdelay $0x1  }
0xa1: {  	s23 =	simm.s32 $0x1B8B  }
0xa2: {  	_ =	swait.ge [sflag:s23], $0x1  }
0xa3: {  	[sflag:s23] =	ssyncset.done $0x0  }
0xa4: {  	s25 =	simm.s32 $0x1B8E;
	s24 =	sld [smem:$0x3FFE];
	[sflag:s23] =	ssyncadd.s32 $0xFFFFFFFF  }
0xa5: {  	s26 =	simm.s32 $execute0_lowered;
	[smem:$0x3FD2] =	sst s25  }
0xa6: {  	s4 =	sshll.u32 s26, $0x1;
	_ =	strace $0x80000046;
	[dreg:$0x1] =	wrdreg $0xFFFFFFFF  }
0xa7: {  	s28 =	simm.s32 $_size_execute0_lowered;
	s2 =	sadd.s32 s2, s4;
	[dreg:$0x0] =	wrdreg $0x0  }
0xa8: {  	s4 =	sshll.u32 s28, $0x1;
	[dreg:$0x2] =	wrdreg s2  }
0xa9: {  	[dreg:$0x3] =	wrdreg s4  }
0xaa: {  	[dreg:$0x4] =	wrdreg $0xC0  }
0xab: {  	_ =	task [dreg:s6], $0x5FFFF  }
0xac: {  	[dreg:$0x1] =	wrdreg $0xFFFFFFFF  }
0xad: {  	[dreg:$0x0] =	wrdreg $0x60  }
0xae: {  	[dreg:$0x2] =	wrdreg s24  }
0xaf: {  	[dreg:$0x3] =	wrdreg $0xA8000  }
0xb0: {  	[dreg:$0x4] =	wrdreg $0x9  }
0xb1: {  	_ =	task.clear_ibuf [dreg:s6], $0x5FFFF;
	_ =	strace $0x90000046  }
0xb2: {  	s29 =	simm.s32 $0x9;
	_ =	strace $0x80000048  }
0xb3: {  	_ =	swait.ge [sflag:s29], $0x1  }
0xb4: {  	[sflag:s29] =	ssyncadd.s32 $0xFFFFFFFF  }
0xb5: {  	_ =	strace $0x90000048  }
0xb6: {  	_ =	sfence  }
0xb7: {  	s30 =	sld [smem:$0x0];
	_ =	sdelay $0x2  }
0xb8: {  	s31 =	sshll.u32 s1, $0xD;
	s1 =	sshrl.u32 s1, $0x2  }
0xb9: {  	s3 =	sand.u32 $0x4000, s31;
	s1 =	sadd.s32 s1, s30  }
0xba: {  	s0 =	sor.u32 s3, s0;
	s1 =	sshll.u32 s1, $0x11  }
0xbb: {  	s0 =	sor.u32 s1, s0  }
0xbc: {  	s0 =	sadd.s32 $0x8F2B, s0  }
0xbd: {  	[sflag:s0] =	ssyncadd.remote.s32 $0x1  }
0xbe: {  	_ =	sfence.sel $0xFFFF  }
0xbf: {  	[dreg:$0x0] =	wrdreg $0xFFFFFFFF;
	(pc) =	sbr.abs _section_cstart, $3  }
0xc0: {  	[dreg:$0x1] =	wrdreg $0xFFFFFFFF  }
0xc1: {  	_ =	task.clear_ibuf [dreg:s6], $0x2FFFF;
	_ =	strace $0x9FFFFFFF  }
0xc2: {  	(tm) =	ssettm $0x7FFFFFFF  }
0xc3: {  	_ =	shalt  }
tec
execute0_lowered:
.L_overlay_start_1:
0x0: {  	(tag) =	ssettag $0x1  }
0x1: {  	s5 =	rddreg [dreg:$0x0]  }
0x2: {  	s0 =	srdreg.scid;
	s2 =	rddreg [dreg:$0x1]  }
0x3: {  	s3 =	simm.s32 $0x0;
	s12 =	simm.s32 $0x1;
	s13 =	simm.s32 $0x6800  }
0x4: {  	s14 =	simm.s32 $0x80;
	s15 =	simm.s32 $0x2800;
	s4 =	sand.u32 $0x1, s0  }
0x5: {  	s18 =	simm.s32 $0x0;
	s0 =	stileid.u32;
	s7 =	smul.u32 $0x140000, s4  }
0x6: {  	[smem:$0x7FF] =	sst s3;
	s1 =	sshll.u32 s4, $0x4;
	s8 =	smul.u32 $0x14000, s0  }
0x7: {  	s9 =	smul.u32 $0x50000, s0;
	s4 =	ssub.s32 $0x2, s4;
	s16 =	sshll.u32 s0, $0x6  }
0x8: {  	s1 =	sor.u32 s0, s1;
	s31 =	sshrl.u32 s4, $0x1;
	s16 =	sor.u32 $0x1C01, s16  }
0x9: {  	s6 =	smul.u32 $0x500, s1;
	s1 =	rddreg [dreg:$0x2];
	_ =	strace $0x80000047  }
0xa: {  	s7 =	sadd.s32 s8, s7;
	s9 =	sshrl.u32 s9, $0x2;
	s11 =	ssub.s32 s4, s31  }
0xb: {  	s7 =	sshrl.u32 s7, $0x3;
	s4 =	sadd.s32 s9, s2;
	s11 =	smax.u32 s11, $0x1  }
0xc: {  	s6 =	sadd.s32 s6, s5;
	s10 =	sadd.s32 s7, s5;
	s7 =	sadd.s32 $0x8000, s4  }
0xd: {  	s8 =	sadd.s32 $0xC000, s4;
	s9 =	sadd.s32 $0x10000, s4;
	s17 =	sshrl.u32 s4, $0x3  }
0xe: {  	v0 =	vimm.f32 $1.000000000e+00;
	v1 =	vimm.f32 $0.0e+00;
	s5 =	sadd.s32 $0x17400, s6;
	s6 =	sadd.s32 $0x4000, s4;
	s10 =	sadd.s32 $0x21400, s10  }
.LBB2_1:
0xf: {  	[tilespmem:s3], [sflag:$0x1] =	stream.linear.gather [hbm4b:s5+s3], $0x2800, $0x38;
	[tilespmem:$0xD000] =	vst v63  }
0x10: {  	_ =	swait.ge [sflag:s12], $0x2800  }
0x11: {  	[sflag:s12] =	ssyncset.done $0x0  }
0x12: {  	s19 =	simm.s32 $0x0;
	[sflag:s12] =	ssyncadd.s32 $0xFFFFD800  }
.LBB2_2:
0x13: {  	p0 =	sne.s32 s19, $0xFE00  }
.Ltmp0:
0x14: {  	_ = 	snop;
	(pc) =	sbr.rel @p0 .LBB2_2-.Ltmp0, $3  }
0x15: {  	_ =	sdelay $0x1  }
0x16: {  	s20 =	sshra.s32 s19, $0x2  }
0x17: {  	s19 =	sadd.s32 $0x200, s19;
	[tilespmem:s20+$0x2800] =	vst v0  }
0x18: {  	s19 =	simm.s32 $0x200;
	s20 =	simm.s32 $0x0  }
.LBB2_4:
0x19: {  	p0 =	sne.s32 s19, $0xFE00;
	[tilespmem:s20+$0x6800] =	vst v1;
	s20 =	smov.u32 s19;
	s19 =	sadd.s32 $0x200, s19  }
.Ltmp1:
0x1a: {  	(pc) =	sbr.rel @p0 .LBB2_4-.Ltmp1, $2  }
0x1b: {  	_ =	sdelay $0x2  }
0x1c: {  	s20 =	sshra.s32 s20, $0x2  }
0x1d: {  	[tilespmem:s20+$0x6800] =	vst v1  }
0x1e: {  	[spmem:s4] =	stream.linear.scatter [tilespmem:s13], [sflag:$0x1], $0x4000, $0x38;
	[tilespmem:$0xD000] =	vst v63  }
0x1f: {  	_ =	swait.ge [sflag:s12], $0x4000  }
0x20: {  	[sflag:s12] =	ssyncset.done $0x0  }
0x21: {  	[sflag:s12] =	ssyncadd.s32 $0xFFFFC000  }
0x22: {  	[spmem:s6] =	stream.linear.scatter [tilespmem:s13], [sflag:$0x1], $0x4000, $0x38;
	[tilespmem:$0xD000] =	vst v63  }
0x23: {  	_ =	swait.ge [sflag:s12], $0x4000  }
0x24: {  	[sflag:s12] =	ssyncset.done $0x0  }
0x25: {  	[sflag:s12] =	ssyncadd.s32 $0xFFFFC000  }
0x26: {  	[spmem:s7] =	stream.linear.scatter [tilespmem:s13], [sflag:$0x1], $0x4000, $0x38;
	[tilespmem:$0xD000] =	vst v63  }
0x27: {  	_ =	swait.ge [sflag:s12], $0x4000  }
0x28: {  	[sflag:s12] =	ssyncset.done $0x0  }
0x29: {  	[sflag:s12] =	ssyncadd.s32 $0xFFFFC000  }
0x2a: {  	[spmem:s8] =	stream.linear.scatter [tilespmem:s13], [sflag:$0x1], $0x4000, $0x38;
	[tilespmem:$0xD000] =	vst v63  }
0x2b: {  	_ =	swait.ge [sflag:s12], $0x4000  }
0x2c: {  	[sflag:s12] =	ssyncset.done $0x0  }
0x2d: {  	[sflag:s12] =	ssyncadd.s32 $0xFFFFC000  }
0x2e: {  	[spmem:s9] =	stream.linear.scatter [tilespmem:s13], [sflag:$0x1], $0x4000, $0x38;
	[tilespmem:$0xD000] =	vst v63  }
0x2f: {  	_ =	swait.ge [sflag:s12], $0x4000  }
0x30: {  	[sflag:s12] =	ssyncset.done $0x0  }
0x31: {  	[sflag:s12] =	ssyncadd.s32 $0xFFFFC000  }
0x32: {  	s19 =	simm.s32 $0x0;
	[bflag:$0x0] =	sbarrier.arrive $0xFFFF  }
0x33: {  	[spmem:s2] =	stream.indirect.scatter.add.f32 [tilespmem:s15], [sflag:$0x1], $0x10, s19, s14, $0xb8;
	[tilespmem:$0xD000] =	vst v63  }
0x34: {  	_ =	swait.ge [sflag:s12], $0x800  }
0x35: {  	s19 =	simm.s32 $0x200;
	[sflag:s12] =	ssyncset.done $0x0  }
.LBB2_6:
0x36: {  	s20 =	sshra.s32 s19, $0x2;
	[sflag:s12] =	ssyncadd.s32 $0xFFFFF800;
	p0 =	sne.s32 s19, $0x9E00  }
0x37: {  	[spmem:s2] =	stream.indirect.scatter.add.f32 [tilespmem:s15], [sflag:$0x1], $0x10, s20, s14, $0xb8;
	[tilespmem:$0xD000] =	vst v63  }
.Ltmp2:
0x38: {  	_ = 	snop;
	(pc) =	sbr.rel @p0 .LBB2_6-.Ltmp2, $4  }
0x39: {  	_ = 	snop  }
0x3a: {  	s19 =	sadd.s32 $0x200, s19  }
0x3b: {  	_ =	swait.ge [sflag:s12], $0x800  }
0x3c: {  	[sflag:s12] =	ssyncset.done $0x0  }
0x3d: {  	s18 =	sadd.s32 $0x1, s18  }
0x3e: {  	[sflag:s12] =	ssyncadd.s32 $0xFFFFF800;
	p0 =	sne.s32 s18, s11  }
.Ltmp3:
0x3f: {  	[bflag:$0x0] =	sbarrier.arrive $0xFFFF;
	(pc) =	sbr.rel @p0 .LBB2_1-.Ltmp3, $4  }
0x40: {  	[hbm:s10], [sflag:s16] =	dma.local [spmem:s17], $0x2800  }
0x41: {  	_ =	swait.ge [sflag:s12], $0x2800  }
0x42: {  	[sflag:s12] =	ssyncset.done $0x0  }
0x43: {  	[sflag:s12] =	ssyncadd.s32 $0xFFFFD800  }
0x44: {  	_ =	sfence.sel $0x180000  }
0x45: {  	[bflag:$0x0] =	sbarrier.arrive $0xFFFF  }
0x46: {  	p0 =	sne.s32 s0, $0x0;
	_ =	strace $0x90000047  }
0x47: {  	s0 =	sadd.s32 @!p0 $0x100000, s1;
	[bflag:$0x2] =	sbarrier.arrive $0xFFFF  }
0x48: {  	[sflag:s0] =	ssyncadd.tile.s32 @!p0 $0x1;
	_ =	shalt  }
.Lfunc_end2:
_tile_overlayer_lowered:
.L_overlay_start_2:
0x49: {  	(tag) =	ssettag $0x2  }
0x4a: {  	s0 =	rddreg [dreg:$0x0];
	s2 =	stileid.u32  }
0x4b: {  	s1 =	rddreg [dreg:$0x1];
	p0 =	sne.s32 s2, $0x0  }
0x4c: {  	s3 =	rddreg [dreg:$0x2];
	[bflag:$0x3] =	sbarrier.arrive $0xFFFF;
	s2 =	simm.s32 @!p0 $0x1C01  }
0x4d: {  	[timem:s3], [sflag:s2] =	dma.local @!p0 [hbm:s0], s1  }
0x4e: {  	s0 =	simm.s32 @!p0 $0x1  }
0x4f: {  	_ =	swait.ge @!p0 [sflag:s0], s1  }
0x50: {  	s1 =	ssub.s32 @!p0 $0x0, s1;
	[sflag:s0] =	ssyncset.done @!p0 $0x0  }
0x51: {  	[sflag:s0] =	ssyncadd.s32 @!p0 s1  }
0x52: {  	[bflag:$0x3] =	sbarrier.arrive $0xFFFF  }
0x53: {  	_ =	shalt  }

</sc_bundles>
